<compile_context>
chip_gen: v7x
topology: tpu7x:2x2x1
jax: 0.10.2.dev20260603
libtpu: 0.0.44.dev20260713+nightly
codegen_flags: <defaults>
</compile_context>

<pallas_src>
import jax
import jax.numpy as jnp
from jax import lax
from jax.experimental import pallas as pl
from jax.experimental.pallas import tpu as pltpu
from jax.experimental.pallas import tpu_sc as plsc

_N = 10000
_E = 320000
_D = 128
_G = 64
_C = 16

_NC = 2
_NS = 16
_L = 16

_NP = 10240
_NPT = _NP // _NS
_EPT = _E // (_NC * _NS)
_KE = 80
_NCH = _EPT // _KE
_BLK = 5
_NSEG = 5
_SEGB = _NCH // _BLK // _NSEG
_SEGE = _EPT // _NSEG
_KG = 128
_LSZ = _SEGE + _KG
_G2 = 80
_NB = 5
_ACC_R = _NP + 32
_DUMP = _NP
_ZR = _ACC_R // _NS
_DR = _NP // _L
_DRT = _DR // _NS
_BT = 2048
_GRID = _NP // _BT


def _sc_body(src_hbm, dst_hbm, fm_hbm, gb_hbm, x_hbm, zero_hbm, zeroi_hbm,
             acc_out, deg_out, prow_out,
             acc_sh, hist_all, deg_sh, sel_sh,
             fm_loc, gb_loc, hist_loc, hist_tmp, med_loc, pg_loc,
             deg_loc, didx_loc, p_loc, sel_loc, sel_full,
             src_blk, dst_blk, list_src, list_dst, idx_stage,
             rows_v, sem):
  cid = lax.axis_index("c")
  sid = lax.axis_index("s")
  iota = lax.iota(jnp.int32, _L)
  zero_v = jnp.zeros((_L,), jnp.int32)

  pltpu.sync_copy(zero_hbm, acc_sh.at[pl.ds(sid * _ZR, _ZR)])
  pltpu.sync_copy(zeroi_hbm, deg_sh.at[pl.ds(sid * _DRT, _DRT)])

  pltpu.sync_copy(fm_hbm.at[pl.ds(sid * _NPT, _NPT)], fm_loc)
  pltpu.sync_copy(gb_hbm.at[pl.ds(sid * _NPT, _NPT)], gb_loc)

  def _zero_hist(i, _):
    hist_loc[pl.ds(i * _L, _L)] = zero_v
    return 0
  lax.fori_loop(0, (_NB * _G2) // _L, _zero_hist, 0)

  def _hist_chunk(i, _):
    f = fm_loc[pl.ds(i * _L, _L)]
    g = gb_loc[pl.ds(i * _L, _L)]
    binidx = f * _G2 + g
    cnt, last = plsc.scan_count(binidx)
    plsc.addupdate_scatter(hist_loc, [binidx], cnt, mask=last)
    return 0
  lax.fori_loop(0, _NPT // _L, _hist_chunk, 0)
  pltpu.sync_copy(hist_loc, hist_all.at[sid])

  plsc.subcore_barrier()

  pltpu.sync_copy(hist_all.at[0], hist_loc)
  for t in range(1, _NS):
    pltpu.sync_copy(hist_all.at[t], hist_tmp)

    def _sum_hist(i, _):
      hist_loc[pl.ds(i * _L, _L)] += hist_tmp[pl.ds(i * _L, _L)]
      return 0
    lax.fori_loop(0, (_NB * _G2) // _L, _sum_hist, 0)

  for j in range(_G2 // _L):
    c = [hist_loc[pl.ds(v * _G2 + j * _L, _L)] for v in range(_NB)]
    total = c[0]
    for v in range(1, _NB):
      total = total + c[v]
    k = lax.shift_right_arithmetic(total - 1, 1)
    cum = jnp.zeros((_L,), jnp.int32)
    med = jnp.zeros((_L,), jnp.int32)
    for v in range(_NB):
      cum = cum + c[v]
      med = med + (cum <= k).astype(jnp.int32)
    med_loc[pl.ds(j * _L, _L)] = med
    gidx = j * _L + iota
    cnt_sel = plsc.load_gather(hist_loc, [med * _G2 + gidx])
    pg = 1.0 / jnp.maximum(cnt_sel, 1).astype(jnp.float32)
    pg_loc[pl.ds(j * _L, _L)] = pg

  def _node_chunk(i, _):
    f = fm_loc[pl.ds(i * _L, _L)]
    g = gb_loc[pl.ds(i * _L, _L)]
    m = plsc.load_gather(med_loc, [g])
    selv = f == m
    p = jnp.where(selv, plsc.load_gather(pg_loc, [g]), 0.0)
    p_loc[pl.ds(i * _L, _L)] = p
    sel_loc[pl.ds(i * _L, _L)] = selv.astype(jnp.int32)
    return 0
  lax.fori_loop(0, _NPT // _L, _node_chunk, 0)

  pltpu.sync_copy(sel_loc, sel_sh.at[pl.ds(sid * _NPT, _NPT)])

  @pl.when(cid == 0)
  def _():
    pltpu.sync_copy(p_loc, prow_out.at[pl.ds(sid * _NPT, _NPT)])

  plsc.subcore_barrier()

  pltpu.sync_copy(sel_sh, sel_full)
  for t in range(_NS):
    pltpu.sync_copy(zeroi_hbm, deg_loc.at[pl.ds(t * _DRT, _DRT)])
  for c in range(_DR // 128):
    for j in range(128 // _L):
      didx_loc[c, pl.ds(j * _L, _L)] = c * 128 + j * _L + iota

  eid = cid * _NS + sid

  def _segment(s, _):
    def _cmp_block(b, cnt):
      base = (s * _SEGB + b) * _BLK
      pltpu.sync_copy(src_hbm.at[eid, pl.ds(base, _BLK)], src_blk)
      pltpu.sync_copy(dst_hbm.at[eid, pl.ds(base, _BLK)], dst_blk)

      def _cmp_chunk(k, cnt):
        r = k // (_KE // _L)
        col = (k - r * (_KE // _L)) * _L + iota
        sv = plsc.load_gather(src_blk, [zero_v + r, col])
        dv = plsc.load_gather(dst_blk, [zero_v + r, col])
        m = plsc.load_gather(sel_full, [dv]) == 1
        plsc.store_compressed(list_src.at[pl.ds(cnt, _L)], sv, mask=m)
        plsc.store_compressed(list_dst.at[pl.ds(cnt, _L)], dv, mask=m)
        return cnt + jnp.sum(m.astype(jnp.int32))
      return lax.fori_loop(0, (_BLK * _KE) // _L, _cmp_chunk, cnt)
    cnt = lax.fori_loop(0, _SEGB, _cmp_block, jnp.int32(0))

    for t in range(_KG // _L):
      list_src[pl.ds(cnt + t * _L, _L)] = zero_v
      list_dst[pl.ds(cnt + t * _L, _L)] = zero_v + _DUMP

    nch = lax.shift_right_logical(cnt + (_KG - 1), 7)

    def _deg_chunk(i, _):
      d = list_dst[pl.ds(i * _L, _L)]
      dcnt, last = plsc.scan_count(d)
      plsc.addupdate_scatter(
          deg_loc, [lax.shift_right_logical(d, 4), d & (_L - 1)],
          dcnt, mask=last & (d < _NP))
      return 0
    lax.fori_loop(0, nch * (_KG // _L), _deg_chunk, 0)

    def _edge_chunk(ci, _):
      for t in range(_KG // _L):
        idx_stage[0, pl.ds(t * _L, _L)] = list_dst[pl.ds(ci * _KG + t * _L,
                                                         _L)]
      pltpu.async_copy(x_hbm.at[list_src.at[pl.ds(ci * _KG, _KG)]],
                       rows_v, sem).wait()
      pltpu.sync_copy(rows_v, acc_sh.at[idx_stage.at[0]], add=True)
      return 0
    lax.fori_loop(0, nch, _edge_chunk, 0)
    return 0

  lax.fori_loop(0, _NSEG, _segment, 0)

  for c in range(_DR // 128):
    pltpu.sync_copy(deg_loc.at[pl.ds(c * 128, 128)],
                    deg_sh.at[didx_loc.at[c]], add=True)

  plsc.subcore_barrier()
  pltpu.sync_copy(acc_sh.at[pl.ds(sid * _NPT, _NPT)],
                  acc_out.at[cid, pl.ds(sid * _NPT, _NPT)])
  pltpu.sync_copy(deg_sh.at[pl.ds(sid * _DRT, _DRT)],
                  deg_out.at[cid, pl.ds(sid * _DRT, _DRT)])


_sc_call = pl.kernel(
    _sc_body,
    out_type=[
        jax.ShapeDtypeStruct((_NC, _NP, _D), jnp.float32),
        jax.ShapeDtypeStruct((_NC, _DR, _L), jnp.int32),
        jax.ShapeDtypeStruct((_NP,), jnp.float32),
    ],
    mesh=plsc.VectorSubcoreMesh(core_axis_name="c", subcore_axis_name="s"),
    compiler_params=pltpu.CompilerParams(needs_layout_passes=False,
                                         use_tc_tiling_on_sc=False),
    scratch_types=[
        pltpu.VMEM_SHARED((_ACC_R, _D), jnp.float32),
        pltpu.VMEM_SHARED((_NS, _NB * _G2), jnp.int32),
        pltpu.VMEM_SHARED((_DR, _L), jnp.int32),
        pltpu.VMEM_SHARED((_NP,), jnp.int32),
        pltpu.VMEM((_NPT,), jnp.int32),
        pltpu.VMEM((_NPT,), jnp.int32),
        pltpu.VMEM((_NB * _G2,), jnp.int32),
        pltpu.VMEM((_NB * _G2,), jnp.int32),
        pltpu.VMEM((_G2,), jnp.int32),
        pltpu.VMEM((_G2,), jnp.float32),
        pltpu.VMEM((_DR, _L), jnp.int32),
        pltpu.VMEM((_DR // 128, 128), jnp.int32),
        pltpu.VMEM((_NPT,), jnp.float32),
        pltpu.VMEM((_NPT,), jnp.int32),
        pltpu.VMEM((_NP,), jnp.int32),
        pltpu.VMEM((_BLK, _KE), jnp.int32),
        pltpu.VMEM((_BLK, _KE), jnp.int32),
        pltpu.VMEM((_LSZ,), jnp.int32),
        pltpu.VMEM((_LSZ,), jnp.int32),
        pltpu.VMEM((1, _KG), jnp.int32),
        pltpu.VMEM((_KG, _D), jnp.float32),
        pltpu.SemaphoreType.DMA,
    ],
)


def _tc_body(acc_ref, x_ref, deg_ref, prow_ref, gb_ref,
             wenc_ref, wself_ref, wcls_ref, bcls_ref, out_ref, pooled):
  i = pl.program_id(0)

  @pl.when(i == 0)
  def _():
    pooled[...] = jnp.zeros_like(pooled)

  deg = jnp.sum(deg_ref[0], axis=1, keepdims=True)
  invd = 1.0 / jnp.maximum(deg, 1).astype(jnp.float32)
  agg = (acc_ref[0] + acc_ref[1]) * invd
  h = jnp.dot(agg, wenc_ref[...], preferred_element_type=jnp.float32,
              precision=lax.Precision.HIGHEST)
  h = h + jnp.dot(x_ref[...], wself_ref[...],
                  preferred_element_type=jnp.float32,
                  precision=lax.Precision.HIGHEST)
  h = jnp.maximum(h, 0.0)
  gsel = lax.broadcasted_iota(jnp.int32, (_G, _BT), 0) == gb_ref[0]
  p = jnp.where(gsel, prow_ref[0], 0.0)
  pooled[...] += jnp.dot(p, h, preferred_element_type=jnp.float32,
                         precision=lax.Precision.HIGHEST)

  @pl.when(i == _GRID - 1)
  def _():
    out_ref[...] = (
        jnp.dot(pooled[...], wcls_ref[...], preferred_element_type=jnp.float32,
                precision=lax.Precision.HIGHEST)
        + bcls_ref[...])


_tc_call = pl.pallas_call(
    _tc_body,
    grid=(_GRID,),
    in_specs=[
        pl.BlockSpec((_NC, _BT, _D), lambda i: (0, i, 0)),
        pl.BlockSpec((_BT, _D), lambda i: (i, 0)),
        pl.BlockSpec((1, _BT, _NC), lambda i: (i, 0, 0)),
        pl.BlockSpec((1, 1, _BT), lambda i: (i, 0, 0)),
        pl.BlockSpec((1, 1, _BT), lambda i: (i, 0, 0)),
        pl.BlockSpec((_D, _D), lambda i: (0, 0)),
        pl.BlockSpec((_D, _D), lambda i: (0, 0)),
        pl.BlockSpec((_D, _C), lambda i: (0, 0)),
        pl.BlockSpec((1, _C), lambda i: (0, 0)),
    ],
    out_specs=pl.BlockSpec((_G, _C), lambda i: (0, 0)),
    out_shape=jax.ShapeDtypeStruct((_G, _C), jnp.float32),
    scratch_shapes=[pltpu.VMEM((_G, _D), jnp.float32)],
    compiler_params=pltpu.CompilerParams(
        dimension_semantics=("arbitrary",)),
)


@jax.jit
def kernel(x, edge_index, frame_mask, graph_batch, W_enc, W_self, W_cls,
           b_cls):
  pad = _NP - _N
  src = edge_index[0].reshape(_NC * _NS, _NCH, _KE)
  dst = edge_index[1].reshape(_NC * _NS, _NCH, _KE)
  fm_p = jnp.concatenate([frame_mask, jnp.zeros((pad,), jnp.int32)])
  gb_p = jnp.concatenate([graph_batch, jnp.full((pad,), _G, jnp.int32)])
  zeros_rows = jnp.zeros((_ZR, _D), jnp.float32)
  zeros_i = jnp.zeros((_DRT, _L), jnp.int32)
  acc, deg, prow = _sc_call(src, dst, fm_p, gb_p, x, zeros_rows, zeros_i)
  x_p = jnp.concatenate([x, jnp.zeros((pad, _D), jnp.float32)])
  deg_t = jnp.transpose(deg.reshape(_NC, _NP)).reshape(_GRID, _BT, _NC)
  out = _tc_call(acc, x_p, deg_t,
                 prow.reshape(_GRID, 1, _BT),
                 gb_p.reshape(_GRID, 1, _BT),
                 W_enc, W_self, W_cls, b_cls.reshape(1, _C))
  return out

# --- scband reference (transcript-rebuilt; emitter-appended) ---
"""Pipeline reference for scband-graph-classifier-29557964931462 (READ-ONLY COPY).

The authoritative reference and input builder live on the scoring server;
editing this copy changes nothing except your own understanding.
"""

import jax, jax.numpy as jnp
import numpy as np

N = 10000
E = 320000
D = 128
G = 64
C = 16


def setup_inputs(seed: int = 0) -> dict:
    key = jax.random.key(seed)
    ks = jax.random.split(key, 8)
    x = jax.random.normal(ks[0], (N, D), dtype=jnp.float32)
    edge_index = jax.random.randint(ks[1], (2, E), 0, N, dtype=jnp.int32)
    frame_mask = jax.random.randint(ks[2], (N,), 0, 5, dtype=jnp.int32)
    graph_batch = jnp.sort(jax.random.randint(ks[3], (N,), 0, G, dtype=jnp.int32))
    W_enc = jax.random.normal(ks[4], (D, D), dtype=jnp.float32) / np.sqrt(D)
    W_self = jax.random.normal(ks[5], (D, D), dtype=jnp.float32) / np.sqrt(D)
    W_cls = jax.random.normal(ks[6], (D, C), dtype=jnp.float32) / np.sqrt(D)
    b_cls = jnp.zeros((C,), dtype=jnp.float32)
    return {"x": x, "edge_index": edge_index, "frame_mask": frame_mask,
            "graph_batch": graph_batch, "W_enc": W_enc, "W_self": W_self,
            "W_cls": W_cls, "b_cls": b_cls}


def _medians(frame_mask, graph_batch, num_graphs):
    # torch.median semantics: lower of the two middle values for even counts
    order = jnp.lexsort((frame_mask, graph_batch))
    sorted_fm = frame_mask[order]
    counts = jax.ops.segment_sum(
        jnp.ones_like(graph_batch), graph_batch, num_segments=num_graphs)
    starts = jnp.cumsum(counts) - counts
    med_idx = jnp.clip(starts + (counts - 1) // 2, 0, frame_mask.shape[0] - 1)
    med = jnp.where(counts > 0, sorted_fm[med_idx],
                    jnp.zeros((), dtype=frame_mask.dtype))
    return med.astype(frame_mask.dtype)


def reference(x, edge_index, frame_mask, graph_batch, W_enc, W_self, W_cls, b_cls):
    # Encoder: one mean-aggregation GCN-style layer (stand-in for self.encoder)
    src = edge_index[0]
    dst = edge_index[1]
    deg = jax.ops.segment_sum(jnp.ones((E,), dtype=x.dtype), dst, num_segments=N)
    agg = jax.ops.segment_sum(x[src], dst, num_segments=N) / jnp.maximum(deg, 1.0)[:, None]
    embbed = jax.nn.relu(agg @ W_enc + x @ W_self)
    # mean_pooling_per_graph: mean over nodes whose frame_mask equals the
    # per-graph median of frame_mask (the central frame)
    med = _medians(frame_mask, graph_batch, G)
    sel = (frame_mask == med[graph_batch]).astype(embbed.dtype)
    pooled_sum = jax.ops.segment_sum(embbed * sel[:, None], graph_batch, num_segments=G)
    cnt = jax.ops.segment_sum(sel, graph_batch, num_segments=G)
    pooled = pooled_sum / jnp.maximum(cnt, 1.0)[:, None]
    # Classifier: linear head (stand-in for self.classifier)
    return pooled @ W_cls + b_cls

if __name__ == "__main__":
    import jax
    _d = setup_inputs()
    print(jax.jit(kernel)(*tuple(_d.values())))

</pallas_src>

<mosaic_0001>
#map = affine_map<(d0, d1) -> (0, 0, 0)>
#map1 = affine_map<(d0, d1) -> (0)>
#map2 = affine_map<(d0, d1) -> (0, 0)>
module attributes {stable_mosaic.version = 14 : i64} {
  func.func @_sc_body(%arg0: i32, %arg1: i32, %arg2: memref<32x125x80xi32, #tpu.memory_space<hbm>>, %arg3: memref<32x125x80xi32, #tpu.memory_space<hbm>>, %arg4: memref<10240xi32, #tpu.memory_space<hbm>>, %arg5: memref<10240xi32, #tpu.memory_space<hbm>>, %arg6: memref<10000x128xf32, #tpu.memory_space<hbm>>, %arg7: memref<642x128xf32, #tpu.memory_space<hbm>>, %arg8: memref<40x16xi32, #tpu.memory_space<hbm>>, %arg9: memref<2x10240x128xf32, #tpu.memory_space<hbm>>, %arg10: memref<2x640x16xi32, #tpu.memory_space<hbm>>, %arg11: memref<10240xf32, #tpu.memory_space<hbm>>, %arg12: memref<10272x128xf32, #tpu.memory_space<vmem_shared>>, %arg13: memref<16x400xi32, #tpu.memory_space<vmem_shared>>, %arg14: memref<640x16xi32, #tpu.memory_space<vmem_shared>>, %arg15: memref<10240xi32, #tpu.memory_space<vmem_shared>>, %arg16: memref<640xi32, #tpu.memory_space<vmem>>, %arg17: memref<640xi32, #tpu.memory_space<vmem>>, %arg18: memref<400xi32, #tpu.memory_space<vmem>>, %arg19: memref<400xi32, #tpu.memory_space<vmem>>, %arg20: memref<80xi32, #tpu.memory_space<vmem>>, %arg21: memref<80xf32, #tpu.memory_space<vmem>>, %arg22: memref<640x16xi32, #tpu.memory_space<vmem>>, %arg23: memref<5x128xi32, #tpu.memory_space<vmem>>, %arg24: memref<640xf32, #tpu.memory_space<vmem>>, %arg25: memref<640xi32, #tpu.memory_space<vmem>>, %arg26: memref<10240xi32, #tpu.memory_space<vmem>>, %arg27: memref<5x80xi32, #tpu.memory_space<vmem>>, %arg28: memref<5x80xi32, #tpu.memory_space<vmem>>, %arg29: memref<2128xi32, #tpu.memory_space<vmem>>, %arg30: memref<2128xi32, #tpu.memory_space<vmem>>, %arg31: memref<1x128xi32, #tpu.memory_space<vmem>>, %arg32: memref<128x128xf32, #tpu.memory_space<vmem>>, %arg33: memref<!tpu.dma_semaphore, #tpu.memory_space<semaphore_mem>>) attributes {dimension_semantics = [#tpu.dimension_semantics<core_parallel>, #tpu.dimension_semantics<subcore_parallel>], iteration_bounds = array<i64: 2, 16>, scalar_prefetch = 0 : i64, scratch_operands = 22 : i64, tpu.core_type = #tpu.core_type<sc_vector_subcore>, window_params = [{transform_indices = #map}, {transform_indices = #map}, {transform_indices = #map1}, {transform_indices = #map1}, {transform_indices = #map2}, {transform_indices = #map2}, {transform_indices = #map2}, {transform_indices = #map}, {transform_indices = #map}, {transform_indices = #map1}]} {
    %iota3A = tpu.iota {dimensions = array<i32: 0>} : vector<16xi32>
    %broadcast_in_dim3A = arith.constant 0 : i32
    %broadcast_in_dim3A_0 = vector.broadcast %broadcast_in_dim3A : i32 to vector<16xi32>
    %mul3A = arith.constant 642 : i32
    %mul3A_1 = arith.muli %arg1, %mul3A : i32
    "tpu.region"() ({
      %run_scoped3A_763 = tpu.sem_alloc : memref<!tpu.dma_semaphore, #tpu.memory_space<semaphore_mem>>
      %dma_start3A = arith.constant 0 : i32
      %dma_start3A_764 = tpu.memref_slice %arg12[%mul3A_1, %dma_start3A] : memref<10272x128xf32, #tpu.memory_space<vmem_shared>> -> memref<642x128xf32, #tpu.memory_space<vmem_shared>>
      tpu.enqueue_dma source(%arg7 : memref<642x128xf32, #tpu.memory_space<hbm>>) target(%dma_start3A_764 : memref<642x128xf32, #tpu.memory_space<vmem_shared>>) target_semaphore(%run_scoped3A_763 : memref<!tpu.dma_semaphore, #tpu.memory_space<semaphore_mem>>)
      %dma_wait3A = arith.constant 0 : i32
      %dma_wait3A_765 = tpu.memref_slice %arg12[%mul3A_1, %dma_wait3A] : memref<10272x128xf32, #tpu.memory_space<vmem_shared>> -> memref<642x128xf32, #tpu.memory_space<vmem_shared>>
      tpu.wait_dma2 semaphore(%run_scoped3A_763 : memref<!tpu.dma_semaphore, #tpu.memory_space<semaphore_mem>>) src(%arg7 : memref<642x128xf32, #tpu.memory_space<hbm>>) dst(%dma_wait3A_765 : memref<642x128xf32, #tpu.memory_space<vmem_shared>>)
      tpu.yield
    }) : () -> ()
    %mul3A_2 = arith.constant 40 : i32
    %mul3A_3 = arith.muli %arg1, %mul3A_2 : i32
    "tpu.region"() ({
      %run_scoped3A_763 = tpu.sem_alloc : memref<!tpu.dma_semaphore, #tpu.memory_space<semaphore_mem>>
      %dma_start3A = arith.constant 0 : i32
      %dma_start3A_764 = tpu.memref_slice %arg14[%mul3A_3, %dma_start3A] : memref<640x16xi32, #tpu.memory_space<vmem_shared>> -> memref<40x16xi32, #tpu.memory_space<vmem_shared>>
      tpu.enqueue_dma source(%arg8 : memref<40x16xi32, #tpu.memory_space<hbm>>) target(%dma_start3A_764 : memref<40x16xi32, #tpu.memory_space<vmem_shared>>) target_semaphore(%run_scoped3A_763 : memref<!tpu.dma_semaphore, #tpu.memory_space<semaphore_mem>>)
      %dma_wait3A = arith.constant 0 : i32
      %dma_wait3A_765 = tpu.memref_slice %arg14[%mul3A_3, %dma_wait3A] : memref<640x16xi32, #tpu.memory_space<vmem_shared>> -> memref<40x16xi32, #tpu.memory_space<vmem_shared>>
      tpu.wait_dma2 semaphore(%run_scoped3A_763 : memref<!tpu.dma_semaphore, #tpu.memory_space<semaphore_mem>>) src(%arg8 : memref<40x16xi32, #tpu.memory_space<hbm>>) dst(%dma_wait3A_765 : memref<40x16xi32, #tpu.memory_space<vmem_shared>>)
      tpu.yield
    }) : () -> ()
    %mul3A_4 = arith.constant 640 : i32
    %mul3A_5 = arith.muli %arg1, %mul3A_4 : i32
    "tpu.region"() ({
      %run_scoped3A_763 = tpu.sem_alloc : memref<!tpu.dma_semaphore, #tpu.memory_space<semaphore_mem>>
      %dma_start3A = tpu.memref_slice %arg4[%mul3A_5] : memref<10240xi32, #tpu.memory_space<hbm>> -> memref<640xi32, #tpu.memory_space<hbm>>
      %dma_start3A_764 = tpu.memref_slice %arg4[%mul3A_5] : memref<10240xi32, #tpu.memory_space<hbm>> -> memref<640xi32, #tpu.memory_space<hbm>>
      tpu.enqueue_dma source(%dma_start3A_764 : memref<640xi32, #tpu.memory_space<hbm>>) target(%arg16 : memref<640xi32, #tpu.memory_space<vmem>>) target_semaphore(%run_scoped3A_763 : memref<!tpu.dma_semaphore, #tpu.memory_space<semaphore_mem>>)
      %dma_wait3A = tpu.memref_slice %arg4[%mul3A_5] : memref<10240xi32, #tpu.memory_space<hbm>> -> memref<640xi32, #tpu.memory_space<hbm>>
      %dma_wait3A_765 = tpu.memref_slice %arg4[%mul3A_5] : memref<10240xi32, #tpu.memory_space<hbm>> -> memref<640xi32, #tpu.memory_space<hbm>>
      tpu.wait_dma2 semaphore(%run_scoped3A_763 : memref<!tpu.dma_semaphore, #tpu.memory_space<semaphore_mem>>) src(%dma_wait3A_765 : memref<640xi32, #tpu.memory_space<hbm>>) dst(%arg16 : memref<640xi32, #tpu.memory_space<vmem>>)
      tpu.yield
    }) : () -> ()
    %mul3A_6 = arith.constant 640 : i32
    %mul3A_7 = arith.muli %arg1, %mul3A_6 : i32
    "tpu.region"() ({
      %run_scoped3A_763 = tpu.sem_alloc : memref<!tpu.dma_semaphore, #tpu.memory_space<semaphore_mem>>
      %dma_start3A = tpu.memref_slice %arg5[%mul3A_7] : memref<10240xi32, #tpu.memory_space<hbm>> -> memref<640xi32, #tpu.memory_space<hbm>>
      %dma_start3A_764 = tpu.memref_slice %arg5[%mul3A_7] : memref<10240xi32, #tpu.memory_space<hbm>> -> memref<640xi32, #tpu.memory_space<hbm>>
      tpu.enqueue_dma source(%dma_start3A_764 : memref<640xi32, #tpu.memory_space<hbm>>) target(%arg17 : memref<640xi32, #tpu.memory_space<vmem>>) target_semaphore(%run_scoped3A_763 : memref<!tpu.dma_semaphore, #tpu.memory_space<semaphore_mem>>)
      %dma_wait3A = tpu.memref_slice %arg5[%mul3A_7] : memref<10240xi32, #tpu.memory_space<hbm>> -> memref<640xi32, #tpu.memory_space<hbm>>
      %dma_wait3A_765 = tpu.memref_slice %arg5[%mul3A_7] : memref<10240xi32, #tpu.memory_space<hbm>> -> memref<640xi32, #tpu.memory_space<hbm>>
      tpu.wait_dma2 semaphore(%run_scoped3A_763 : memref<!tpu.dma_semaphore, #tpu.memory_space<semaphore_mem>>) src(%dma_wait3A_765 : memref<640xi32, #tpu.memory_space<hbm>>) dst(%arg17 : memref<640xi32, #tpu.memory_space<vmem>>)
      tpu.yield
    }) : () -> ()
    %scan3A = arith.constant 0 : i32
    %scan3A_8 = arith.constant 0 : i32
    %scan3A_9 = arith.constant 25 : i32
    %scan3A_10 = arith.addi %scan3A_8, %scan3A_9 : i32
    %scan3A_11 = arith.constant 1 : i32
    %scan3A_12 = scf.for %scan3A_763 = %scan3A_8 to %scan3A_10 step %scan3A_11 iter_args(%scan3A_764 = %scan3A) -> (i32)  : i32 {
      %mul3A_765 = arith.constant 16 : i32
      %mul3A_766 = arith.muli %scan3A_763, %mul3A_765 : i32
      %swap3A_767 = arith.index_cast %mul3A_766 : i32 to index
      %swap3A_768 = tpu.vector_load %arg18[%swap3A_767] {strides = array<i32>} : memref<400xi32, #tpu.memory_space<vmem>>, vector<16xi32>,
      tpu.vector_store %arg18[%swap3A_767], %broadcast_in_dim3A_0 {strides = array<i32>} : memref<400xi32, #tpu.memory_space<vmem>>, vector<16xi32>,
      %scan3A_769 = arith.constant 0 : i32
      scf.yield %scan3A_769 : i32
    }
    %scan3A_13 = arith.constant 25 : i32
    %scan3A_14 = arith.constant 0 : i32
    %scan3A_15 = arith.constant 0 : i32
    %scan3A_16 = arith.constant 40 : i32
    %scan3A_17 = arith.addi %scan3A_15, %scan3A_16 : i32
    %scan3A_18 = arith.constant 1 : i32
    %scan3A_19 = scf.for %scan3A_763 = %scan3A_15 to %scan3A_17 step %scan3A_18 iter_args(%scan3A_764 = %scan3A_14) -> (i32)  : i32 {
      %mul3A_765 = arith.constant 16 : i32
      %mul3A_766 = arith.muli %scan3A_763, %mul3A_765 : i32
      %get3A_767 = arith.index_cast %mul3A_766 : i32 to index
      %get3A_768 = tpu.vector_load %arg16[%get3A_767] {strides = array<i32>} : memref<640xi32, #tpu.memory_space<vmem>>, vector<16xi32>,
      %mul3A_769 = arith.constant 16 : i32
      %mul3A_770 = arith.muli %scan3A_763, %mul3A_769 : i32
      %get3A_771 = arith.index_cast %mul3A_770 : i32 to index
      %get3A_772 = tpu.vector_load %arg17[%get3A_771] {strides = array<i32>} : memref<640xi32, #tpu.memory_space<vmem>>, vector<16xi32>,
      %mul3A_773 = arith.constant 80 : i32
      %mul3A_774 = vector.broadcast %mul3A_773 : i32 to vector<16xi32>
      %mul3A_775 = arith.muli %get3A_768, %mul3A_774 : vector<16xi32>
      %add3A_776 = arith.addi %mul3A_775, %get3A_772 : vector<16xi32>
      %broadcast_in_dim3A_777 = arith.constant true
      %broadcast_in_dim3A_778 = vector.broadcast %broadcast_in_dim3A_777 : i1 to vector<16xi1>
      %unique3A, %unique3A_779 = tpu.scan_count mask(%broadcast_in_dim3A_778 : vector<16xi1>) value(%add3A_776 : vector<16xi32>) : vector<16xi1>, vector<16xi32>
      tpu.vector_store_idx %arg18[%add3A_776], %unique3A_779 masked %unique3A {add = true} : memref<400xi32, #tpu.memory_space<vmem>>[vector<16xi32>], vector<16xi32>, vector<16xi1>
      %scan3A_780 = arith.constant 0 : i32
      scf.yield %scan3A_780 : i32
    }
    %scan3A_20 = arith.constant 40 : i32
    "tpu.region"() ({
      %run_scoped3A_763 = tpu.sem_alloc : memref<!tpu.dma_semaphore, #tpu.memory_space<semaphore_mem>>
      %dma_start3A = arith.constant 0 : i32
      %dma_start3A_764 = tpu.memref_slice %arg13[%arg1, %dma_start3A] : memref<16x400xi32, #tpu.memory_space<vmem_shared>> -> memref<1x400xi32, #tpu.memory_space<vmem_shared>>
      %dma_start3A_765 = tpu.memref_squeeze %dma_start3A_764 : memref<1x400xi32, #tpu.memory_space<vmem_shared>> -> memref<400xi32, #tpu.memory_space<vmem_shared>>
      %dma_start3A_766 = arith.constant 0 : i32
      %dma_start3A_767 = tpu.memref_slice %arg13[%arg1, %dma_start3A_766] : memref<16x400xi32, #tpu.memory_space<vmem_shared>> -> memref<1x400xi32, #tpu.memory_space<vmem_shared>>
      %dma_start3A_768 = tpu.memref_squeeze %dma_start3A_767 : memref<1x400xi32, #tpu.memory_space<vmem_shared>> -> memref<400xi32, #tpu.memory_space<vmem_shared>>
      tpu.enqueue_dma source(%arg18 : memref<400xi32, #tpu.memory_space<vmem>>) target(%dma_start3A_768 : memref<400xi32, #tpu.memory_space<vmem_shared>>) target_semaphore(%run_scoped3A_763 : memref<!tpu.dma_semaphore, #tpu.memory_space<semaphore_mem>>)
      %dma_wait3A = arith.constant 0 : i32
      %dma_wait3A_769 = tpu.memref_slice %arg13[%arg1, %dma_wait3A] : memref<16x400xi32, #tpu.memory_space<vmem_shared>> -> memref<1x400xi32, #tpu.memory_space<vmem_shared>>
      %dma_wait3A_770 = tpu.memref_squeeze %dma_wait3A_769 : memref<1x400xi32, #tpu.memory_space<vmem_shared>> -> memref<400xi32, #tpu.memory_space<vmem_shared>>
      %dma_wait3A_771 = arith.constant 0 : i32
      %dma_wait3A_772 = tpu.memref_slice %arg13[%arg1, %dma_wait3A_771] : memref<16x400xi32, #tpu.memory_space<vmem_shared>> -> memref<1x400xi32, #tpu.memory_space<vmem_shared>>
      %dma_wait3A_773 = tpu.memref_squeeze %dma_wait3A_772 : memref<1x400xi32, #tpu.memory_space<vmem_shared>> -> memref<400xi32, #tpu.memory_space<vmem_shared>>
      tpu.wait_dma2 semaphore(%run_scoped3A_763 : memref<!tpu.dma_semaphore, #tpu.memory_space<semaphore_mem>>) src(%arg18 : memref<400xi32, #tpu.memory_space<vmem>>) dst(%dma_wait3A_773 : memref<400xi32, #tpu.memory_space<vmem_shared>>)
      tpu.yield
    }) : () -> ()
    %barrier3A = arith.constant 0 : index
    tpu.barrier barrier_id(%barrier3A)
    %run_scoped3A = arith.constant 0 : i32
    "tpu.region"() ({
      %run_scoped3A_763 = tpu.sem_alloc : memref<!tpu.dma_semaphore, #tpu.memory_space<semaphore_mem>>
      %dma_start3A = arith.constant 0 : i32
      %dma_start3A_764 = tpu.memref_slice %arg13[%run_scoped3A, %dma_start3A] : memref<16x400xi32, #tpu.memory_space<vmem_shared>> -> memref<1x400xi32, #tpu.memory_space<vmem_shared>>
      %dma_start3A_765 = tpu.memref_squeeze %dma_start3A_764 : memref<1x400xi32, #tpu.memory_space<vmem_shared>> -> memref<400xi32, #tpu.memory_space<vmem_shared>>
      %dma_start3A_766 = arith.constant 0 : i32
      %dma_start3A_767 = tpu.memref_slice %arg13[%run_scoped3A, %dma_start3A_766] : memref<16x400xi32, #tpu.memory_space<vmem_shared>> -> memref<1x400xi32, #tpu.memory_space<vmem_shared>>
      %dma_start3A_768 = tpu.memref_squeeze %dma_start3A_767 : memref<1x400xi32, #tpu.memory_space<vmem_shared>> -> memref<400xi32, #tpu.memory_space<vmem_shared>>
      tpu.enqueue_dma source(%dma_start3A_768 : memref<400xi32, #tpu.memory_space<vmem_shared>>) target(%arg18 : memref<400xi32, #tpu.memory_space<vmem>>) target_semaphore(%run_scoped3A_763 : memref<!tpu.dma_semaphore, #tpu.memory_space<semaphore_mem>>)
      %dma_wait3A = arith.constant 0 : i32
      %dma_wait3A_769 = tpu.memref_slice %arg13[%run_scoped3A, %dma_wait3A] : memref<16x400xi32, #tpu.memory_space<vmem_shared>> -> memref<1x400xi32, #tpu.memory_space<vmem_shared>>
      %dma_wait3A_770 = tpu.memref_squeeze %dma_wait3A_769 : memref<1x400xi32, #tpu.memory_space<vmem_shared>> -> memref<400xi32, #tpu.memory_space<vmem_shared>>
      %dma_wait3A_771 = arith.constant 0 : i32
      %dma_wait3A_772 = tpu.memref_slice %arg13[%run_scoped3A, %dma_wait3A_771] : memref<16x400xi32, #tpu.memory_space<vmem_shared>> -> memref<1x400xi32, #tpu.memory_space<vmem_shared>>
      %dma_wait3A_773 = tpu.memref_squeeze %dma_wait3A_772 : memref<1x400xi32, #tpu.memory_space<vmem_shared>> -> memref<400xi32, #tpu.memory_space<vmem_shared>>
      tpu.wait_dma2 semaphore(%run_scoped3A_763 : memref<!tpu.dma_semaphore, #tpu.memory_space<semaphore_mem>>) src(%dma_wait3A_773 : memref<400xi32, #tpu.memory_space<vmem_shared>>) dst(%arg18 : memref<400xi32, #tpu.memory_space<vmem>>)
      tpu.yield
    }) : () -> ()
    %run_scoped3A_21 = arith.constant 1 : i32
    "tpu.region"() ({
      %run_scoped3A_763 = tpu.sem_alloc : memref<!tpu.dma_semaphore, #tpu.memory_space<semaphore_mem>>
      %dma_start3A = arith.constant 0 : i32
      %dma_start3A_764 = tpu.memref_slice %arg13[%run_scoped3A_21, %dma_start3A] : memref<16x400xi32, #tpu.memory_space<vmem_shared>> -> memref<1x400xi32, #tpu.memory_space<vmem_shared>>
      %dma_start3A_765 = tpu.memref_squeeze %dma_start3A_764 : memref<1x400xi32, #tpu.memory_space<vmem_shared>> -> memref<400xi32, #tpu.memory_space<vmem_shared>>
      %dma_start3A_766 = arith.constant 0 : i32
      %dma_start3A_767 = tpu.memref_slice %arg13[%run_scoped3A_21, %dma_start3A_766] : memref<16x400xi32, #tpu.memory_space<vmem_shared>> -> memref<1x400xi32, #tpu.memory_space<vmem_shared>>
      %dma_start3A_768 = tpu.memref_squeeze %dma_start3A_767 : memref<1x400xi32, #tpu.memory_space<vmem_shared>> -> memref<400xi32, #tpu.memory_space<vmem_shared>>
      tpu.enqueue_dma source(%dma_start3A_768 : memref<400xi32, #tpu.memory_space<vmem_shared>>) target(%arg19 : memref<400xi32, #tpu.memory_space<vmem>>) target_semaphore(%run_scoped3A_763 : memref<!tpu.dma_semaphore, #tpu.memory_space<semaphore_mem>>)
      %dma_wait3A = arith.constant 0 : i32
      %dma_wait3A_769 = tpu.memref_slice %arg13[%run_scoped3A_21, %dma_wait3A] : memref<16x400xi32, #tpu.memory_space<vmem_shared>> -> memref<1x400xi32, #tpu.memory_space<vmem_shared>>
      %dma_wait3A_770 = tpu.memref_squeeze %dma_wait3A_769 : memref<1x400xi32, #tpu.memory_space<vmem_shared>> -> memref<400xi32, #tpu.memory_space<vmem_shared>>
      %dma_wait3A_771 = arith.constant 0 : i32
      %dma_wait3A_772 = tpu.memref_slice %arg13[%run_scoped3A_21, %dma_wait3A_771] : memref<16x400xi32, #tpu.memory_space<vmem_shared>> -> memref<1x400xi32, #tpu.memory_space<vmem_shared>>
      %dma_wait3A_773 = tpu.memref_squeeze %dma_wait3A_772 : memref<1x400xi32, #tpu.memory_space<vmem_shared>> -> memref<400xi32, #tpu.memory_space<vmem_shared>>
      tpu.wait_dma2 semaphore(%run_scoped3A_763 : memref<!tpu.dma_semaphore, #tpu.memory_space<semaphore_mem>>) src(%dma_wait3A_773 : memref<400xi32, #tpu.memory_space<vmem_shared>>) dst(%arg19 : memref<400xi32, #tpu.memory_space<vmem>>)
      tpu.yield
    }) : () -> ()
    %scan3A_22 = arith.constant 0 : i32
    %scan3A_23 = arith.constant 0 : i32
    %scan3A_24 = arith.constant 25 : i32
    %scan3A_25 = arith.addi %scan3A_23, %scan3A_24 : i32
    %scan3A_26 = arith.constant 1 : i32
    %scan3A_27 = scf.for %scan3A_763 = %scan3A_23 to %scan3A_25 step %scan3A_26 iter_args(%scan3A_764 = %scan3A_22) -> (i32)  : i32 {
      %mul3A_765 = arith.constant 16 : i32
      %mul3A_766 = arith.muli %scan3A_763, %mul3A_765 : i32
      %get3A_767 = arith.index_cast %mul3A_766 : i32 to index
      %get3A_768 = tpu.vector_load %arg18[%get3A_767] {strides = array<i32>} : memref<400xi32, #tpu.memory_space<vmem>>, vector<16xi32>,
      %mul3A_769 = arith.constant 16 : i32
      %mul3A_770 = arith.muli %scan3A_763, %mul3A_769 : i32
      %get3A_771 = arith.index_cast %mul3A_770 : i32 to index
      %get3A_772 = tpu.vector_load %arg19[%get3A_771] {strides = array<i32>} : memref<400xi32, #tpu.memory_space<vmem>>, vector<16xi32>,
      %add3A_773 = arith.addi %get3A_768, %get3A_772 : vector<16xi32>
      %swap3A_774 = arith.index_cast %mul3A_766 : i32 to index
      %swap3A_775 = tpu.vector_load %arg18[%swap3A_774] {strides = array<i32>} : memref<400xi32, #tpu.memory_space<vmem>>, vector<16xi32>,
      tpu.vector_store %arg18[%swap3A_774], %add3A_773 {strides = array<i32>} : memref<400xi32, #tpu.memory_space<vmem>>, vector<16xi32>,
      %scan3A_776 = arith.constant 0 : i32
      scf.yield %scan3A_776 : i32
    }
    %scan3A_28 = arith.constant 25 : i32
    %run_scoped3A_29 = arith.constant 2 : i32
    "tpu.region"() ({
      %run_scoped3A_763 = tpu.sem_alloc : memref<!tpu.dma_semaphore, #tpu.memory_space<semaphore_mem>>
      %dma_start3A = arith.constant 0 : i32
      %dma_start3A_764 = tpu.memref_slice %arg13[%run_scoped3A_29, %dma_start3A] : memref<16x400xi32, #tpu.memory_space<vmem_shared>> -> memref<1x400xi32, #tpu.memory_space<vmem_shared>>
      %dma_start3A_765 = tpu.memref_squeeze %dma_start3A_764 : memref<1x400xi32, #tpu.memory_space<vmem_shared>> -> memref<400xi32, #tpu.memory_space<vmem_shared>>
      %dma_start3A_766 = arith.constant 0 : i32
      %dma_start3A_767 = tpu.memref_slice %arg13[%run_scoped3A_29, %dma_start3A_766] : memref<16x400xi32, #tpu.memory_space<vmem_shared>> -> memref<1x400xi32, #tpu.memory_space<vmem_shared>>
      %dma_start3A_768 = tpu.memref_squeeze %dma_start3A_767 : memref<1x400xi32, #tpu.memory_space<vmem_shared>> -> memref<400xi32, #tpu.memory_space<vmem_shared>>
      tpu.enqueue_dma source(%dma_start3A_768 : memref<400xi32, #tpu.memory_space<vmem_shared>>) target(%arg19 : memref<400xi32, #tpu.memory_space<vmem>>) target_semaphore(%run_scoped3A_763 : memref<!tpu.dma_semaphore, #tpu.memory_space<semaphore_mem>>)
      %dma_wait3A = arith.constant 0 : i32
      %dma_wait3A_769 = tpu.memref_slice %arg13[%run_scoped3A_29, %dma_wait3A] : memref<16x400xi32, #tpu.memory_space<vmem_shared>> -> memref<1x400xi32, #tpu.memory_space<vmem_shared>>
      %dma_wait3A_770 = tpu.memref_squeeze %dma_wait3A_769 : memref<1x400xi32, #tpu.memory_space<vmem_shared>> -> memref<400xi32, #tpu.memory_space<vmem_shared>>
      %dma_wait3A_771 = arith.constant 0 : i32
      %dma_wait3A_772 = tpu.memref_slice %arg13[%run_scoped3A_29, %dma_wait3A_771] : memref<16x400xi32, #tpu.memory_space<vmem_shared>> -> memref<1x400xi32, #tpu.memory_space<vmem_shared>>
      %dma_wait3A_773 = tpu.memref_squeeze %dma_wait3A_772 : memref<1x400xi32, #tpu.memory_space<vmem_shared>> -> memref<400xi32, #tpu.memory_space<vmem_shared>>
      tpu.wait_dma2 semaphore(%run_scoped3A_763 : memref<!tpu.dma_semaphore, #tpu.memory_space<semaphore_mem>>) src(%dma_wait3A_773 : memref<400xi32, #tpu.memory_space<vmem_shared>>) dst(%arg19 : memref<400xi32, #tpu.memory_space<vmem>>)
      tpu.yield
    }) : () -> ()
    %scan3A_30 = arith.constant 0 : i32
    %scan3A_31 = arith.constant 0 : i32
    %scan3A_32 = arith.constant 25 : i32
    %scan3A_33 = arith.addi %scan3A_31, %scan3A_32 : i32
    %scan3A_34 = arith.constant 1 : i32
    %scan3A_35 = scf.for %scan3A_763 = %scan3A_31 to %scan3A_33 step %scan3A_34 iter_args(%scan3A_764 = %scan3A_30) -> (i32)  : i32 {
      %mul3A_765 = arith.constant 16 : i32
      %mul3A_766 = arith.muli %scan3A_763, %mul3A_765 : i32
      %get3A_767 = arith.index_cast %mul3A_766 : i32 to index
      %get3A_768 = tpu.vector_load %arg18[%get3A_767] {strides = array<i32>} : memref<400xi32, #tpu.memory_space<vmem>>, vector<16xi32>,
      %mul3A_769 = arith.constant 16 : i32
      %mul3A_770 = arith.muli %scan3A_763, %mul3A_769 : i32
      %get3A_771 = arith.index_cast %mul3A_770 : i32 to index
      %get3A_772 = tpu.vector_load %arg19[%get3A_771] {strides = array<i32>} : memref<400xi32, #tpu.memory_space<vmem>>, vector<16xi32>,
      %add3A_773 = arith.addi %get3A_768, %get3A_772 : vector<16xi32>
      %swap3A_774 = arith.index_cast %mul3A_766 : i32 to index
      %swap3A_775 = tpu.vector_load %arg18[%swap3A_774] {strides = array<i32>} : memref<400xi32, #tpu.memory_space<vmem>>, vector<16xi32>,
      tpu.vector_store %arg18[%swap3A_774], %add3A_773 {strides = array<i32>} : memref<400xi32, #tpu.memory_space<vmem>>, vector<16xi32>,
      %scan3A_776 = arith.constant 0 : i32
      scf.yield %scan3A_776 : i32
    }
    %scan3A_36 = arith.constant 25 : i32
    %run_scoped3A_37 = arith.constant 3 : i32
    "tpu.region"() ({
      %run_scoped3A_763 = tpu.sem_alloc : memref<!tpu.dma_semaphore, #tpu.memory_space<semaphore_mem>>
      %dma_start3A = arith.constant 0 : i32
      %dma_start3A_764 = tpu.memref_slice %arg13[%run_scoped3A_37, %dma_start3A] : memref<16x400xi32, #tpu.memory_space<vmem_shared>> -> memref<1x400xi32, #tpu.memory_space<vmem_shared>>
      %dma_start3A_765 = tpu.memref_squeeze %dma_start3A_764 : memref<1x400xi32, #tpu.memory_space<vmem_shared>> -> memref<400xi32, #tpu.memory_space<vmem_shared>>
      %dma_start3A_766 = arith.constant 0 : i32
      %dma_start3A_767 = tpu.memref_slice %arg13[%run_scoped3A_37, %dma_start3A_766] : memref<16x400xi32, #tpu.memory_space<vmem_shared>> -> memref<1x400xi32, #tpu.memory_space<vmem_shared>>
      %dma_start3A_768 = tpu.memref_squeeze %dma_start3A_767 : memref<1x400xi32, #tpu.memory_space<vmem_shared>> -> memref<400xi32, #tpu.memory_space<vmem_shared>>
      tpu.enqueue_dma source(%dma_start3A_768 : memref<400xi32, #tpu.memory_space<vmem_shared>>) target(%arg19 : memref<400xi32, #tpu.memory_space<vmem>>) target_semaphore(%run_scoped3A_763 : memref<!tpu.dma_semaphore, #tpu.memory_space<semaphore_mem>>)
      %dma_wait3A = arith.constant 0 : i32
      %dma_wait3A_769 = tpu.memref_slice %arg13[%run_scoped3A_37, %dma_wait3A] : memref<16x400xi32, #tpu.memory_space<vmem_shared>> -> memref<1x400xi32, #tpu.memory_space<vmem_shared>>
      %dma_wait3A_770 = tpu.memref_squeeze %dma_wait3A_769 : memref<1x400xi32, #tpu.memory_space<vmem_shared>> -> memref<400xi32, #tpu.memory_space<vmem_shared>>
      %dma_wait3A_771 = arith.constant 0 : i32
      %dma_wait3A_772 = tpu.memref_slice %arg13[%run_scoped3A_37, %dma_wait3A_771] : memref<16x400xi32, #tpu.memory_space<vmem_shared>> -> memref<1x400xi32, #tpu.memory_space<vmem_shared>>
      %dma_wait3A_773 = tpu.memref_squeeze %dma_wait3A_772 : memref<1x400xi32, #tpu.memory_space<vmem_shared>> -> memref<400xi32, #tpu.memory_space<vmem_shared>>
      tpu.wait_dma2 semaphore(%run_scoped3A_763 : memref<!tpu.dma_semaphore, #tpu.memory_space<semaphore_mem>>) src(%dma_wait3A_773 : memref<400xi32, #tpu.memory_space<vmem_shared>>) dst(%arg19 : memref<400xi32, #tpu.memory_space<vmem>>)
      tpu.yield
    }) : () -> ()
    %scan3A_38 = arith.constant 0 : i32
    %scan3A_39 = arith.constant 0 : i32
    %scan3A_40 = arith.constant 25 : i32
    %scan3A_41 = arith.addi %scan3A_39, %scan3A_40 : i32
    %scan3A_42 = arith.constant 1 : i32
    %scan3A_43 = scf.for %scan3A_763 = %scan3A_39 to %scan3A_41 step %scan3A_42 iter_args(%scan3A_764 = %scan3A_38) -> (i32)  : i32 {
      %mul3A_765 = arith.constant 16 : i32
      %mul3A_766 = arith.muli %scan3A_763, %mul3A_765 : i32
      %get3A_767 = arith.index_cast %mul3A_766 : i32 to index
      %get3A_768 = tpu.vector_load %arg18[%get3A_767] {strides = array<i32>} : memref<400xi32, #tpu.memory_space<vmem>>, vector<16xi32>,
      %mul3A_769 = arith.constant 16 : i32
      %mul3A_770 = arith.muli %scan3A_763, %mul3A_769 : i32
      %get3A_771 = arith.index_cast %mul3A_770 : i32 to index
      %get3A_772 = tpu.vector_load %arg19[%get3A_771] {strides = array<i32>} : memref<400xi32, #tpu.memory_space<vmem>>, vector<16xi32>,
      %add3A_773 = arith.addi %get3A_768, %get3A_772 : vector<16xi32>
      %swap3A_774 = arith.index_cast %mul3A_766 : i32 to index
      %swap3A_775 = tpu.vector_load %arg18[%swap3A_774] {strides = array<i32>} : memref<400xi32, #tpu.memory_space<vmem>>, vector<16xi32>,
      tpu.vector_store %arg18[%swap3A_774], %add3A_773 {strides = array<i32>} : memref<400xi32, #tpu.memory_space<vmem>>, vector<16xi32>,
      %scan3A_776 = arith.constant 0 : i32
      scf.yield %scan3A_776 : i32
    }
    %scan3A_44 = arith.constant 25 : i32
    %run_scoped3A_45 = arith.constant 4 : i32
    "tpu.region"() ({
      %run_scoped3A_763 = tpu.sem_alloc : memref<!tpu.dma_semaphore, #tpu.memory_space<semaphore_mem>>
      %dma_start3A = arith.constant 0 : i32
      %dma_start3A_764 = tpu.memref_slice %arg13[%run_scoped3A_45, %dma_start3A] : memref<16x400xi32, #tpu.memory_space<vmem_shared>> -> memref<1x400xi32, #tpu.memory_space<vmem_shared>>
      %dma_start3A_765 = tpu.memref_squeeze %dma_start3A_764 : memref<1x400xi32, #tpu.memory_space<vmem_shared>> -> memref<400xi32, #tpu.memory_space<vmem_shared>>
      %dma_start3A_766 = arith.constant 0 : i32
      %dma_start3A_767 = tpu.memref_slice %arg13[%run_scoped3A_45, %dma_start3A_766] : memref<16x400xi32, #tpu.memory_space<vmem_shared>> -> memref<1x400xi32, #tpu.memory_space<vmem_shared>>
      %dma_start3A_768 = tpu.memref_squeeze %dma_start3A_767 : memref<1x400xi32, #tpu.memory_space<vmem_shared>> -> memref<400xi32, #tpu.memory_space<vmem_shared>>
      tpu.enqueue_dma source(%dma_start3A_768 : memref<400xi32, #tpu.memory_space<vmem_shared>>) target(%arg19 : memref<400xi32, #tpu.memory_space<vmem>>) target_semaphore(%run_scoped3A_763 : memref<!tpu.dma_semaphore, #tpu.memory_space<semaphore_mem>>)
      %dma_wait3A = arith.constant 0 : i32
      %dma_wait3A_769 = tpu.memref_slice %arg13[%run_scoped3A_45, %dma_wait3A] : memref<16x400xi32, #tpu.memory_space<vmem_shared>> -> memref<1x400xi32, #tpu.memory_space<vmem_shared>>
      %dma_wait3A_770 = tpu.memref_squeeze %dma_wait3A_769 : memref<1x400xi32, #tpu.memory_space<vmem_shared>> -> memref<400xi32, #tpu.memory_space<vmem_shared>>
      %dma_wait3A_771 = arith.constant 0 : i32
      %dma_wait3A_772 = tpu.memref_slice %arg13[%run_scoped3A_45, %dma_wait3A_771] : memref<16x400xi32, #tpu.memory_space<vmem_shared>> -> memref<1x400xi32, #tpu.memory_space<vmem_shared>>
      %dma_wait3A_773 = tpu.memref_squeeze %dma_wait3A_772 : memref<1x400xi32, #tpu.memory_space<vmem_shared>> -> memref<400xi32, #tpu.memory_space<vmem_shared>>
      tpu.wait_dma2 semaphore(%run_scoped3A_763 : memref<!tpu.dma_semaphore, #tpu.memory_space<semaphore_mem>>) src(%dma_wait3A_773 : memref<400xi32, #tpu.memory_space<vmem_shared>>) dst(%arg19 : memref<400xi32, #tpu.memory_space<vmem>>)
      tpu.yield
    }) : () -> ()
    %scan3A_46 = arith.constant 0 : i32
    %scan3A_47 = arith.constant 0 : i32
    %scan3A_48 = arith.constant 25 : i32
    %scan3A_49 = arith.addi %scan3A_47, %scan3A_48 : i32
    %scan3A_50 = arith.constant 1 : i32
    %scan3A_51 = scf.for %scan3A_763 = %scan3A_47 to %scan3A_49 step %scan3A_50 iter_args(%scan3A_764 = %scan3A_46) -> (i32)  : i32 {
      %mul3A_765 = arith.constant 16 : i32
      %mul3A_766 = arith.muli %scan3A_763, %mul3A_765 : i32
      %get3A_767 = arith.index_cast %mul3A_766 : i32 to index
      %get3A_768 = tpu.vector_load %arg18[%get3A_767] {strides = array<i32>} : memref<400xi32, #tpu.memory_space<vmem>>, vector<16xi32>,
      %mul3A_769 = arith.constant 16 : i32
      %mul3A_770 = arith.muli %scan3A_763, %mul3A_769 : i32
      %get3A_771 = arith.index_cast %mul3A_770 : i32 to index
      %get3A_772 = tpu.vector_load %arg19[%get3A_771] {strides = array<i32>} : memref<400xi32, #tpu.memory_space<vmem>>, vector<16xi32>,
      %add3A_773 = arith.addi %get3A_768, %get3A_772 : vector<16xi32>
      %swap3A_774 = arith.index_cast %mul3A_766 : i32 to index
      %swap3A_775 = tpu.vector_load %arg18[%swap3A_774] {strides = array<i32>} : memref<400xi32, #tpu.memory_space<vmem>>, vector<16xi32>,
      tpu.vector_store %arg18[%swap3A_774], %add3A_773 {strides = array<i32>} : memref<400xi32, #tpu.memory_space<vmem>>, vector<16xi32>,
      %scan3A_776 = arith.constant 0 : i32
      scf.yield %scan3A_776 : i32
    }
    %scan3A_52 = arith.constant 25 : i32
    %run_scoped3A_53 = arith.constant 5 : i32
    "tpu.region"() ({
      %run_scoped3A_763 = tpu.sem_alloc : memref<!tpu.dma_semaphore, #tpu.memory_space<semaphore_mem>>
      %dma_start3A = arith.constant 0 : i32
      %dma_start3A_764 = tpu.memref_slice %arg13[%run_scoped3A_53, %dma_start3A] : memref<16x400xi32, #tpu.memory_space<vmem_shared>> -> memref<1x400xi32, #tpu.memory_space<vmem_shared>>
      %dma_start3A_765 = tpu.memref_squeeze %dma_start3A_764 : memref<1x400xi32, #tpu.memory_space<vmem_shared>> -> memref<400xi32, #tpu.memory_space<vmem_shared>>
      %dma_start3A_766 = arith.constant 0 : i32
      %dma_start3A_767 = tpu.memref_slice %arg13[%run_scoped3A_53, %dma_start3A_766] : memref<16x400xi32, #tpu.memory_space<vmem_shared>> -> memref<1x400xi32, #tpu.memory_space<vmem_shared>>
      %dma_start3A_768 = tpu.memref_squeeze %dma_start3A_767 : memref<1x400xi32, #tpu.memory_space<vmem_shared>> -> memref<400xi32, #tpu.memory_space<vmem_shared>>
      tpu.enqueue_dma source(%dma_start3A_768 : memref<400xi32, #tpu.memory_space<vmem_shared>>) target(%arg19 : memref<400xi32, #tpu.memory_space<vmem>>) target_semaphore(%run_scoped3A_763 : memref<!tpu.dma_semaphore, #tpu.memory_space<semaphore_mem>>)
      %dma_wait3A = arith.constant 0 : i32
      %dma_wait3A_769 = tpu.memref_slice %arg13[%run_scoped3A_53, %dma_wait3A] : memref<16x400xi32, #tpu.memory_space<vmem_shared>> -> memref<1x400xi32, #tpu.memory_space<vmem_shared>>
      %dma_wait3A_770 = tpu.memref_squeeze %dma_wait3A_769 : memref<1x400xi32, #tpu.memory_space<vmem_shared>> -> memref<400xi32, #tpu.memory_space<vmem_shared>>
      %dma_wait3A_771 = arith.constant 0 : i32
      %dma_wait3A_772 = tpu.memref_slice %arg13[%run_scoped3A_53, %dma_wait3A_771] : memref<16x400xi32, #tpu.memory_space<vmem_shared>> -> memref<1x400xi32, #tpu.memory_space<vmem_shared>>
      %dma_wait3A_773 = tpu.memref_squeeze %dma_wait3A_772 : memref<1x400xi32, #tpu.memory_space<vmem_shared>> -> memref<400xi32, #tpu.memory_space<vmem_shared>>
      tpu.wait_dma2 semaphore(%run_scoped3A_763 : memref<!tpu.dma_semaphore, #tpu.memory_space<semaphore_mem>>) src(%dma_wait3A_773 : memref<400xi32, #tpu.memory_space<vmem_shared>>) dst(%arg19 : memref<400xi32, #tpu.memory_space<vmem>>)
      tpu.yield
    }) : () -> ()
    %scan3A_54 = arith.constant 0 : i32
    %scan3A_55 = arith.constant 0 : i32
    %scan3A_56 = arith.constant 25 : i32
    %scan3A_57 = arith.addi %scan3A_55, %scan3A_56 : i32
    %scan3A_58 = arith.constant 1 : i32
    %scan3A_59 = scf.for %scan3A_763 = %scan3A_55 to %scan3A_57 step %scan3A_58 iter_args(%scan3A_764 = %scan3A_54) -> (i32)  : i32 {
      %mul3A_765 = arith.constant 16 : i32
      %mul3A_766 = arith.muli %scan3A_763, %mul3A_765 : i32
      %get3A_767 = arith.index_cast %mul3A_766 : i32 to index
      %get3A_768 = tpu.vector_load %arg18[%get3A_767] {strides = array<i32>} : memref<400xi32, #tpu.memory_space<vmem>>, vector<16xi32>,
      %mul3A_769 = arith.constant 16 : i32
      %mul3A_770 = arith.muli %scan3A_763, %mul3A_769 : i32
      %get3A_771 = arith.index_cast %mul3A_770 : i32 to index
      %get3A_772 = tpu.vector_load %arg19[%get3A_771] {strides = array<i32>} : memref<400xi32, #tpu.memory_space<vmem>>, vector<16xi32>,
      %add3A_773 = arith.addi %get3A_768, %get3A_772 : vector<16xi32>
      %swap3A_774 = arith.index_cast %mul3A_766 : i32 to index
      %swap3A_775 = tpu.vector_load %arg18[%swap3A_774] {strides = array<i32>} : memref<400xi32, #tpu.memory_space<vmem>>, vector<16xi32>,
      tpu.vector_store %arg18[%swap3A_774], %add3A_773 {strides = array<i32>} : memref<400xi32, #tpu.memory_space<vmem>>, vector<16xi32>,
      %scan3A_776 = arith.constant 0 : i32
      scf.yield %scan3A_776 : i32
    }
    %scan3A_60 = arith.constant 25 : i32
    %run_scoped3A_61 = arith.constant 6 : i32
    "tpu.region"() ({
      %run_scoped3A_763 = tpu.sem_alloc : memref<!tpu.dma_semaphore, #tpu.memory_space<semaphore_mem>>
      %dma_start3A = arith.constant 0 : i32
      %dma_start3A_764 = tpu.memref_slice %arg13[%run_scoped3A_61, %dma_start3A] : memref<16x400xi32, #tpu.memory_space<vmem_shared>> -> memref<1x400xi32, #tpu.memory_space<vmem_shared>>
      %dma_start3A_765 = tpu.memref_squeeze %dma_start3A_764 : memref<1x400xi32, #tpu.memory_space<vmem_shared>> -> memref<400xi32, #tpu.memory_space<vmem_shared>>
      %dma_start3A_766 = arith.constant 0 : i32
      %dma_start3A_767 = tpu.memref_slice %arg13[%run_scoped3A_61, %dma_start3A_766] : memref<16x400xi32, #tpu.memory_space<vmem_shared>> -> memref<1x400xi32, #tpu.memory_space<vmem_shared>>
      %dma_start3A_768 = tpu.memref_squeeze %dma_start3A_767 : memref<1x400xi32, #tpu.memory_space<vmem_shared>> -> memref<400xi32, #tpu.memory_space<vmem_shared>>
      tpu.enqueue_dma source(%dma_start3A_768 : memref<400xi32, #tpu.memory_space<vmem_shared>>) target(%arg19 : memref<400xi32, #tpu.memory_space<vmem>>) target_semaphore(%run_scoped3A_763 : memref<!tpu.dma_semaphore, #tpu.memory_space<semaphore_mem>>)
      %dma_wait3A = arith.constant 0 : i32
      %dma_wait3A_769 = tpu.memref_slice %arg13[%run_scoped3A_61, %dma_wait3A] : memref<16x400xi32, #tpu.memory_space<vmem_shared>> -> memref<1x400xi32, #tpu.memory_space<vmem_shared>>
      %dma_wait3A_770 = tpu.memref_squeeze %dma_wait3A_769 : memref<1x400xi32, #tpu.memory_space<vmem_shared>> -> memref<400xi32, #tpu.memory_space<vmem_shared>>
      %dma_wait3A_771 = arith.constant 0 : i32
      %dma_wait3A_772 = tpu.memref_slice %arg13[%run_scoped3A_61, %dma_wait3A_771] : memref<16x400xi32, #tpu.memory_space<vmem_shared>> -> memref<1x400xi32, #tpu.memory_space<vmem_shared>>
      %dma_wait3A_773 = tpu.memref_squeeze %dma_wait3A_772 : memref<1x400xi32, #tpu.memory_space<vmem_shared>> -> memref<400xi32, #tpu.memory_space<vmem_shared>>
      tpu.wait_dma2 semaphore(%run_scoped3A_763 : memref<!tpu.dma_semaphore, #tpu.memory_space<semaphore_mem>>) src(%dma_wait3A_773 : memref<400xi32, #tpu.memory_space<vmem_shared>>) dst(%arg19 : memref<400xi32, #tpu.memory_space<vmem>>)
      tpu.yield
    }) : () -> ()
    %scan3A_62 = arith.constant 0 : i32
    %scan3A_63 = arith.constant 0 : i32
    %scan3A_64 = arith.constant 25 : i32
    %scan3A_65 = arith.addi %scan3A_63, %scan3A_64 : i32
    %scan3A_66 = arith.constant 1 : i32
    %scan3A_67 = scf.for %scan3A_763 = %scan3A_63 to %scan3A_65 step %scan3A_66 iter_args(%scan3A_764 = %scan3A_62) -> (i32)  : i32 {
      %mul3A_765 = arith.constant 16 : i32
      %mul3A_766 = arith.muli %scan3A_763, %mul3A_765 : i32
      %get3A_767 = arith.index_cast %mul3A_766 : i32 to index
      %get3A_768 = tpu.vector_load %arg18[%get3A_767] {strides = array<i32>} : memref<400xi32, #tpu.memory_space<vmem>>, vector<16xi32>,
      %mul3A_769 = arith.constant 16 : i32
      %mul3A_770 = arith.muli %scan3A_763, %mul3A_769 : i32
      %get3A_771 = arith.index_cast %mul3A_770 : i32 to index
      %get3A_772 = tpu.vector_load %arg19[%get3A_771] {strides = array<i32>} : memref<400xi32, #tpu.memory_space<vmem>>, vector<16xi32>,
      %add3A_773 = arith.addi %get3A_768, %get3A_772 : vector<16xi32>
      %swap3A_774 = arith.index_cast %mul3A_766 : i32 to index
      %swap3A_775 = tpu.vector_load %arg18[%swap3A_774] {strides = array<i32>} : memref<400xi32, #tpu.memory_space<vmem>>, vector<16xi32>,
      tpu.vector_store %arg18[%swap3A_774], %add3A_773 {strides = array<i32>} : memref<400xi32, #tpu.memory_space<vmem>>, vector<16xi32>,
      %scan3A_776 = arith.constant 0 : i32
      scf.yield %scan3A_776 : i32
    }
    %scan3A_68 = arith.constant 25 : i32
    %run_scoped3A_69 = arith.constant 7 : i32
    "tpu.region"() ({
      %run_scoped3A_763 = tpu.sem_alloc : memref<!tpu.dma_semaphore, #tpu.memory_space<semaphore_mem>>
      %dma_start3A = arith.constant 0 : i32
      %dma_start3A_764 = tpu.memref_slice %arg13[%run_scoped3A_69, %dma_start3A] : memref<16x400xi32, #tpu.memory_space<vmem_shared>> -> memref<1x400xi32, #tpu.memory_space<vmem_shared>>
      %dma_start3A_765 = tpu.memref_squeeze %dma_start3A_764 : memref<1x400xi32, #tpu.memory_space<vmem_shared>> -> memref<400xi32, #tpu.memory_space<vmem_shared>>
      %dma_start3A_766 = arith.constant 0 : i32
      %dma_start3A_767 = tpu.memref_slice %arg13[%run_scoped3A_69, %dma_start3A_766] : memref<16x400xi32, #tpu.memory_space<vmem_shared>> -> memref<1x400xi32, #tpu.memory_space<vmem_shared>>
      %dma_start3A_768 = tpu.memref_squeeze %dma_start3A_767 : memref<1x400xi32, #tpu.memory_space<vmem_shared>> -> memref<400xi32, #tpu.memory_space<vmem_shared>>
      tpu.enqueue_dma source(%dma_start3A_768 : memref<400xi32, #tpu.memory_space<vmem_shared>>) target(%arg19 : memref<400xi32, #tpu.memory_space<vmem>>) target_semaphore(%run_scoped3A_763 : memref<!tpu.dma_semaphore, #tpu.memory_space<semaphore_mem>>)
      %dma_wait3A = arith.constant 0 : i32
      %dma_wait3A_769 = tpu.memref_slice %arg13[%run_scoped3A_69, %dma_wait3A] : memref<16x400xi32, #tpu.memory_space<vmem_shared>> -> memref<1x400xi32, #tpu.memory_space<vmem_shared>>
      %dma_wait3A_770 = tpu.memref_squeeze %dma_wait3A_769 : memref<1x400xi32, #tpu.memory_space<vmem_shared>> -> memref<400xi32, #tpu.memory_space<vmem_shared>>
      %dma_wait3A_771 = arith.constant 0 : i32
      %dma_wait3A_772 = tpu.memref_slice %arg13[%run_scoped3A_69, %dma_wait3A_771] : memref<16x400xi32, #tpu.memory_space<vmem_shared>> -> memref<1x400xi32, #tpu.memory_space<vmem_shared>>
      %dma_wait3A_773 = tpu.memref_squeeze %dma_wait3A_772 : memref<1x400xi32, #tpu.memory_space<vmem_shared>> -> memref<400xi32, #tpu.memory_space<vmem_shared>>
      tpu.wait_dma2 semaphore(%run_scoped3A_763 : memref<!tpu.dma_semaphore, #tpu.memory_space<semaphore_mem>>) src(%dma_wait3A_773 : memref<400xi32, #tpu.memory_space<vmem_shared>>) dst(%arg19 : memref<400xi32, #tpu.memory_space<vmem>>)
      tpu.yield
    }) : () -> ()
    %scan3A_70 = arith.constant 0 : i32
    %scan3A_71 = arith.constant 0 : i32
    %scan3A_72 = arith.constant 25 : i32
    %scan3A_73 = arith.addi %scan3A_71, %scan3A_72 : i32
    %scan3A_74 = arith.constant 1 : i32
    %scan3A_75 = scf.for %scan3A_763 = %scan3A_71 to %scan3A_73 step %scan3A_74 iter_args(%scan3A_764 = %scan3A_70) -> (i32)  : i32 {
      %mul3A_765 = arith.constant 16 : i32
      %mul3A_766 = arith.muli %scan3A_763, %mul3A_765 : i32
      %get3A_767 = arith.index_cast %mul3A_766 : i32 to index
      %get3A_768 = tpu.vector_load %arg18[%get3A_767] {strides = array<i32>} : memref<400xi32, #tpu.memory_space<vmem>>, vector<16xi32>,
      %mul3A_769 = arith.constant 16 : i32
      %mul3A_770 = arith.muli %scan3A_763, %mul3A_769 : i32
      %get3A_771 = arith.index_cast %mul3A_770 : i32 to index
      %get3A_772 = tpu.vector_load %arg19[%get3A_771] {strides = array<i32>} : memref<400xi32, #tpu.memory_space<vmem>>, vector<16xi32>,
      %add3A_773 = arith.addi %get3A_768, %get3A_772 : vector<16xi32>
      %swap3A_774 = arith.index_cast %mul3A_766 : i32 to index
      %swap3A_775 = tpu.vector_load %arg18[%swap3A_774] {strides = array<i32>} : memref<400xi32, #tpu.memory_space<vmem>>, vector<16xi32>,
      tpu.vector_store %arg18[%swap3A_774], %add3A_773 {strides = array<i32>} : memref<400xi32, #tpu.memory_space<vmem>>, vector<16xi32>,
      %scan3A_776 = arith.constant 0 : i32
      scf.yield %scan3A_776 : i32
    }
    %scan3A_76 = arith.constant 25 : i32
    %run_scoped3A_77 = arith.constant 8 : i32
    "tpu.region"() ({
      %run_scoped3A_763 = tpu.sem_alloc : memref<!tpu.dma_semaphore, #tpu.memory_space<semaphore_mem>>
      %dma_start3A = arith.constant 0 : i32
      %dma_start3A_764 = tpu.memref_slice %arg13[%run_scoped3A_77, %dma_start3A] : memref<16x400xi32, #tpu.memory_space<vmem_shared>> -> memref<1x400xi32, #tpu.memory_space<vmem_shared>>
      %dma_start3A_765 = tpu.memref_squeeze %dma_start3A_764 : memref<1x400xi32, #tpu.memory_space<vmem_shared>> -> memref<400xi32, #tpu.memory_space<vmem_shared>>
      %dma_start3A_766 = arith.constant 0 : i32
      %dma_start3A_767 = tpu.memref_slice %arg13[%run_scoped3A_77, %dma_start3A_766] : memref<16x400xi32, #tpu.memory_space<vmem_shared>> -> memref<1x400xi32, #tpu.memory_space<vmem_shared>>
      %dma_start3A_768 = tpu.memref_squeeze %dma_start3A_767 : memref<1x400xi32, #tpu.memory_space<vmem_shared>> -> memref<400xi32, #tpu.memory_space<vmem_shared>>
      tpu.enqueue_dma source(%dma_start3A_768 : memref<400xi32, #tpu.memory_space<vmem_shared>>) target(%arg19 : memref<400xi32, #tpu.memory_space<vmem>>) target_semaphore(%run_scoped3A_763 : memref<!tpu.dma_semaphore, #tpu.memory_space<semaphore_mem>>)
      %dma_wait3A = arith.constant 0 : i32
      %dma_wait3A_769 = tpu.memref_slice %arg13[%run_scoped3A_77, %dma_wait3A] : memref<16x400xi32, #tpu.memory_space<vmem_shared>> -> memref<1x400xi32, #tpu.memory_space<vmem_shared>>
      %dma_wait3A_770 = tpu.memref_squeeze %dma_wait3A_769 : memref<1x400xi32, #tpu.memory_space<vmem_shared>> -> memref<400xi32, #tpu.memory_space<vmem_shared>>
      %dma_wait3A_771 = arith.constant 0 : i32
      %dma_wait3A_772 = tpu.memref_slice %arg13[%run_scoped3A_77, %dma_wait3A_771] : memref<16x400xi32, #tpu.memory_space<vmem_shared>> -> memref<1x400xi32, #tpu.memory_space<vmem_shared>>
      %dma_wait3A_773 = tpu.memref_squeeze %dma_wait3A_772 : memref<1x400xi32, #tpu.memory_space<vmem_shared>> -> memref<400xi32, #tpu.memory_space<vmem_shared>>
      tpu.wait_dma2 semaphore(%run_scoped3A_763 : memref<!tpu.dma_semaphore, #tpu.memory_space<semaphore_mem>>) src(%dma_wait3A_773 : memref<400xi32, #tpu.memory_space<vmem_shared>>) dst(%arg19 : memref<400xi32, #tpu.memory_space<vmem>>)
      tpu.yield
    }) : () -> ()
    %scan3A_78 = arith.constant 0 : i32
    %scan3A_79 = arith.constant 0 : i32
    %scan3A_80 = arith.constant 25 : i32
    %scan3A_81 = arith.addi %scan3A_79, %scan3A_80 : i32
    %scan3A_82 = arith.constant 1 : i32
    %scan3A_83 = scf.for %scan3A_763 = %scan3A_79 to %scan3A_81 step %scan3A_82 iter_args(%scan3A_764 = %scan3A_78) -> (i32)  : i32 {
      %mul3A_765 = arith.constant 16 : i32
      %mul3A_766 = arith.muli %scan3A_763, %mul3A_765 : i32
      %get3A_767 = arith.index_cast %mul3A_766 : i32 to index
      %get3A_768 = tpu.vector_load %arg18[%get3A_767] {strides = array<i32>} : memref<400xi32, #tpu.memory_space<vmem>>, vector<16xi32>,
      %mul3A_769 = arith.constant 16 : i32
      %mul3A_770 = arith.muli %scan3A_763, %mul3A_769 : i32
      %get3A_771 = arith.index_cast %mul3A_770 : i32 to index
      %get3A_772 = tpu.vector_load %arg19[%get3A_771] {strides = array<i32>} : memref<400xi32, #tpu.memory_space<vmem>>, vector<16xi32>,
      %add3A_773 = arith.addi %get3A_768, %get3A_772 : vector<16xi32>
      %swap3A_774 = arith.index_cast %mul3A_766 : i32 to index
      %swap3A_775 = tpu.vector_load %arg18[%swap3A_774] {strides = array<i32>} : memref<400xi32, #tpu.memory_space<vmem>>, vector<16xi32>,
      tpu.vector_store %arg18[%swap3A_774], %add3A_773 {strides = array<i32>} : memref<400xi32, #tpu.memory_space<vmem>>, vector<16xi32>,
      %scan3A_776 = arith.constant 0 : i32
      scf.yield %scan3A_776 : i32
    }
    %scan3A_84 = arith.constant 25 : i32
    %run_scoped3A_85 = arith.constant 9 : i32
    "tpu.region"() ({
      %run_scoped3A_763 = tpu.sem_alloc : memref<!tpu.dma_semaphore, #tpu.memory_space<semaphore_mem>>
      %dma_start3A = arith.constant 0 : i32
      %dma_start3A_764 = tpu.memref_slice %arg13[%run_scoped3A_85, %dma_start3A] : memref<16x400xi32, #tpu.memory_space<vmem_shared>> -> memref<1x400xi32, #tpu.memory_space<vmem_shared>>
      %dma_start3A_765 = tpu.memref_squeeze %dma_start3A_764 : memref<1x400xi32, #tpu.memory_space<vmem_shared>> -> memref<400xi32, #tpu.memory_space<vmem_shared>>
      %dma_start3A_766 = arith.constant 0 : i32
      %dma_start3A_767 = tpu.memref_slice %arg13[%run_scoped3A_85, %dma_start3A_766] : memref<16x400xi32, #tpu.memory_space<vmem_shared>> -> memref<1x400xi32, #tpu.memory_space<vmem_shared>>
      %dma_start3A_768 = tpu.memref_squeeze %dma_start3A_767 : memref<1x400xi32, #tpu.memory_space<vmem_shared>> -> memref<400xi32, #tpu.memory_space<vmem_shared>>
      tpu.enqueue_dma source(%dma_start3A_768 : memref<400xi32, #tpu.memory_space<vmem_shared>>) target(%arg19 : memref<400xi32, #tpu.memory_space<vmem>>) target_semaphore(%run_scoped3A_763 : memref<!tpu.dma_semaphore, #tpu.memory_space<semaphore_mem>>)
      %dma_wait3A = arith.constant 0 : i32
      %dma_wait3A_769 = tpu.memref_slice %arg13[%run_scoped3A_85, %dma_wait3A] : memref<16x400xi32, #tpu.memory_space<vmem_shared>> -> memref<1x400xi32, #tpu.memory_space<vmem_shared>>
      %dma_wait3A_770 = tpu.memref_squeeze %dma_wait3A_769 : memref<1x400xi32, #tpu.memory_space<vmem_shared>> -> memref<400xi32, #tpu.memory_space<vmem_shared>>
      %dma_wait3A_771 = arith.constant 0 : i32
      %dma_wait3A_772 = tpu.memref_slice %arg13[%run_scoped3A_85, %dma_wait3A_771] : memref<16x400xi32, #tpu.memory_space<vmem_shared>> -> memref<1x400xi32, #tpu.memory_space<vmem_shared>>
      %dma_wait3A_773 = tpu.memref_squeeze %dma_wait3A_772 : memref<1x400xi32, #tpu.memory_space<vmem_shared>> -> memref<400xi32, #tpu.memory_space<vmem_shared>>
      tpu.wait_dma2 semaphore(%run_scoped3A_763 : memref<!tpu.dma_semaphore, #tpu.memory_space<semaphore_mem>>) src(%dma_wait3A_773 : memref<400xi32, #tpu.memory_space<vmem_shared>>) dst(%arg19 : memref<400xi32, #tpu.memory_space<vmem>>)
      tpu.yield
    }) : () -> ()
    %scan3A_86 = arith.constant 0 : i32
    %scan3A_87 = arith.constant 0 : i32
    %scan3A_88 = arith.constant 25 : i32
    %scan3A_89 = arith.addi %scan3A_87, %scan3A_88 : i32
    %scan3A_90 = arith.constant 1 : i32
    %scan3A_91 = scf.for %scan3A_763 = %scan3A_87 to %scan3A_89 step %scan3A_90 iter_args(%scan3A_764 = %scan3A_86) -> (i32)  : i32 {
      %mul3A_765 = arith.constant 16 : i32
      %mul3A_766 = arith.muli %scan3A_763, %mul3A_765 : i32
      %get3A_767 = arith.index_cast %mul3A_766 : i32 to index
      %get3A_768 = tpu.vector_load %arg18[%get3A_767] {strides = array<i32>} : memref<400xi32, #tpu.memory_space<vmem>>, vector<16xi32>,
      %mul3A_769 = arith.constant 16 : i32
      %mul3A_770 = arith.muli %scan3A_763, %mul3A_769 : i32
      %get3A_771 = arith.index_cast %mul3A_770 : i32 to index
      %get3A_772 = tpu.vector_load %arg19[%get3A_771] {strides = array<i32>} : memref<400xi32, #tpu.memory_space<vmem>>, vector<16xi32>,
      %add3A_773 = arith.addi %get3A_768, %get3A_772 : vector<16xi32>
      %swap3A_774 = arith.index_cast %mul3A_766 : i32 to index
      %swap3A_775 = tpu.vector_load %arg18[%swap3A_774] {strides = array<i32>} : memref<400xi32, #tpu.memory_space<vmem>>, vector<16xi32>,
      tpu.vector_store %arg18[%swap3A_774], %add3A_773 {strides = array<i32>} : memref<400xi32, #tpu.memory_space<vmem>>, vector<16xi32>,
      %scan3A_776 = arith.constant 0 : i32
      scf.yield %scan3A_776 : i32
    }
    %scan3A_92 = arith.constant 25 : i32
    %run_scoped3A_93 = arith.constant 10 : i32
    "tpu.region"() ({
      %run_scoped3A_763 = tpu.sem_alloc : memref<!tpu.dma_semaphore, #tpu.memory_space<semaphore_mem>>
      %dma_start3A = arith.constant 0 : i32
      %dma_start3A_764 = tpu.memref_slice %arg13[%run_scoped3A_93, %dma_start3A] : memref<16x400xi32, #tpu.memory_space<vmem_shared>> -> memref<1x400xi32, #tpu.memory_space<vmem_shared>>
      %dma_start3A_765 = tpu.memref_squeeze %dma_start3A_764 : memref<1x400xi32, #tpu.memory_space<vmem_shared>> -> memref<400xi32, #tpu.memory_space<vmem_shared>>
      %dma_start3A_766 = arith.constant 0 : i32
      %dma_start3A_767 = tpu.memref_slice %arg13[%run_scoped3A_93, %dma_start3A_766] : memref<16x400xi32, #tpu.memory_space<vmem_shared>> -> memref<1x400xi32, #tpu.memory_space<vmem_shared>>
      %dma_start3A_768 = tpu.memref_squeeze %dma_start3A_767 : memref<1x400xi32, #tpu.memory_space<vmem_shared>> -> memref<400xi32, #tpu.memory_space<vmem_shared>>
      tpu.enqueue_dma source(%dma_start3A_768 : memref<400xi32, #tpu.memory_space<vmem_shared>>) target(%arg19 : memref<400xi32, #tpu.memory_space<vmem>>) target_semaphore(%run_scoped3A_763 : memref<!tpu.dma_semaphore, #tpu.memory_space<semaphore_mem>>)
      %dma_wait3A = arith.constant 0 : i32
      %dma_wait3A_769 = tpu.memref_slice %arg13[%run_scoped3A_93, %dma_wait3A] : memref<16x400xi32, #tpu.memory_space<vmem_shared>> -> memref<1x400xi32, #tpu.memory_space<vmem_shared>>
      %dma_wait3A_770 = tpu.memref_squeeze %dma_wait3A_769 : memref<1x400xi32, #tpu.memory_space<vmem_shared>> -> memref<400xi32, #tpu.memory_space<vmem_shared>>
      %dma_wait3A_771 = arith.constant 0 : i32
      %dma_wait3A_772 = tpu.memref_slice %arg13[%run_scoped3A_93, %dma_wait3A_771] : memref<16x400xi32, #tpu.memory_space<vmem_shared>> -> memref<1x400xi32, #tpu.memory_space<vmem_shared>>
      %dma_wait3A_773 = tpu.memref_squeeze %dma_wait3A_772 : memref<1x400xi32, #tpu.memory_space<vmem_shared>> -> memref<400xi32, #tpu.memory_space<vmem_shared>>
      tpu.wait_dma2 semaphore(%run_scoped3A_763 : memref<!tpu.dma_semaphore, #tpu.memory_space<semaphore_mem>>) src(%dma_wait3A_773 : memref<400xi32, #tpu.memory_space<vmem_shared>>) dst(%arg19 : memref<400xi32, #tpu.memory_space<vmem>>)
      tpu.yield
    }) : () -> ()
    %scan3A_94 = arith.constant 0 : i32
    %scan3A_95 = arith.constant 0 : i32
    %scan3A_96 = arith.constant 25 : i32
    %scan3A_97 = arith.addi %scan3A_95, %scan3A_96 : i32
    %scan3A_98 = arith.constant 1 : i32
    %scan3A_99 = scf.for %scan3A_763 = %scan3A_95 to %scan3A_97 step %scan3A_98 iter_args(%scan3A_764 = %scan3A_94) -> (i32)  : i32 {
      %mul3A_765 = arith.constant 16 : i32
      %mul3A_766 = arith.muli %scan3A_763, %mul3A_765 : i32
      %get3A_767 = arith.index_cast %mul3A_766 : i32 to index
      %get3A_768 = tpu.vector_load %arg18[%get3A_767] {strides = array<i32>} : memref<400xi32, #tpu.memory_space<vmem>>, vector<16xi32>,
      %mul3A_769 = arith.constant 16 : i32
      %mul3A_770 = arith.muli %scan3A_763, %mul3A_769 : i32
      %get3A_771 = arith.index_cast %mul3A_770 : i32 to index
      %get3A_772 = tpu.vector_load %arg19[%get3A_771] {strides = array<i32>} : memref<400xi32, #tpu.memory_space<vmem>>, vector<16xi32>,
      %add3A_773 = arith.addi %get3A_768, %get3A_772 : vector<16xi32>
      %swap3A_774 = arith.index_cast %mul3A_766 : i32 to index
      %swap3A_775 = tpu.vector_load %arg18[%swap3A_774] {strides = array<i32>} : memref<400xi32, #tpu.memory_space<vmem>>, vector<16xi32>,
      tpu.vector_store %arg18[%swap3A_774], %add3A_773 {strides = array<i32>} : memref<400xi32, #tpu.memory_space<vmem>>, vector<16xi32>,
      %scan3A_776 = arith.constant 0 : i32
      scf.yield %scan3A_776 : i32
    }
    %scan3A_100 = arith.constant 25 : i32
    %run_scoped3A_101 = arith.constant 11 : i32
    "tpu.region"() ({
      %run_scoped3A_763 = tpu.sem_alloc : memref<!tpu.dma_semaphore, #tpu.memory_space<semaphore_mem>>
      %dma_start3A = arith.constant 0 : i32
      %dma_start3A_764 = tpu.memref_slice %arg13[%run_scoped3A_101, %dma_start3A] : memref<16x400xi32, #tpu.memory_space<vmem_shared>> -> memref<1x400xi32, #tpu.memory_space<vmem_shared>>
      %dma_start3A_765 = tpu.memref_squeeze %dma_start3A_764 : memref<1x400xi32, #tpu.memory_space<vmem_shared>> -> memref<400xi32, #tpu.memory_space<vmem_shared>>
      %dma_start3A_766 = arith.constant 0 : i32
      %dma_start3A_767 = tpu.memref_slice %arg13[%run_scoped3A_101, %dma_start3A_766] : memref<16x400xi32, #tpu.memory_space<vmem_shared>> -> memref<1x400xi32, #tpu.memory_space<vmem_shared>>
      %dma_start3A_768 = tpu.memref_squeeze %dma_start3A_767 : memref<1x400xi32, #tpu.memory_space<vmem_shared>> -> memref<400xi32, #tpu.memory_space<vmem_shared>>
      tpu.enqueue_dma source(%dma_start3A_768 : memref<400xi32, #tpu.memory_space<vmem_shared>>) target(%arg19 : memref<400xi32, #tpu.memory_space<vmem>>) target_semaphore(%run_scoped3A_763 : memref<!tpu.dma_semaphore, #tpu.memory_space<semaphore_mem>>)
      %dma_wait3A = arith.constant 0 : i32
      %dma_wait3A_769 = tpu.memref_slice %arg13[%run_scoped3A_101, %dma_wait3A] : memref<16x400xi32, #tpu.memory_space<vmem_shared>> -> memref<1x400xi32, #tpu.memory_space<vmem_shared>>
      %dma_wait3A_770 = tpu.memref_squeeze %dma_wait3A_769 : memref<1x400xi32, #tpu.memory_space<vmem_shared>> -> memref<400xi32, #tpu.memory_space<vmem_shared>>
      %dma_wait3A_771 = arith.constant 0 : i32
      %dma_wait3A_772 = tpu.memref_slice %arg13[%run_scoped3A_101, %dma_wait3A_771] : memref<16x400xi32, #tpu.memory_space<vmem_shared>> -> memref<1x400xi32, #tpu.memory_space<vmem_shared>>
      %dma_wait3A_773 = tpu.memref_squeeze %dma_wait3A_772 : memref<1x400xi32, #tpu.memory_space<vmem_shared>> -> memref<400xi32, #tpu.memory_space<vmem_shared>>
      tpu.wait_dma2 semaphore(%run_scoped3A_763 : memref<!tpu.dma_semaphore, #tpu.memory_space<semaphore_mem>>) src(%dma_wait3A_773 : memref<400xi32, #tpu.memory_space<vmem_shared>>) dst(%arg19 : memref<400xi32, #tpu.memory_space<vmem>>)
      tpu.yield
    }) : () -> ()
    %scan3A_102 = arith.constant 0 : i32
    %scan3A_103 = arith.constant 0 : i32
    %scan3A_104 = arith.constant 25 : i32
    %scan3A_105 = arith.addi %scan3A_103, %scan3A_104 : i32
    %scan3A_106 = arith.constant 1 : i32
    %scan3A_107 = scf.for %scan3A_763 = %scan3A_103 to %scan3A_105 step %scan3A_106 iter_args(%scan3A_764 = %scan3A_102) -> (i32)  : i32 {
      %mul3A_765 = arith.constant 16 : i32
      %mul3A_766 = arith.muli %scan3A_763, %mul3A_765 : i32
      %get3A_767 = arith.index_cast %mul3A_766 : i32 to index
      %get3A_768 = tpu.vector_load %arg18[%get3A_767] {strides = array<i32>} : memref<400xi32, #tpu.memory_space<vmem>>, vector<16xi32>,
      %mul3A_769 = arith.constant 16 : i32
      %mul3A_770 = arith.muli %scan3A_763, %mul3A_769 : i32
      %get3A_771 = arith.index_cast %mul3A_770 : i32 to index
      %get3A_772 = tpu.vector_load %arg19[%get3A_771] {strides = array<i32>} : memref<400xi32, #tpu.memory_space<vmem>>, vector<16xi32>,
      %add3A_773 = arith.addi %get3A_768, %get3A_772 : vector<16xi32>
      %swap3A_774 = arith.index_cast %mul3A_766 : i32 to index
      %swap3A_775 = tpu.vector_load %arg18[%swap3A_774] {strides = array<i32>} : memref<400xi32, #tpu.memory_space<vmem>>, vector<16xi32>,
      tpu.vector_store %arg18[%swap3A_774], %add3A_773 {strides = array<i32>} : memref<400xi32, #tpu.memory_space<vmem>>, vector<16xi32>,
      %scan3A_776 = arith.constant 0 : i32
      scf.yield %scan3A_776 : i32
    }
    %scan3A_108 = arith.constant 25 : i32
    %run_scoped3A_109 = arith.constant 12 : i32
    "tpu.region"() ({
      %run_scoped3A_763 = tpu.sem_alloc : memref<!tpu.dma_semaphore, #tpu.memory_space<semaphore_mem>>
      %dma_start3A = arith.constant 0 : i32
      %dma_start3A_764 = tpu.memref_slice %arg13[%run_scoped3A_109, %dma_start3A] : memref<16x400xi32, #tpu.memory_space<vmem_shared>> -> memref<1x400xi32, #tpu.memory_space<vmem_shared>>
      %dma_start3A_765 = tpu.memref_squeeze %dma_start3A_764 : memref<1x400xi32, #tpu.memory_space<vmem_shared>> -> memref<400xi32, #tpu.memory_space<vmem_shared>>
      %dma_start3A_766 = arith.constant 0 : i32
      %dma_start3A_767 = tpu.memref_slice %arg13[%run_scoped3A_109, %dma_start3A_766] : memref<16x400xi32, #tpu.memory_space<vmem_shared>> -> memref<1x400xi32, #tpu.memory_space<vmem_shared>>
      %dma_start3A_768 = tpu.memref_squeeze %dma_start3A_767 : memref<1x400xi32, #tpu.memory_space<vmem_shared>> -> memref<400xi32, #tpu.memory_space<vmem_shared>>
      tpu.enqueue_dma source(%dma_start3A_768 : memref<400xi32, #tpu.memory_space<vmem_shared>>) target(%arg19 : memref<400xi32, #tpu.memory_space<vmem>>) target_semaphore(%run_scoped3A_763 : memref<!tpu.dma_semaphore, #tpu.memory_space<semaphore_mem>>)
      %dma_wait3A = arith.constant 0 : i32
      %dma_wait3A_769 = tpu.memref_slice %arg13[%run_scoped3A_109, %dma_wait3A] : memref<16x400xi32, #tpu.memory_space<vmem_shared>> -> memref<1x400xi32, #tpu.memory_space<vmem_shared>>
      %dma_wait3A_770 = tpu.memref_squeeze %dma_wait3A_769 : memref<1x400xi32, #tpu.memory_space<vmem_shared>> -> memref<400xi32, #tpu.memory_space<vmem_shared>>
      %dma_wait3A_771 = arith.constant 0 : i32
      %dma_wait3A_772 = tpu.memref_slice %arg13[%run_scoped3A_109, %dma_wait3A_771] : memref<16x400xi32, #tpu.memory_space<vmem_shared>> -> memref<1x400xi32, #tpu.memory_space<vmem_shared>>
      %dma_wait3A_773 = tpu.memref_squeeze %dma_wait3A_772 : memref<1x400xi32, #tpu.memory_space<vmem_shared>> -> memref<400xi32, #tpu.memory_space<vmem_shared>>
      tpu.wait_dma2 semaphore(%run_scoped3A_763 : memref<!tpu.dma_semaphore, #tpu.memory_space<semaphore_mem>>) src(%dma_wait3A_773 : memref<400xi32, #tpu.memory_space<vmem_shared>>) dst(%arg19 : memref<400xi32, #tpu.memory_space<vmem>>)
      tpu.yield
    }) : () -> ()
    %scan3A_110 = arith.constant 0 : i32
    %scan3A_111 = arith.constant 0 : i32
    %scan3A_112 = arith.constant 25 : i32
    %scan3A_113 = arith.addi %scan3A_111, %scan3A_112 : i32
    %scan3A_114 = arith.constant 1 : i32
    %scan3A_115 = scf.for %scan3A_763 = %scan3A_111 to %scan3A_113 step %scan3A_114 iter_args(%scan3A_764 = %scan3A_110) -> (i32)  : i32 {
      %mul3A_765 = arith.constant 16 : i32
      %mul3A_766 = arith.muli %scan3A_763, %mul3A_765 : i32
      %get3A_767 = arith.index_cast %mul3A_766 : i32 to index
      %get3A_768 = tpu.vector_load %arg18[%get3A_767] {strides = array<i32>} : memref<400xi32, #tpu.memory_space<vmem>>, vector<16xi32>,
      %mul3A_769 = arith.constant 16 : i32
      %mul3A_770 = arith.muli %scan3A_763, %mul3A_769 : i32
      %get3A_771 = arith.index_cast %mul3A_770 : i32 to index
      %get3A_772 = tpu.vector_load %arg19[%get3A_771] {strides = array<i32>} : memref<400xi32, #tpu.memory_space<vmem>>, vector<16xi32>,
      %add3A_773 = arith.addi %get3A_768, %get3A_772 : vector<16xi32>
      %swap3A_774 = arith.index_cast %mul3A_766 : i32 to index
      %swap3A_775 = tpu.vector_load %arg18[%swap3A_774] {strides = array<i32>} : memref<400xi32, #tpu.memory_space<vmem>>, vector<16xi32>,
      tpu.vector_store %arg18[%swap3A_774], %add3A_773 {strides = array<i32>} : memref<400xi32, #tpu.memory_space<vmem>>, vector<16xi32>,
      %scan3A_776 = arith.constant 0 : i32
      scf.yield %scan3A_776 : i32
    }
    %scan3A_116 = arith.constant 25 : i32
    %run_scoped3A_117 = arith.constant 13 : i32
    "tpu.region"() ({
      %run_scoped3A_763 = tpu.sem_alloc : memref<!tpu.dma_semaphore, #tpu.memory_space<semaphore_mem>>
      %dma_start3A = arith.constant 0 : i32
      %dma_start3A_764 = tpu.memref_slice %arg13[%run_scoped3A_117, %dma_start3A] : memref<16x400xi32, #tpu.memory_space<vmem_shared>> -> memref<1x400xi32, #tpu.memory_space<vmem_shared>>
      %dma_start3A_765 = tpu.memref_squeeze %dma_start3A_764 : memref<1x400xi32, #tpu.memory_space<vmem_shared>> -> memref<400xi32, #tpu.memory_space<vmem_shared>>
      %dma_start3A_766 = arith.constant 0 : i32
      %dma_start3A_767 = tpu.memref_slice %arg13[%run_scoped3A_117, %dma_start3A_766] : memref<16x400xi32, #tpu.memory_space<vmem_shared>> -> memref<1x400xi32, #tpu.memory_space<vmem_shared>>
      %dma_start3A_768 = tpu.memref_squeeze %dma_start3A_767 : memref<1x400xi32, #tpu.memory_space<vmem_shared>> -> memref<400xi32, #tpu.memory_space<vmem_shared>>
      tpu.enqueue_dma source(%dma_start3A_768 : memref<400xi32, #tpu.memory_space<vmem_shared>>) target(%arg19 : memref<400xi32, #tpu.memory_space<vmem>>) target_semaphore(%run_scoped3A_763 : memref<!tpu.dma_semaphore, #tpu.memory_space<semaphore_mem>>)
      %dma_wait3A = arith.constant 0 : i32
      %dma_wait3A_769 = tpu.memref_slice %arg13[%run_scoped3A_117, %dma_wait3A] : memref<16x400xi32, #tpu.memory_space<vmem_shared>> -> memref<1x400xi32, #tpu.memory_space<vmem_shared>>
      %dma_wait3A_770 = tpu.memref_squeeze %dma_wait3A_769 : memref<1x400xi32, #tpu.memory_space<vmem_shared>> -> memref<400xi32, #tpu.memory_space<vmem_shared>>
      %dma_wait3A_771 = arith.constant 0 : i32
      %dma_wait3A_772 = tpu.memref_slice %arg13[%run_scoped3A_117, %dma_wait3A_771] : memref<16x400xi32, #tpu.memory_space<vmem_shared>> -> memref<1x400xi32, #tpu.memory_space<vmem_shared>>
      %dma_wait3A_773 = tpu.memref_squeeze %dma_wait3A_772 : memref<1x400xi32, #tpu.memory_space<vmem_shared>> -> memref<400xi32, #tpu.memory_space<vmem_shared>>
      tpu.wait_dma2 semaphore(%run_scoped3A_763 : memref<!tpu.dma_semaphore, #tpu.memory_space<semaphore_mem>>) src(%dma_wait3A_773 : memref<400xi32, #tpu.memory_space<vmem_shared>>) dst(%arg19 : memref<400xi32, #tpu.memory_space<vmem>>)
      tpu.yield
    }) : () -> ()
    %scan3A_118 = arith.constant 0 : i32
    %scan3A_119 = arith.constant 0 : i32
    %scan3A_120 = arith.constant 25 : i32
    %scan3A_121 = arith.addi %scan3A_119, %scan3A_120 : i32
    %scan3A_122 = arith.constant 1 : i32
    %scan3A_123 = scf.for %scan3A_763 = %scan3A_119 to %scan3A_121 step %scan3A_122 iter_args(%scan3A_764 = %scan3A_118) -> (i32)  : i32 {
      %mul3A_765 = arith.constant 16 : i32
      %mul3A_766 = arith.muli %scan3A_763, %mul3A_765 : i32
      %get3A_767 = arith.index_cast %mul3A_766 : i32 to index
      %get3A_768 = tpu.vector_load %arg18[%get3A_767] {strides = array<i32>} : memref<400xi32, #tpu.memory_space<vmem>>, vector<16xi32>,
      %mul3A_769 = arith.constant 16 : i32
      %mul3A_770 = arith.muli %scan3A_763, %mul3A_769 : i32
      %get3A_771 = arith.index_cast %mul3A_770 : i32 to index
      %get3A_772 = tpu.vector_load %arg19[%get3A_771] {strides = array<i32>} : memref<400xi32, #tpu.memory_space<vmem>>, vector<16xi32>,
      %add3A_773 = arith.addi %get3A_768, %get3A_772 : vector<16xi32>
      %swap3A_774 = arith.index_cast %mul3A_766 : i32 to index
      %swap3A_775 = tpu.vector_load %arg18[%swap3A_774] {strides = array<i32>} : memref<400xi32, #tpu.memory_space<vmem>>, vector<16xi32>,
      tpu.vector_store %arg18[%swap3A_774], %add3A_773 {strides = array<i32>} : memref<400xi32, #tpu.memory_space<vmem>>, vector<16xi32>,
      %scan3A_776 = arith.constant 0 : i32
      scf.yield %scan3A_776 : i32
    }
    %scan3A_124 = arith.constant 25 : i32
    %run_scoped3A_125 = arith.constant 14 : i32
    "tpu.region"() ({
      %run_scoped3A_763 = tpu.sem_alloc : memref<!tpu.dma_semaphore, #tpu.memory_space<semaphore_mem>>
      %dma_start3A = arith.constant 0 : i32
      %dma_start3A_764 = tpu.memref_slice %arg13[%run_scoped3A_125, %dma_start3A] : memref<16x400xi32, #tpu.memory_space<vmem_shared>> -> memref<1x400xi32, #tpu.memory_space<vmem_shared>>
      %dma_start3A_765 = tpu.memref_squeeze %dma_start3A_764 : memref<1x400xi32, #tpu.memory_space<vmem_shared>> -> memref<400xi32, #tpu.memory_space<vmem_shared>>
      %dma_start3A_766 = arith.constant 0 : i32
      %dma_start3A_767 = tpu.memref_slice %arg13[%run_scoped3A_125, %dma_start3A_766] : memref<16x400xi32, #tpu.memory_space<vmem_shared>> -> memref<1x400xi32, #tpu.memory_space<vmem_shared>>
      %dma_start3A_768 = tpu.memref_squeeze %dma_start3A_767 : memref<1x400xi32, #tpu.memory_space<vmem_shared>> -> memref<400xi32, #tpu.memory_space<vmem_shared>>
      tpu.enqueue_dma source(%dma_start3A_768 : memref<400xi32, #tpu.memory_space<vmem_shared>>) target(%arg19 : memref<400xi32, #tpu.memory_space<vmem>>) target_semaphore(%run_scoped3A_763 : memref<!tpu.dma_semaphore, #tpu.memory_space<semaphore_mem>>)
      %dma_wait3A = arith.constant 0 : i32
      %dma_wait3A_769 = tpu.memref_slice %arg13[%run_scoped3A_125, %dma_wait3A] : memref<16x400xi32, #tpu.memory_space<vmem_shared>> -> memref<1x400xi32, #tpu.memory_space<vmem_shared>>
      %dma_wait3A_770 = tpu.memref_squeeze %dma_wait3A_769 : memref<1x400xi32, #tpu.memory_space<vmem_shared>> -> memref<400xi32, #tpu.memory_space<vmem_shared>>
      %dma_wait3A_771 = arith.constant 0 : i32
      %dma_wait3A_772 = tpu.memref_slice %arg13[%run_scoped3A_125, %dma_wait3A_771] : memref<16x400xi32, #tpu.memory_space<vmem_shared>> -> memref<1x400xi32, #tpu.memory_space<vmem_shared>>
      %dma_wait3A_773 = tpu.memref_squeeze %dma_wait3A_772 : memref<1x400xi32, #tpu.memory_space<vmem_shared>> -> memref<400xi32, #tpu.memory_space<vmem_shared>>
      tpu.wait_dma2 semaphore(%run_scoped3A_763 : memref<!tpu.dma_semaphore, #tpu.memory_space<semaphore_mem>>) src(%dma_wait3A_773 : memref<400xi32, #tpu.memory_space<vmem_shared>>) dst(%arg19 : memref<400xi32, #tpu.memory_space<vmem>>)
      tpu.yield
    }) : () -> ()
    %scan3A_126 = arith.constant 0 : i32
    %scan3A_127 = arith.constant 0 : i32
    %scan3A_128 = arith.constant 25 : i32
    %scan3A_129 = arith.addi %scan3A_127, %scan3A_128 : i32
    %scan3A_130 = arith.constant 1 : i32
    %scan3A_131 = scf.for %scan3A_763 = %scan3A_127 to %scan3A_129 step %scan3A_130 iter_args(%scan3A_764 = %scan3A_126) -> (i32)  : i32 {
      %mul3A_765 = arith.constant 16 : i32
      %mul3A_766 = arith.muli %scan3A_763, %mul3A_765 : i32
      %get3A_767 = arith.index_cast %mul3A_766 : i32 to index
      %get3A_768 = tpu.vector_load %arg18[%get3A_767] {strides = array<i32>} : memref<400xi32, #tpu.memory_space<vmem>>, vector<16xi32>,
      %mul3A_769 = arith.constant 16 : i32
      %mul3A_770 = arith.muli %scan3A_763, %mul3A_769 : i32
      %get3A_771 = arith.index_cast %mul3A_770 : i32 to index
      %get3A_772 = tpu.vector_load %arg19[%get3A_771] {strides = array<i32>} : memref<400xi32, #tpu.memory_space<vmem>>, vector<16xi32>,
      %add3A_773 = arith.addi %get3A_768, %get3A_772 : vector<16xi32>
      %swap3A_774 = arith.index_cast %mul3A_766 : i32 to index
      %swap3A_775 = tpu.vector_load %arg18[%swap3A_774] {strides = array<i32>} : memref<400xi32, #tpu.memory_space<vmem>>, vector<16xi32>,
      tpu.vector_store %arg18[%swap3A_774], %add3A_773 {strides = array<i32>} : memref<400xi32, #tpu.memory_space<vmem>>, vector<16xi32>,
      %scan3A_776 = arith.constant 0 : i32
      scf.yield %scan3A_776 : i32
    }
    %scan3A_132 = arith.constant 25 : i32
    %run_scoped3A_133 = arith.constant 15 : i32
    "tpu.region"() ({
      %run_scoped3A_763 = tpu.sem_alloc : memref<!tpu.dma_semaphore, #tpu.memory_space<semaphore_mem>>
      %dma_start3A = arith.constant 0 : i32
      %dma_start3A_764 = tpu.memref_slice %arg13[%run_scoped3A_133, %dma_start3A] : memref<16x400xi32, #tpu.memory_space<vmem_shared>> -> memref<1x400xi32, #tpu.memory_space<vmem_shared>>
      %dma_start3A_765 = tpu.memref_squeeze %dma_start3A_764 : memref<1x400xi32, #tpu.memory_space<vmem_shared>> -> memref<400xi32, #tpu.memory_space<vmem_shared>>
      %dma_start3A_766 = arith.constant 0 : i32
      %dma_start3A_767 = tpu.memref_slice %arg13[%run_scoped3A_133, %dma_start3A_766] : memref<16x400xi32, #tpu.memory_space<vmem_shared>> -> memref<1x400xi32, #tpu.memory_space<vmem_shared>>
      %dma_start3A_768 = tpu.memref_squeeze %dma_start3A_767 : memref<1x400xi32, #tpu.memory_space<vmem_shared>> -> memref<400xi32, #tpu.memory_space<vmem_shared>>
      tpu.enqueue_dma source(%dma_start3A_768 : memref<400xi32, #tpu.memory_space<vmem_shared>>) target(%arg19 : memref<400xi32, #tpu.memory_space<vmem>>) target_semaphore(%run_scoped3A_763 : memref<!tpu.dma_semaphore, #tpu.memory_space<semaphore_mem>>)
      %dma_wait3A = arith.constant 0 : i32
      %dma_wait3A_769 = tpu.memref_slice %arg13[%run_scoped3A_133, %dma_wait3A] : memref<16x400xi32, #tpu.memory_space<vmem_shared>> -> memref<1x400xi32, #tpu.memory_space<vmem_shared>>
      %dma_wait3A_770 = tpu.memref_squeeze %dma_wait3A_769 : memref<1x400xi32, #tpu.memory_space<vmem_shared>> -> memref<400xi32, #tpu.memory_space<vmem_shared>>
      %dma_wait3A_771 = arith.constant 0 : i32
      %dma_wait3A_772 = tpu.memref_slice %arg13[%run_scoped3A_133, %dma_wait3A_771] : memref<16x400xi32, #tpu.memory_space<vmem_shared>> -> memref<1x400xi32, #tpu.memory_space<vmem_shared>>
      %dma_wait3A_773 = tpu.memref_squeeze %dma_wait3A_772 : memref<1x400xi32, #tpu.memory_space<vmem_shared>> -> memref<400xi32, #tpu.memory_space<vmem_shared>>
      tpu.wait_dma2 semaphore(%run_scoped3A_763 : memref<!tpu.dma_semaphore, #tpu.memory_space<semaphore_mem>>) src(%dma_wait3A_773 : memref<400xi32, #tpu.memory_space<vmem_shared>>) dst(%arg19 : memref<400xi32, #tpu.memory_space<vmem>>)
      tpu.yield
    }) : () -> ()
    %scan3A_134 = arith.constant 0 : i32
    %scan3A_135 = arith.constant 0 : i32
    %scan3A_136 = arith.constant 25 : i32
    %scan3A_137 = arith.addi %scan3A_135, %scan3A_136 : i32
    %scan3A_138 = arith.constant 1 : i32
    %scan3A_139 = scf.for %scan3A_763 = %scan3A_135 to %scan3A_137 step %scan3A_138 iter_args(%scan3A_764 = %scan3A_134) -> (i32)  : i32 {
      %mul3A_765 = arith.constant 16 : i32
      %mul3A_766 = arith.muli %scan3A_763, %mul3A_765 : i32
      %get3A_767 = arith.index_cast %mul3A_766 : i32 to index
      %get3A_768 = tpu.vector_load %arg18[%get3A_767] {strides = array<i32>} : memref<400xi32, #tpu.memory_space<vmem>>, vector<16xi32>,
      %mul3A_769 = arith.constant 16 : i32
      %mul3A_770 = arith.muli %scan3A_763, %mul3A_769 : i32
      %get3A_771 = arith.index_cast %mul3A_770 : i32 to index
      %get3A_772 = tpu.vector_load %arg19[%get3A_771] {strides = array<i32>} : memref<400xi32, #tpu.memory_space<vmem>>, vector<16xi32>,
      %add3A_773 = arith.addi %get3A_768, %get3A_772 : vector<16xi32>
      %swap3A_774 = arith.index_cast %mul3A_766 : i32 to index
      %swap3A_775 = tpu.vector_load %arg18[%swap3A_774] {strides = array<i32>} : memref<400xi32, #tpu.memory_space<vmem>>, vector<16xi32>,
      tpu.vector_store %arg18[%swap3A_774], %add3A_773 {strides = array<i32>} : memref<400xi32, #tpu.memory_space<vmem>>, vector<16xi32>,
      %scan3A_776 = arith.constant 0 : i32
      scf.yield %scan3A_776 : i32
    }
    %scan3A_140 = arith.constant 25 : i32
    %get3A = arith.constant 0 : index
    %get3A_141 = tpu.vector_load %arg18[%get3A] {strides = array<i32>} : memref<400xi32, #tpu.memory_space<vmem>>, vector<16xi32>,
    %get3A_142 = arith.constant 80 : index
    %get3A_143 = tpu.vector_load %arg18[%get3A_142] {strides = array<i32>} : memref<400xi32, #tpu.memory_space<vmem>>, vector<16xi32>,
    %get3A_144 = arith.constant 160 : index
    %get3A_145 = tpu.vector_load %arg18[%get3A_144] {strides = array<i32>} : memref<400xi32, #tpu.memory_space<vmem>>, vector<16xi32>,
    %get3A_146 = arith.constant 240 : index
    %get3A_147 = tpu.vector_load %arg18[%get3A_146] {strides = array<i32>} : memref<400xi32, #tpu.memory_space<vmem>>, vector<16xi32>,
    %get3A_148 = arith.constant 320 : index
    %get3A_149 = tpu.vector_load %arg18[%get3A_148] {strides = array<i32>} : memref<400xi32, #tpu.memory_space<vmem>>, vector<16xi32>,
    %add3A = arith.addi %get3A_141, %get3A_143 : vector<16xi32>
    %add3A_150 = arith.addi %add3A, %get3A_145 : vector<16xi32>
    %add3A_151 = arith.addi %add3A_150, %get3A_147 : vector<16xi32>
    %add3A_152 = arith.addi %add3A_151, %get3A_149 : vector<16xi32>
    %sub3A = arith.constant 1 : i32
    %sub3A_153 = vector.broadcast %sub3A : i32 to vector<16xi32>
    %sub3A_154 = arith.subi %add3A_152, %sub3A_153 : vector<16xi32>
    %shift_right_arithmetic3A = arith.constant 1 : i32
    %shift_right_arithmetic3A_155 = vector.broadcast %shift_right_arithmetic3A : i32 to vector<16xi32>
    %shift_right_arithmetic3A_156 = arith.shrsi %sub3A_154, %shift_right_arithmetic3A_155 : vector<16xi32>
    %broadcast_in_dim3A_157 = arith.constant 0 : i32
    %broadcast_in_dim3A_158 = vector.broadcast %broadcast_in_dim3A_157 : i32 to vector<16xi32>
    %broadcast_in_dim3A_159 = arith.constant 0 : i32
    %broadcast_in_dim3A_160 = vector.broadcast %broadcast_in_dim3A_159 : i32 to vector<16xi32>
    %add3A_161 = arith.addi %broadcast_in_dim3A_158, %get3A_141 : vector<16xi32>
    %le3A = arith.cmpi sle, %add3A_161, %shift_right_arithmetic3A_156 : vector<16xi32>
    %convert_element_type3A = arith.extui %le3A : vector<16xi1> to vector<16xi32>
    %add3A_162 = arith.addi %broadcast_in_dim3A_160, %convert_element_type3A : vector<16xi32>
    %add3A_163 = arith.addi %add3A_161, %get3A_143 : vector<16xi32>
    %le3A_164 = arith.cmpi sle, %add3A_163, %shift_right_arithmetic3A_156 : vector<16xi32>
    %convert_element_type3A_165 = arith.extui %le3A_164 : vector<16xi1> to vector<16xi32>
    %add3A_166 = arith.addi %add3A_162, %convert_element_type3A_165 : vector<16xi32>
    %add3A_167 = arith.addi %add3A_163, %get3A_145 : vector<16xi32>
    %le3A_168 = arith.cmpi sle, %add3A_167, %shift_right_arithmetic3A_156 : vector<16xi32>
    %convert_element_type3A_169 = arith.extui %le3A_168 : vector<16xi1> to vector<16xi32>
    %add3A_170 = arith.addi %add3A_166, %convert_element_type3A_169 : vector<16xi32>
    %add3A_171 = arith.addi %add3A_167, %get3A_147 : vector<16xi32>
    %le3A_172 = arith.cmpi sle, %add3A_171, %shift_right_arithmetic3A_156 : vector<16xi32>
    %convert_element_type3A_173 = arith.extui %le3A_172 : vector<16xi1> to vector<16xi32>
    %add3A_174 = arith.addi %add3A_170, %convert_element_type3A_173 : vector<16xi32>
    %add3A_175 = arith.addi %add3A_171, %get3A_149 : vector<16xi32>
    %le3A_176 = arith.cmpi sle, %add3A_175, %shift_right_arithmetic3A_156 : vector<16xi32>
    %convert_element_type3A_177 = arith.extui %le3A_176 : vector<16xi1> to vector<16xi32>
    %add3A_178 = arith.addi %add3A_174, %convert_element_type3A_177 : vector<16xi32>
    %swap3A = arith.constant 0 : index
    %swap3A_179 = tpu.vector_load %arg20[%swap3A] {strides = array<i32>} : memref<80xi32, #tpu.memory_space<vmem>>, vector<16xi32>,
    tpu.vector_store %arg20[%swap3A], %add3A_178 {strides = array<i32>} : memref<80xi32, #tpu.memory_space<vmem>>, vector<16xi32>,
    %add3A_180 = arith.constant 0 : i32
    %add3A_181 = vector.broadcast %add3A_180 : i32 to vector<16xi32>
    %add3A_182 = arith.addi %add3A_181, %iota3A : vector<16xi32>
    %mul3A_183 = arith.constant 80 : i32
    %mul3A_184 = vector.broadcast %mul3A_183 : i32 to vector<16xi32>
    %mul3A_185 = arith.muli %add3A_178, %mul3A_184 : vector<16xi32>
    %add3A_186 = arith.addi %mul3A_185, %add3A_182 : vector<16xi32>
    %gather3A = tpu.vector_load_idx %arg18[%add3A_186] : memref<400xi32, #tpu.memory_space<vmem>>[vector<16xi32>], vector<16xi32>,
    %max3A = arith.constant 1 : i32
    %max3A_187 = vector.broadcast %max3A : i32 to vector<16xi32>
    %max3A_188 = arith.maxsi %gather3A, %max3A_187 : vector<16xi32>
    %convert_element_type3A_189 = arith.sitofp %max3A_188 : vector<16xi32> to vector<16xf32>
    %div3A = arith.constant 1.000000e+00 : f32
    %div3A_190 = vector.broadcast %div3A : f32 to vector<16xf32>
    %div3A_191 = arith.divf %div3A_190, %convert_element_type3A_189 : vector<16xf32>
    %swap3A_192 = arith.constant 0 : index
    %swap3A_193 = tpu.vector_load %arg21[%swap3A_192] {strides = array<i32>} : memref<80xf32, #tpu.memory_space<vmem>>, vector<16xf32>,
    tpu.vector_store %arg21[%swap3A_192], %div3A_191 {strides = array<i32>} : memref<80xf32, #tpu.memory_space<vmem>>, vector<16xf32>,
    %get3A_194 = arith.constant 16 : index
    %get3A_195 = tpu.vector_load %arg18[%get3A_194] {strides = array<i32>} : memref<400xi32, #tpu.memory_space<vmem>>, vector<16xi32>,
    %get3A_196 = arith.constant 96 : index
    %get3A_197 = tpu.vector_load %arg18[%get3A_196] {strides = array<i32>} : memref<400xi32, #tpu.memory_space<vmem>>, vector<16xi32>,
    %get3A_198 = arith.constant 176 : index
    %get3A_199 = tpu.vector_load %arg18[%get3A_198] {strides = array<i32>} : memref<400xi32, #tpu.memory_space<vmem>>, vector<16xi32>,
    %get3A_200 = arith.constant 256 : index
    %get3A_201 = tpu.vector_load %arg18[%get3A_200] {strides = array<i32>} : memref<400xi32, #tpu.memory_space<vmem>>, vector<16xi32>,
    %get3A_202 = arith.constant 336 : index
    %get3A_203 = tpu.vector_load %arg18[%get3A_202] {strides = array<i32>} : memref<400xi32, #tpu.memory_space<vmem>>, vector<16xi32>,
    %add3A_204 = arith.addi %get3A_195, %get3A_197 : vector<16xi32>
    %add3A_205 = arith.addi %add3A_204, %get3A_199 : vector<16xi32>
    %add3A_206 = arith.addi %add3A_205, %get3A_201 : vector<16xi32>
    %add3A_207 = arith.addi %add3A_206, %get3A_203 : vector<16xi32>
    %sub3A_208 = arith.constant 1 : i32
    %sub3A_209 = vector.broadcast %sub3A_208 : i32 to vector<16xi32>
    %sub3A_210 = arith.subi %add3A_207, %sub3A_209 : vector<16xi32>
    %shift_right_arithmetic3A_211 = arith.constant 1 : i32
    %shift_right_arithmetic3A_212 = vector.broadcast %shift_right_arithmetic3A_211 : i32 to vector<16xi32>
    %shift_right_arithmetic3A_213 = arith.shrsi %sub3A_210, %shift_right_arithmetic3A_212 : vector<16xi32>
    %broadcast_in_dim3A_214 = arith.constant 0 : i32
    %broadcast_in_dim3A_215 = vector.broadcast %broadcast_in_dim3A_214 : i32 to vector<16xi32>
    %broadcast_in_dim3A_216 = arith.constant 0 : i32
    %broadcast_in_dim3A_217 = vector.broadcast %broadcast_in_dim3A_216 : i32 to vector<16xi32>
    %add3A_218 = arith.addi %broadcast_in_dim3A_215, %get3A_195 : vector<16xi32>
    %le3A_219 = arith.cmpi sle, %add3A_218, %shift_right_arithmetic3A_213 : vector<16xi32>
    %convert_element_type3A_220 = arith.extui %le3A_219 : vector<16xi1> to vector<16xi32>
    %add3A_221 = arith.addi %broadcast_in_dim3A_217, %convert_element_type3A_220 : vector<16xi32>
    %add3A_222 = arith.addi %add3A_218, %get3A_197 : vector<16xi32>
    %le3A_223 = arith.cmpi sle, %add3A_222, %shift_right_arithmetic3A_213 : vector<16xi32>
    %convert_element_type3A_224 = arith.extui %le3A_223 : vector<16xi1> to vector<16xi32>
    %add3A_225 = arith.addi %add3A_221, %convert_element_type3A_224 : vector<16xi32>
    %add3A_226 = arith.addi %add3A_222, %get3A_199 : vector<16xi32>
    %le3A_227 = arith.cmpi sle, %add3A_226, %shift_right_arithmetic3A_213 : vector<16xi32>
    %convert_element_type3A_228 = arith.extui %le3A_227 : vector<16xi1> to vector<16xi32>
    %add3A_229 = arith.addi %add3A_225, %convert_element_type3A_228 : vector<16xi32>
    %add3A_230 = arith.addi %add3A_226, %get3A_201 : vector<16xi32>
    %le3A_231 = arith.cmpi sle, %add3A_230, %shift_right_arithmetic3A_213 : vector<16xi32>
    %convert_element_type3A_232 = arith.extui %le3A_231 : vector<16xi1> to vector<16xi32>
    %add3A_233 = arith.addi %add3A_229, %convert_element_type3A_232 : vector<16xi32>
    %add3A_234 = arith.addi %add3A_230, %get3A_203 : vector<16xi32>
    %le3A_235 = arith.cmpi sle, %add3A_234, %shift_right_arithmetic3A_213 : vector<16xi32>
    %convert_element_type3A_236 = arith.extui %le3A_235 : vector<16xi1> to vector<16xi32>
    %add3A_237 = arith.addi %add3A_233, %convert_element_type3A_236 : vector<16xi32>
    %swap3A_238 = arith.constant 16 : index
    %swap3A_239 = tpu.vector_load %arg20[%swap3A_238] {strides = array<i32>} : memref<80xi32, #tpu.memory_space<vmem>>, vector<16xi32>,
    tpu.vector_store %arg20[%swap3A_238], %add3A_237 {strides = array<i32>} : memref<80xi32, #tpu.memory_space<vmem>>, vector<16xi32>,
    %add3A_240 = arith.constant 16 : i32
    %add3A_241 = vector.broadcast %add3A_240 : i32 to vector<16xi32>
    %add3A_242 = arith.addi %add3A_241, %iota3A : vector<16xi32>
    %mul3A_243 = arith.constant 80 : i32
    %mul3A_244 = vector.broadcast %mul3A_243 : i32 to vector<16xi32>
    %mul3A_245 = arith.muli %add3A_237, %mul3A_244 : vector<16xi32>
    %add3A_246 = arith.addi %mul3A_245, %add3A_242 : vector<16xi32>
    %gather3A_247 = tpu.vector_load_idx %arg18[%add3A_246] : memref<400xi32, #tpu.memory_space<vmem>>[vector<16xi32>], vector<16xi32>,
    %max3A_248 = arith.constant 1 : i32
    %max3A_249 = vector.broadcast %max3A_248 : i32 to vector<16xi32>
    %max3A_250 = arith.maxsi %gather3A_247, %max3A_249 : vector<16xi32>
    %convert_element_type3A_251 = arith.sitofp %max3A_250 : vector<16xi32> to vector<16xf32>
    %div3A_252 = arith.constant 1.000000e+00 : f32
    %div3A_253 = vector.broadcast %div3A_252 : f32 to vector<16xf32>
    %div3A_254 = arith.divf %div3A_253, %convert_element_type3A_251 : vector<16xf32>
    %swap3A_255 = arith.constant 16 : index
    %swap3A_256 = tpu.vector_load %arg21[%swap3A_255] {strides = array<i32>} : memref<80xf32, #tpu.memory_space<vmem>>, vector<16xf32>,
    tpu.vector_store %arg21[%swap3A_255], %div3A_254 {strides = array<i32>} : memref<80xf32, #tpu.memory_space<vmem>>, vector<16xf32>,
    %get3A_257 = arith.constant 32 : index
    %get3A_258 = tpu.vector_load %arg18[%get3A_257] {strides = array<i32>} : memref<400xi32, #tpu.memory_space<vmem>>, vector<16xi32>,
    %get3A_259 = arith.constant 112 : index
    %get3A_260 = tpu.vector_load %arg18[%get3A_259] {strides = array<i32>} : memref<400xi32, #tpu.memory_space<vmem>>, vector<16xi32>,
    %get3A_261 = arith.constant 192 : index
    %get3A_262 = tpu.vector_load %arg18[%get3A_261] {strides = array<i32>} : memref<400xi32, #tpu.memory_space<vmem>>, vector<16xi32>,
    %get3A_263 = arith.constant 272 : index
    %get3A_264 = tpu.vector_load %arg18[%get3A_263] {strides = array<i32>} : memref<400xi32, #tpu.memory_space<vmem>>, vector<16xi32>,
    %get3A_265 = arith.constant 352 : index
    %get3A_266 = tpu.vector_load %arg18[%get3A_265] {strides = array<i32>} : memref<400xi32, #tpu.memory_space<vmem>>, vector<16xi32>,
    %add3A_267 = arith.addi %get3A_258, %get3A_260 : vector<16xi32>
    %add3A_268 = arith.addi %add3A_267, %get3A_262 : vector<16xi32>
    %add3A_269 = arith.addi %add3A_268, %get3A_264 : vector<16xi32>
    %add3A_270 = arith.addi %add3A_269, %get3A_266 : vector<16xi32>
    %sub3A_271 = arith.constant 1 : i32
    %sub3A_272 = vector.broadcast %sub3A_271 : i32 to vector<16xi32>
    %sub3A_273 = arith.subi %add3A_270, %sub3A_272 : vector<16xi32>
    %shift_right_arithmetic3A_274 = arith.constant 1 : i32
    %shift_right_arithmetic3A_275 = vector.broadcast %shift_right_arithmetic3A_274 : i32 to vector<16xi32>
    %shift_right_arithmetic3A_276 = arith.shrsi %sub3A_273, %shift_right_arithmetic3A_275 : vector<16xi32>
    %broadcast_in_dim3A_277 = arith.constant 0 : i32
    %broadcast_in_dim3A_278 = vector.broadcast %broadcast_in_dim3A_277 : i32 to vector<16xi32>
    %broadcast_in_dim3A_279 = arith.constant 0 : i32
    %broadcast_in_dim3A_280 = vector.broadcast %broadcast_in_dim3A_279 : i32 to vector<16xi32>
    %add3A_281 = arith.addi %broadcast_in_dim3A_278, %get3A_258 : vector<16xi32>
    %le3A_282 = arith.cmpi sle, %add3A_281, %shift_right_arithmetic3A_276 : vector<16xi32>
    %convert_element_type3A_283 = arith.extui %le3A_282 : vector<16xi1> to vector<16xi32>
    %add3A_284 = arith.addi %broadcast_in_dim3A_280, %convert_element_type3A_283 : vector<16xi32>
    %add3A_285 = arith.addi %add3A_281, %get3A_260 : vector<16xi32>
    %le3A_286 = arith.cmpi sle, %add3A_285, %shift_right_arithmetic3A_276 : vector<16xi32>
    %convert_element_type3A_287 = arith.extui %le3A_286 : vector<16xi1> to vector<16xi32>
    %add3A_288 = arith.addi %add3A_284, %convert_element_type3A_287 : vector<16xi32>
    %add3A_289 = arith.addi %add3A_285, %get3A_262 : vector<16xi32>
    %le3A_290 = arith.cmpi sle, %add3A_289, %shift_right_arithmetic3A_276 : vector<16xi32>
    %convert_element_type3A_291 = arith.extui %le3A_290 : vector<16xi1> to vector<16xi32>
    %add3A_292 = arith.addi %add3A_288, %convert_element_type3A_291 : vector<16xi32>
    %add3A_293 = arith.addi %add3A_289, %get3A_264 : vector<16xi32>
    %le3A_294 = arith.cmpi sle, %add3A_293, %shift_right_arithmetic3A_276 : vector<16xi32>
    %convert_element_type3A_295 = arith.extui %le3A_294 : vector<16xi1> to vector<16xi32>
    %add3A_296 = arith.addi %add3A_292, %convert_element_type3A_295 : vector<16xi32>
    %add3A_297 = arith.addi %add3A_293, %get3A_266 : vector<16xi32>
    %le3A_298 = arith.cmpi sle, %add3A_297, %shift_right_arithmetic3A_276 : vector<16xi32>
    %convert_element_type3A_299 = arith.extui %le3A_298 : vector<16xi1> to vector<16xi32>
    %add3A_300 = arith.addi %add3A_296, %convert_element_type3A_299 : vector<16xi32>
    %swap3A_301 = arith.constant 32 : index
    %swap3A_302 = tpu.vector_load %arg20[%swap3A_301] {strides = array<i32>} : memref<80xi32, #tpu.memory_space<vmem>>, vector<16xi32>,
    tpu.vector_store %arg20[%swap3A_301], %add3A_300 {strides = array<i32>} : memref<80xi32, #tpu.memory_space<vmem>>, vector<16xi32>,
    %add3A_303 = arith.constant 32 : i32
    %add3A_304 = vector.broadcast %add3A_303 : i32 to vector<16xi32>
    %add3A_305 = arith.addi %add3A_304, %iota3A : vector<16xi32>
    %mul3A_306 = arith.constant 80 : i32
    %mul3A_307 = vector.broadcast %mul3A_306 : i32 to vector<16xi32>
    %mul3A_308 = arith.muli %add3A_300, %mul3A_307 : vector<16xi32>
    %add3A_309 = arith.addi %mul3A_308, %add3A_305 : vector<16xi32>
    %gather3A_310 = tpu.vector_load_idx %arg18[%add3A_309] : memref<400xi32, #tpu.memory_space<vmem>>[vector<16xi32>], vector<16xi32>,
    %max3A_311 = arith.constant 1 : i32
    %max3A_312 = vector.broadcast %max3A_311 : i32 to vector<16xi32>
    %max3A_313 = arith.maxsi %gather3A_310, %max3A_312 : vector<16xi32>
    %convert_element_type3A_314 = arith.sitofp %max3A_313 : vector<16xi32> to vector<16xf32>
    %div3A_315 = arith.constant 1.000000e+00 : f32
    %div3A_316 = vector.broadcast %div3A_315 : f32 to vector<16xf32>
    %div3A_317 = arith.divf %div3A_316, %convert_element_type3A_314 : vector<16xf32>
    %swap3A_318 = arith.constant 32 : index
    %swap3A_319 = tpu.vector_load %arg21[%swap3A_318] {strides = array<i32>} : memref<80xf32, #tpu.memory_space<vmem>>, vector<16xf32>,
    tpu.vector_store %arg21[%swap3A_318], %div3A_317 {strides = array<i32>} : memref<80xf32, #tpu.memory_space<vmem>>, vector<16xf32>,
    %get3A_320 = arith.constant 48 : index
    %get3A_321 = tpu.vector_load %arg18[%get3A_320] {strides = array<i32>} : memref<400xi32, #tpu.memory_space<vmem>>, vector<16xi32>,
    %get3A_322 = arith.constant 128 : index
    %get3A_323 = tpu.vector_load %arg18[%get3A_322] {strides = array<i32>} : memref<400xi32, #tpu.memory_space<vmem>>, vector<16xi32>,
    %get3A_324 = arith.constant 208 : index
    %get3A_325 = tpu.vector_load %arg18[%get3A_324] {strides = array<i32>} : memref<400xi32, #tpu.memory_space<vmem>>, vector<16xi32>,
    %get3A_326 = arith.constant 288 : index
    %get3A_327 = tpu.vector_load %arg18[%get3A_326] {strides = array<i32>} : memref<400xi32, #tpu.memory_space<vmem>>, vector<16xi32>,
    %get3A_328 = arith.constant 368 : index
    %get3A_329 = tpu.vector_load %arg18[%get3A_328] {strides = array<i32>} : memref<400xi32, #tpu.memory_space<vmem>>, vector<16xi32>,
    %add3A_330 = arith.addi %get3A_321, %get3A_323 : vector<16xi32>
    %add3A_331 = arith.addi %add3A_330, %get3A_325 : vector<16xi32>
    %add3A_332 = arith.addi %add3A_331, %get3A_327 : vector<16xi32>
    %add3A_333 = arith.addi %add3A_332, %get3A_329 : vector<16xi32>
    %sub3A_334 = arith.constant 1 : i32
    %sub3A_335 = vector.broadcast %sub3A_334 : i32 to vector<16xi32>
    %sub3A_336 = arith.subi %add3A_333, %sub3A_335 : vector<16xi32>
    %shift_right_arithmetic3A_337 = arith.constant 1 : i32
    %shift_right_arithmetic3A_338 = vector.broadcast %shift_right_arithmetic3A_337 : i32 to vector<16xi32>
    %shift_right_arithmetic3A_339 = arith.shrsi %sub3A_336, %shift_right_arithmetic3A_338 : vector<16xi32>
    %broadcast_in_dim3A_340 = arith.constant 0 : i32
    %broadcast_in_dim3A_341 = vector.broadcast %broadcast_in_dim3A_340 : i32 to vector<16xi32>
    %broadcast_in_dim3A_342 = arith.constant 0 : i32
    %broadcast_in_dim3A_343 = vector.broadcast %broadcast_in_dim3A_342 : i32 to vector<16xi32>
    %add3A_344 = arith.addi %broadcast_in_dim3A_341, %get3A_321 : vector<16xi32>
    %le3A_345 = arith.cmpi sle, %add3A_344, %shift_right_arithmetic3A_339 : vector<16xi32>
    %convert_element_type3A_346 = arith.extui %le3A_345 : vector<16xi1> to vector<16xi32>
    %add3A_347 = arith.addi %broadcast_in_dim3A_343, %convert_element_type3A_346 : vector<16xi32>
    %add3A_348 = arith.addi %add3A_344, %get3A_323 : vector<16xi32>
    %le3A_349 = arith.cmpi sle, %add3A_348, %shift_right_arithmetic3A_339 : vector<16xi32>
    %convert_element_type3A_350 = arith.extui %le3A_349 : vector<16xi1> to vector<16xi32>
    %add3A_351 = arith.addi %add3A_347, %convert_element_type3A_350 : vector<16xi32>
    %add3A_352 = arith.addi %add3A_348, %get3A_325 : vector<16xi32>
    %le3A_353 = arith.cmpi sle, %add3A_352, %shift_right_arithmetic3A_339 : vector<16xi32>
    %convert_element_type3A_354 = arith.extui %le3A_353 : vector<16xi1> to vector<16xi32>
    %add3A_355 = arith.addi %add3A_351, %convert_element_type3A_354 : vector<16xi32>
    %add3A_356 = arith.addi %add3A_352, %get3A_327 : vector<16xi32>
    %le3A_357 = arith.cmpi sle, %add3A_356, %shift_right_arithmetic3A_339 : vector<16xi32>
    %convert_element_type3A_358 = arith.extui %le3A_357 : vector<16xi1> to vector<16xi32>
    %add3A_359 = arith.addi %add3A_355, %convert_element_type3A_358 : vector<16xi32>
    %add3A_360 = arith.addi %add3A_356, %get3A_329 : vector<16xi32>
    %le3A_361 = arith.cmpi sle, %add3A_360, %shift_right_arithmetic3A_339 : vector<16xi32>
    %convert_element_type3A_362 = arith.extui %le3A_361 : vector<16xi1> to vector<16xi32>
    %add3A_363 = arith.addi %add3A_359, %convert_element_type3A_362 : vector<16xi32>
    %swap3A_364 = arith.constant 48 : index
    %swap3A_365 = tpu.vector_load %arg20[%swap3A_364] {strides = array<i32>} : memref<80xi32, #tpu.memory_space<vmem>>, vector<16xi32>,
    tpu.vector_store %arg20[%swap3A_364], %add3A_363 {strides = array<i32>} : memref<80xi32, #tpu.memory_space<vmem>>, vector<16xi32>,
    %add3A_366 = arith.constant 48 : i32
    %add3A_367 = vector.broadcast %add3A_366 : i32 to vector<16xi32>
    %add3A_368 = arith.addi %add3A_367, %iota3A : vector<16xi32>
    %mul3A_369 = arith.constant 80 : i32
    %mul3A_370 = vector.broadcast %mul3A_369 : i32 to vector<16xi32>
    %mul3A_371 = arith.muli %add3A_363, %mul3A_370 : vector<16xi32>
    %add3A_372 = arith.addi %mul3A_371, %add3A_368 : vector<16xi32>
    %gather3A_373 = tpu.vector_load_idx %arg18[%add3A_372] : memref<400xi32, #tpu.memory_space<vmem>>[vector<16xi32>], vector<16xi32>,
    %max3A_374 = arith.constant 1 : i32
    %max3A_375 = vector.broadcast %max3A_374 : i32 to vector<16xi32>
    %max3A_376 = arith.maxsi %gather3A_373, %max3A_375 : vector<16xi32>
    %convert_element_type3A_377 = arith.sitofp %max3A_376 : vector<16xi32> to vector<16xf32>
    %div3A_378 = arith.constant 1.000000e+00 : f32
    %div3A_379 = vector.broadcast %div3A_378 : f32 to vector<16xf32>
    %div3A_380 = arith.divf %div3A_379, %convert_element_type3A_377 : vector<16xf32>
    %swap3A_381 = arith.constant 48 : index
    %swap3A_382 = tpu.vector_load %arg21[%swap3A_381] {strides = array<i32>} : memref<80xf32, #tpu.memory_space<vmem>>, vector<16xf32>,
    tpu.vector_store %arg21[%swap3A_381], %div3A_380 {strides = array<i32>} : memref<80xf32, #tpu.memory_space<vmem>>, vector<16xf32>,
    %get3A_383 = arith.constant 64 : index
    %get3A_384 = tpu.vector_load %arg18[%get3A_383] {strides = array<i32>} : memref<400xi32, #tpu.memory_space<vmem>>, vector<16xi32>,
    %get3A_385 = arith.constant 144 : index
    %get3A_386 = tpu.vector_load %arg18[%get3A_385] {strides = array<i32>} : memref<400xi32, #tpu.memory_space<vmem>>, vector<16xi32>,
    %get3A_387 = arith.constant 224 : index
    %get3A_388 = tpu.vector_load %arg18[%get3A_387] {strides = array<i32>} : memref<400xi32, #tpu.memory_space<vmem>>, vector<16xi32>,
    %get3A_389 = arith.constant 304 : index
    %get3A_390 = tpu.vector_load %arg18[%get3A_389] {strides = array<i32>} : memref<400xi32, #tpu.memory_space<vmem>>, vector<16xi32>,
    %get3A_391 = arith.constant 384 : index
    %get3A_392 = tpu.vector_load %arg18[%get3A_391] {strides = array<i32>} : memref<400xi32, #tpu.memory_space<vmem>>, vector<16xi32>,
    %add3A_393 = arith.addi %get3A_384, %get3A_386 : vector<16xi32>
    %add3A_394 = arith.addi %add3A_393, %get3A_388 : vector<16xi32>
    %add3A_395 = arith.addi %add3A_394, %get3A_390 : vector<16xi32>
    %add3A_396 = arith.addi %add3A_395, %get3A_392 : vector<16xi32>
    %sub3A_397 = arith.constant 1 : i32
    %sub3A_398 = vector.broadcast %sub3A_397 : i32 to vector<16xi32>
    %sub3A_399 = arith.subi %add3A_396, %sub3A_398 : vector<16xi32>
    %shift_right_arithmetic3A_400 = arith.constant 1 : i32
    %shift_right_arithmetic3A_401 = vector.broadcast %shift_right_arithmetic3A_400 : i32 to vector<16xi32>
    %shift_right_arithmetic3A_402 = arith.shrsi %sub3A_399, %shift_right_arithmetic3A_401 : vector<16xi32>
    %broadcast_in_dim3A_403 = arith.constant 0 : i32
    %broadcast_in_dim3A_404 = vector.broadcast %broadcast_in_dim3A_403 : i32 to vector<16xi32>
    %broadcast_in_dim3A_405 = arith.constant 0 : i32
    %broadcast_in_dim3A_406 = vector.broadcast %broadcast_in_dim3A_405 : i32 to vector<16xi32>
    %add3A_407 = arith.addi %broadcast_in_dim3A_404, %get3A_384 : vector<16xi32>
    %le3A_408 = arith.cmpi sle, %add3A_407, %shift_right_arithmetic3A_402 : vector<16xi32>
    %convert_element_type3A_409 = arith.extui %le3A_408 : vector<16xi1> to vector<16xi32>
    %add3A_410 = arith.addi %broadcast_in_dim3A_406, %convert_element_type3A_409 : vector<16xi32>
    %add3A_411 = arith.addi %add3A_407, %get3A_386 : vector<16xi32>
    %le3A_412 = arith.cmpi sle, %add3A_411, %shift_right_arithmetic3A_402 : vector<16xi32>
    %convert_element_type3A_413 = arith.extui %le3A_412 : vector<16xi1> to vector<16xi32>
    %add3A_414 = arith.addi %add3A_410, %convert_element_type3A_413 : vector<16xi32>
    %add3A_415 = arith.addi %add3A_411, %get3A_388 : vector<16xi32>
    %le3A_416 = arith.cmpi sle, %add3A_415, %shift_right_arithmetic3A_402 : vector<16xi32>
    %convert_element_type3A_417 = arith.extui %le3A_416 : vector<16xi1> to vector<16xi32>
    %add3A_418 = arith.addi %add3A_414, %convert_element_type3A_417 : vector<16xi32>
    %add3A_419 = arith.addi %add3A_415, %get3A_390 : vector<16xi32>
    %le3A_420 = arith.cmpi sle, %add3A_419, %shift_right_arithmetic3A_402 : vector<16xi32>
    %convert_element_type3A_421 = arith.extui %le3A_420 : vector<16xi1> to vector<16xi32>
    %add3A_422 = arith.addi %add3A_418, %convert_element_type3A_421 : vector<16xi32>
    %add3A_423 = arith.addi %add3A_419, %get3A_392 : vector<16xi32>
    %le3A_424 = arith.cmpi sle, %add3A_423, %shift_right_arithmetic3A_402 : vector<16xi32>
    %convert_element_type3A_425 = arith.extui %le3A_424 : vector<16xi1> to vector<16xi32>
    %add3A_426 = arith.addi %add3A_422, %convert_element_type3A_425 : vector<16xi32>
    %swap3A_427 = arith.constant 64 : index
    %swap3A_428 = tpu.vector_load %arg20[%swap3A_427] {strides = array<i32>} : memref<80xi32, #tpu.memory_space<vmem>>, vector<16xi32>,
    tpu.vector_store %arg20[%swap3A_427], %add3A_426 {strides = array<i32>} : memref<80xi32, #tpu.memory_space<vmem>>, vector<16xi32>,
    %add3A_429 = arith.constant 64 : i32
    %add3A_430 = vector.broadcast %add3A_429 : i32 to vector<16xi32>
    %add3A_431 = arith.addi %add3A_430, %iota3A : vector<16xi32>
    %mul3A_432 = arith.constant 80 : i32
    %mul3A_433 = vector.broadcast %mul3A_432 : i32 to vector<16xi32>
    %mul3A_434 = arith.muli %add3A_426, %mul3A_433 : vector<16xi32>
    %add3A_435 = arith.addi %mul3A_434, %add3A_431 : vector<16xi32>
    %gather3A_436 = tpu.vector_load_idx %arg18[%add3A_435] : memref<400xi32, #tpu.memory_space<vmem>>[vector<16xi32>], vector<16xi32>,
    %max3A_437 = arith.constant 1 : i32
    %max3A_438 = vector.broadcast %max3A_437 : i32 to vector<16xi32>
    %max3A_439 = arith.maxsi %gather3A_436, %max3A_438 : vector<16xi32>
    %convert_element_type3A_440 = arith.sitofp %max3A_439 : vector<16xi32> to vector<16xf32>
    %div3A_441 = arith.constant 1.000000e+00 : f32
    %div3A_442 = vector.broadcast %div3A_441 : f32 to vector<16xf32>
    %div3A_443 = arith.divf %div3A_442, %convert_element_type3A_440 : vector<16xf32>
    %swap3A_444 = arith.constant 64 : index
    %swap3A_445 = tpu.vector_load %arg21[%swap3A_444] {strides = array<i32>} : memref<80xf32, #tpu.memory_space<vmem>>, vector<16xf32>,
    tpu.vector_store %arg21[%swap3A_444], %div3A_443 {strides = array<i32>} : memref<80xf32, #tpu.memory_space<vmem>>, vector<16xf32>,
    %scan3A_446 = arith.constant 0 : i32
    %scan3A_447 = arith.constant 0 : i32
    %scan3A_448 = arith.constant 40 : i32
    %scan3A_449 = arith.addi %scan3A_447, %scan3A_448 : i32
    %scan3A_450 = arith.constant 1 : i32
    %scan3A_451 = scf.for %scan3A_763 = %scan3A_447 to %scan3A_449 step %scan3A_450 iter_args(%scan3A_764 = %scan3A_446) -> (i32)  : i32 {
      %mul3A_765 = arith.constant 16 : i32
      %mul3A_766 = arith.muli %scan3A_763, %mul3A_765 : i32
      %get3A_767 = arith.index_cast %mul3A_766 : i32 to index
      %get3A_768 = tpu.vector_load %arg16[%get3A_767] {strides = array<i32>} : memref<640xi32, #tpu.memory_space<vmem>>, vector<16xi32>,
      %mul3A_769 = arith.constant 16 : i32
      %mul3A_770 = arith.muli %scan3A_763, %mul3A_769 : i32
      %get3A_771 = arith.index_cast %mul3A_770 : i32 to index
      %get3A_772 = tpu.vector_load %arg17[%get3A_771] {strides = array<i32>} : memref<640xi32, #tpu.memory_space<vmem>>, vector<16xi32>,
      %gather3A_773 = tpu.vector_load_idx %arg20[%get3A_772] : memref<80xi32, #tpu.memory_space<vmem>>[vector<16xi32>], vector<16xi32>,
      %eq3A_774 = arith.cmpi eq, %get3A_768, %gather3A_773 : vector<16xi32>
      %gather3A_775 = tpu.vector_load_idx %arg21[%get3A_772] : memref<80xf32, #tpu.memory_space<vmem>>[vector<16xi32>], vector<16xf32>,
      %jit3A = arith.constant 0.000000e+00 : f32
      %broadcast_in_dim3A_776 = vector.broadcast %jit3A : f32 to vector<16xf32>
      %select_n3A = arith.select %eq3A_774, %gather3A_775, %broadcast_in_dim3A_776 : vector<16xi1>, vector<16xf32>
      %mul3A_777 = arith.constant 16 : i32
      %mul3A_778 = arith.muli %scan3A_763, %mul3A_777 : i32
      %swap3A_779 = arith.index_cast %mul3A_778 : i32 to index
      %swap3A_780 = tpu.vector_load %arg24[%swap3A_779] {strides = array<i32>} : memref<640xf32, #tpu.memory_space<vmem>>, vector<16xf32>,
      tpu.vector_store %arg24[%swap3A_779], %select_n3A {strides = array<i32>} : memref<640xf32, #tpu.memory_space<vmem>>, vector<16xf32>,
      %convert_element_type3A_781 = arith.extui %eq3A_774 : vector<16xi1> to vector<16xi32>
      %mul3A_782 = arith.constant 16 : i32
      %mul3A_783 = arith.muli %scan3A_763, %mul3A_782 : i32
      %swap3A_784 = arith.index_cast %mul3A_783 : i32 to index
      %swap3A_785 = tpu.vector_load %arg25[%swap3A_784] {strides = array<i32>} : memref<640xi32, #tpu.memory_space<vmem>>, vector<16xi32>,
      tpu.vector_store %arg25[%swap3A_784], %convert_element_type3A_781 {strides = array<i32>} : memref<640xi32, #tpu.memory_space<vmem>>, vector<16xi32>,
      %scan3A_786 = arith.constant 0 : i32
      scf.yield %scan3A_786 : i32
    }
    %scan3A_452 = arith.constant 40 : i32
    %mul3A_453 = arith.constant 640 : i32
    %mul3A_454 = arith.muli %arg1, %mul3A_453 : i32
    "tpu.region"() ({
      %run_scoped3A_763 = tpu.sem_alloc : memref<!tpu.dma_semaphore, #tpu.memory_space<semaphore_mem>>
      %dma_start3A = tpu.memref_slice %arg15[%mul3A_454] : memref<10240xi32, #tpu.memory_space<vmem_shared>> -> memref<640xi32, #tpu.memory_space<vmem_shared>>
      %dma_start3A_764 = tpu.memref_slice %arg15[%mul3A_454] : memref<10240xi32, #tpu.memory_space<vmem_shared>> -> memref<640xi32, #tpu.memory_space<vmem_shared>>
      tpu.enqueue_dma source(%arg25 : memref<640xi32, #tpu.memory_space<vmem>>) target(%dma_start3A_764 : memref<640xi32, #tpu.memory_space<vmem_shared>>) target_semaphore(%run_scoped3A_763 : memref<!tpu.dma_semaphore, #tpu.memory_space<semaphore_mem>>)
      %dma_wait3A = tpu.memref_slice %arg15[%mul3A_454] : memref<10240xi32, #tpu.memory_space<vmem_shared>> -> memref<640xi32, #tpu.memory_space<vmem_shared>>
      %dma_wait3A_765 = tpu.memref_slice %arg15[%mul3A_454] : memref<10240xi32, #tpu.memory_space<vmem_shared>> -> memref<640xi32, #tpu.memory_space<vmem_shared>>
      tpu.wait_dma2 semaphore(%run_scoped3A_763 : memref<!tpu.dma_semaphore, #tpu.memory_space<semaphore_mem>>) src(%arg25 : memref<640xi32, #tpu.memory_space<vmem>>) dst(%dma_wait3A_765 : memref<640xi32, #tpu.memory_space<vmem_shared>>)
      tpu.yield
    }) : () -> ()
    %eq3A = arith.constant 0 : i32
    %eq3A_455 = arith.cmpi eq, %arg0, %eq3A : i32
    %convert_element_type3A_456 = arith.extui %eq3A_455 : i1 to i32
    %cond3A = arith.constant 0 : i32
    %cond3A_457 = arith.cmpi ne, %convert_element_type3A_456, %cond3A : i32
    scf.if %cond3A_457 {
      %mul3A_763 = arith.constant 640 : i32
      %mul3A_764 = arith.muli %arg1, %mul3A_763 : i32
      "tpu.region"() ({
        %run_scoped3A_765 = tpu.sem_alloc : memref<!tpu.dma_semaphore, #tpu.memory_space<semaphore_mem>>
        %dma_start3A = tpu.memref_slice %arg11[%mul3A_764] : memref<10240xf32, #tpu.memory_space<hbm>> -> memref<640xf32, #tpu.memory_space<hbm>>
        %dma_start3A_766 = tpu.memref_slice %arg11[%mul3A_764] : memref<10240xf32, #tpu.memory_space<hbm>> -> memref<640xf32, #tpu.memory_space<hbm>>
        tpu.enqueue_dma source(%arg24 : memref<640xf32, #tpu.memory_space<vmem>>) target(%dma_start3A_766 : memref<640xf32, #tpu.memory_space<hbm>>) target_semaphore(%run_scoped3A_765 : memref<!tpu.dma_semaphore, #tpu.memory_space<semaphore_mem>>)
        %dma_wait3A = tpu.memref_slice %arg11[%mul3A_764] : memref<10240xf32, #tpu.memory_space<hbm>> -> memref<640xf32, #tpu.memory_space<hbm>>
        %dma_wait3A_767 = tpu.memref_slice %arg11[%mul3A_764] : memref<10240xf32, #tpu.memory_space<hbm>> -> memref<640xf32, #tpu.memory_space<hbm>>
        tpu.wait_dma2 semaphore(%run_scoped3A_765 : memref<!tpu.dma_semaphore, #tpu.memory_space<semaphore_mem>>) src(%arg24 : memref<640xf32, #tpu.memory_space<vmem>>) dst(%dma_wait3A_767 : memref<640xf32, #tpu.memory_space<hbm>>)
        tpu.yield
      }) : () -> ()
    } else {
    }
    %barrier3A_458 = arith.constant 0 : index
    tpu.barrier barrier_id(%barrier3A_458)
    "tpu.region"() ({
      %run_scoped3A_763 = tpu.sem_alloc : memref<!tpu.dma_semaphore, #tpu.memory_space<semaphore_mem>>
      tpu.enqueue_dma source(%arg15 : memref<10240xi32, #tpu.memory_space<vmem_shared>>) target(%arg26 : memref<10240xi32, #tpu.memory_space<vmem>>) target_semaphore(%run_scoped3A_763 : memref<!tpu.dma_semaphore, #tpu.memory_space<semaphore_mem>>)
      tpu.wait_dma2 semaphore(%run_scoped3A_763 : memref<!tpu.dma_semaphore, #tpu.memory_space<semaphore_mem>>) src(%arg15 : memref<10240xi32, #tpu.memory_space<vmem_shared>>) dst(%arg26 : memref<10240xi32, #tpu.memory_space<vmem>>)
      tpu.yield
    }) : () -> ()
    "tpu.region"() ({
      %run_scoped3A_763 = tpu.sem_alloc : memref<!tpu.dma_semaphore, #tpu.memory_space<semaphore_mem>>
      %dma_start3A = arith.constant 0 : i32
      %dma_start3A_764 = arith.constant 0 : i32
      %dma_start3A_765 = tpu.memref_slice %arg22[%dma_start3A, %dma_start3A_764] : memref<640x16xi32, #tpu.memory_space<vmem>> -> memref<40x16xi32, #tpu.memory_space<vmem>>
      %dma_start3A_766 = arith.constant 0 : i32
      %dma_start3A_767 = arith.constant 0 : i32
      %dma_start3A_768 = tpu.memref_slice %arg22[%dma_start3A_766, %dma_start3A_767] : memref<640x16xi32, #tpu.memory_space<vmem>> -> memref<40x16xi32, #tpu.memory_space<vmem>>
      tpu.enqueue_dma source(%arg8 : memref<40x16xi32, #tpu.memory_space<hbm>>) target(%dma_start3A_768 : memref<40x16xi32, #tpu.memory_space<vmem>>) target_semaphore(%run_scoped3A_763 : memref<!tpu.dma_semaphore, #tpu.memory_space<semaphore_mem>>)
      %dma_wait3A = arith.constant 0 : i32
      %dma_wait3A_769 = arith.constant 0 : i32
      %dma_wait3A_770 = tpu.memref_slice %arg22[%dma_wait3A, %dma_wait3A_769] : memref<640x16xi32, #tpu.memory_space<vmem>> -> memref<40x16xi32, #tpu.memory_space<vmem>>
      %dma_wait3A_771 = arith.constant 0 : i32
      %dma_wait3A_772 = arith.constant 0 : i32
      %dma_wait3A_773 = tpu.memref_slice %arg22[%dma_wait3A_771, %dma_wait3A_772] : memref<640x16xi32, #tpu.memory_space<vmem>> -> memref<40x16xi32, #tpu.memory_space<vmem>>
      tpu.wait_dma2 semaphore(%run_scoped3A_763 : memref<!tpu.dma_semaphore, #tpu.memory_space<semaphore_mem>>) src(%arg8 : memref<40x16xi32, #tpu.memory_space<hbm>>) dst(%dma_wait3A_773 : memref<40x16xi32, #tpu.memory_space<vmem>>)
      tpu.yield
    }) : () -> ()
    "tpu.region"() ({
      %run_scoped3A_763 = tpu.sem_alloc : memref<!tpu.dma_semaphore, #tpu.memory_space<semaphore_mem>>
      %dma_start3A = arith.constant 40 : i32
      %dma_start3A_764 = arith.constant 0 : i32
      %dma_start3A_765 = tpu.memref_slice %arg22[%dma_start3A, %dma_start3A_764] : memref<640x16xi32, #tpu.memory_space<vmem>> -> memref<40x16xi32, #tpu.memory_space<vmem>>
      %dma_start3A_766 = arith.constant 40 : i32
      %dma_start3A_767 = arith.constant 0 : i32
      %dma_start3A_768 = tpu.memref_slice %arg22[%dma_start3A_766, %dma_start3A_767] : memref<640x16xi32, #tpu.memory_space<vmem>> -> memref<40x16xi32, #tpu.memory_space<vmem>>
      tpu.enqueue_dma source(%arg8 : memref<40x16xi32, #tpu.memory_space<hbm>>) target(%dma_start3A_768 : memref<40x16xi32, #tpu.memory_space<vmem>>) target_semaphore(%run_scoped3A_763 : memref<!tpu.dma_semaphore, #tpu.memory_space<semaphore_mem>>)
      %dma_wait3A = arith.constant 40 : i32
      %dma_wait3A_769 = arith.constant 0 : i32
      %dma_wait3A_770 = tpu.memref_slice %arg22[%dma_wait3A, %dma_wait3A_769] : memref<640x16xi32, #tpu.memory_space<vmem>> -> memref<40x16xi32, #tpu.memory_space<vmem>>
      %dma_wait3A_771 = arith.constant 40 : i32
      %dma_wait3A_772 = arith.constant 0 : i32
      %dma_wait3A_773 = tpu.memref_slice %arg22[%dma_wait3A_771, %dma_wait3A_772] : memref<640x16xi32, #tpu.memory_space<vmem>> -> memref<40x16xi32, #tpu.memory_space<vmem>>
      tpu.wait_dma2 semaphore(%run_scoped3A_763 : memref<!tpu.dma_semaphore, #tpu.memory_space<semaphore_mem>>) src(%arg8 : memref<40x16xi32, #tpu.memory_space<hbm>>) dst(%dma_wait3A_773 : memref<40x16xi32, #tpu.memory_space<vmem>>)
      tpu.yield
    }) : () -> ()
    "tpu.region"() ({
      %run_scoped3A_763 = tpu.sem_alloc : memref<!tpu.dma_semaphore, #tpu.memory_space<semaphore_mem>>
      %dma_start3A = arith.constant 80 : i32
      %dma_start3A_764 = arith.constant 0 : i32
      %dma_start3A_765 = tpu.memref_slice %arg22[%dma_start3A, %dma_start3A_764] : memref<640x16xi32, #tpu.memory_space<vmem>> -> memref<40x16xi32, #tpu.memory_space<vmem>>
      %dma_start3A_766 = arith.constant 80 : i32
      %dma_start3A_767 = arith.constant 0 : i32
      %dma_start3A_768 = tpu.memref_slice %arg22[%dma_start3A_766, %dma_start3A_767] : memref<640x16xi32, #tpu.memory_space<vmem>> -> memref<40x16xi32, #tpu.memory_space<vmem>>
      tpu.enqueue_dma source(%arg8 : memref<40x16xi32, #tpu.memory_space<hbm>>) target(%dma_start3A_768 : memref<40x16xi32, #tpu.memory_space<vmem>>) target_semaphore(%run_scoped3A_763 : memref<!tpu.dma_semaphore, #tpu.memory_space<semaphore_mem>>)
      %dma_wait3A = arith.constant 80 : i32
      %dma_wait3A_769 = arith.constant 0 : i32
      %dma_wait3A_770 = tpu.memref_slice %arg22[%dma_wait3A, %dma_wait3A_769] : memref<640x16xi32, #tpu.memory_space<vmem>> -> memref<40x16xi32, #tpu.memory_space<vmem>>
      %dma_wait3A_771 = arith.constant 80 : i32
      %dma_wait3A_772 = arith.constant 0 : i32
      %dma_wait3A_773 = tpu.memref_slice %arg22[%dma_wait3A_771, %dma_wait3A_772] : memref<640x16xi32, #tpu.memory_space<vmem>> -> memref<40x16xi32, #tpu.memory_space<vmem>>
      tpu.wait_dma2 semaphore(%run_scoped3A_763 : memref<!tpu.dma_semaphore, #tpu.memory_space<semaphore_mem>>) src(%arg8 : memref<40x16xi32, #tpu.memory_space<hbm>>) dst(%dma_wait3A_773 : memref<40x16xi32, #tpu.memory_space<vmem>>)
      tpu.yield
    }) : () -> ()
    "tpu.region"() ({
      %run_scoped3A_763 = tpu.sem_alloc : memref<!tpu.dma_semaphore, #tpu.memory_space<semaphore_mem>>
      %dma_start3A = arith.constant 120 : i32
      %dma_start3A_764 = arith.constant 0 : i32
      %dma_start3A_765 = tpu.memref_slice %arg22[%dma_start3A, %dma_start3A_764] : memref<640x16xi32, #tpu.memory_space<vmem>> -> memref<40x16xi32, #tpu.memory_space<vmem>>
      %dma_start3A_766 = arith.constant 120 : i32
      %dma_start3A_767 = arith.constant 0 : i32
      %dma_start3A_768 = tpu.memref_slice %arg22[%dma_start3A_766, %dma_start3A_767] : memref<640x16xi32, #tpu.memory_space<vmem>> -> memref<40x16xi32, #tpu.memory_space<vmem>>
      tpu.enqueue_dma source(%arg8 : memref<40x16xi32, #tpu.memory_space<hbm>>) target(%dma_start3A_768 : memref<40x16xi32, #tpu.memory_space<vmem>>) target_semaphore(%run_scoped3A_763 : memref<!tpu.dma_semaphore, #tpu.memory_space<semaphore_mem>>)
      %dma_wait3A = arith.constant 120 : i32
      %dma_wait3A_769 = arith.constant 0 : i32
      %dma_wait3A_770 = tpu.memref_slice %arg22[%dma_wait3A, %dma_wait3A_769] : memref<640x16xi32, #tpu.memory_space<vmem>> -> memref<40x16xi32, #tpu.memory_space<vmem>>
      %dma_wait3A_771 = arith.constant 120 : i32
      %dma_wait3A_772 = arith.constant 0 : i32
      %dma_wait3A_773 = tpu.memref_slice %arg22[%dma_wait3A_771, %dma_wait3A_772] : memref<640x16xi32, #tpu.memory_space<vmem>> -> memref<40x16xi32, #tpu.memory_space<vmem>>
      tpu.wait_dma2 semaphore(%run_scoped3A_763 : memref<!tpu.dma_semaphore, #tpu.memory_space<semaphore_mem>>) src(%arg8 : memref<40x16xi32, #tpu.memory_space<hbm>>) dst(%dma_wait3A_773 : memref<40x16xi32, #tpu.memory_space<vmem>>)
      tpu.yield
    }) : () -> ()
    "tpu.region"() ({
      %run_scoped3A_763 = tpu.sem_alloc : memref<!tpu.dma_semaphore, #tpu.memory_space<semaphore_mem>>
      %dma_start3A = arith.constant 160 : i32
      %dma_start3A_764 = arith.constant 0 : i32
      %dma_start3A_765 = tpu.memref_slice %arg22[%dma_start3A, %dma_start3A_764] : memref<640x16xi32, #tpu.memory_space<vmem>> -> memref<40x16xi32, #tpu.memory_space<vmem>>
      %dma_start3A_766 = arith.constant 160 : i32
      %dma_start3A_767 = arith.constant 0 : i32
      %dma_start3A_768 = tpu.memref_slice %arg22[%dma_start3A_766, %dma_start3A_767] : memref<640x16xi32, #tpu.memory_space<vmem>> -> memref<40x16xi32, #tpu.memory_space<vmem>>
      tpu.enqueue_dma source(%arg8 : memref<40x16xi32, #tpu.memory_space<hbm>>) target(%dma_start3A_768 : memref<40x16xi32, #tpu.memory_space<vmem>>) target_semaphore(%run_scoped3A_763 : memref<!tpu.dma_semaphore, #tpu.memory_space<semaphore_mem>>)
      %dma_wait3A = arith.constant 160 : i32
      %dma_wait3A_769 = arith.constant 0 : i32
      %dma_wait3A_770 = tpu.memref_slice %arg22[%dma_wait3A, %dma_wait3A_769] : memref<640x16xi32, #tpu.memory_space<vmem>> -> memref<40x16xi32, #tpu.memory_space<vmem>>
      %dma_wait3A_771 = arith.constant 160 : i32
      %dma_wait3A_772 = arith.constant 0 : i32
      %dma_wait3A_773 = tpu.memref_slice %arg22[%dma_wait3A_771, %dma_wait3A_772] : memref<640x16xi32, #tpu.memory_space<vmem>> -> memref<40x16xi32, #tpu.memory_space<vmem>>
      tpu.wait_dma2 semaphore(%run_scoped3A_763 : memref<!tpu.dma_semaphore, #tpu.memory_space<semaphore_mem>>) src(%arg8 : memref<40x16xi32, #tpu.memory_space<hbm>>) dst(%dma_wait3A_773 : memref<40x16xi32, #tpu.memory_space<vmem>>)
      tpu.yield
    }) : () -> ()
    "tpu.region"() ({
      %run_scoped3A_763 = tpu.sem_alloc : memref<!tpu.dma_semaphore, #tpu.memory_space<semaphore_mem>>
      %dma_start3A = arith.constant 200 : i32
      %dma_start3A_764 = arith.constant 0 : i32
      %dma_start3A_765 = tpu.memref_slice %arg22[%dma_start3A, %dma_start3A_764] : memref<640x16xi32, #tpu.memory_space<vmem>> -> memref<40x16xi32, #tpu.memory_space<vmem>>
      %dma_start3A_766 = arith.constant 200 : i32
      %dma_start3A_767 = arith.constant 0 : i32
      %dma_start3A_768 = tpu.memref_slice %arg22[%dma_start3A_766, %dma_start3A_767] : memref<640x16xi32, #tpu.memory_space<vmem>> -> memref<40x16xi32, #tpu.memory_space<vmem>>
      tpu.enqueue_dma source(%arg8 : memref<40x16xi32, #tpu.memory_space<hbm>>) target(%dma_start3A_768 : memref<40x16xi32, #tpu.memory_space<vmem>>) target_semaphore(%run_scoped3A_763 : memref<!tpu.dma_semaphore, #tpu.memory_space<semaphore_mem>>)
      %dma_wait3A = arith.constant 200 : i32
      %dma_wait3A_769 = arith.constant 0 : i32
      %dma_wait3A_770 = tpu.memref_slice %arg22[%dma_wait3A, %dma_wait3A_769] : memref<640x16xi32, #tpu.memory_space<vmem>> -> memref<40x16xi32, #tpu.memory_space<vmem>>
      %dma_wait3A_771 = arith.constant 200 : i32
      %dma_wait3A_772 = arith.constant 0 : i32
      %dma_wait3A_773 = tpu.memref_slice %arg22[%dma_wait3A_771, %dma_wait3A_772] : memref<640x16xi32, #tpu.memory_space<vmem>> -> memref<40x16xi32, #tpu.memory_space<vmem>>
      tpu.wait_dma2 semaphore(%run_scoped3A_763 : memref<!tpu.dma_semaphore, #tpu.memory_space<semaphore_mem>>) src(%arg8 : memref<40x16xi32, #tpu.memory_space<hbm>>) dst(%dma_wait3A_773 : memref<40x16xi32, #tpu.memory_space<vmem>>)
      tpu.yield
    }) : () -> ()
    "tpu.region"() ({
      %run_scoped3A_763 = tpu.sem_alloc : memref<!tpu.dma_semaphore, #tpu.memory_space<semaphore_mem>>
      %dma_start3A = arith.constant 240 : i32
      %dma_start3A_764 = arith.constant 0 : i32
      %dma_start3A_765 = tpu.memref_slice %arg22[%dma_start3A, %dma_start3A_764] : memref<640x16xi32, #tpu.memory_space<vmem>> -> memref<40x16xi32, #tpu.memory_space<vmem>>
      %dma_start3A_766 = arith.constant 240 : i32
      %dma_start3A_767 = arith.constant 0 : i32
      %dma_start3A_768 = tpu.memref_slice %arg22[%dma_start3A_766, %dma_start3A_767] : memref<640x16xi32, #tpu.memory_space<vmem>> -> memref<40x16xi32, #tpu.memory_space<vmem>>
      tpu.enqueue_dma source(%arg8 : memref<40x16xi32, #tpu.memory_space<hbm>>) target(%dma_start3A_768 : memref<40x16xi32, #tpu.memory_space<vmem>>) target_semaphore(%run_scoped3A_763 : memref<!tpu.dma_semaphore, #tpu.memory_space<semaphore_mem>>)
      %dma_wait3A = arith.constant 240 : i32
      %dma_wait3A_769 = arith.constant 0 : i32
      %dma_wait3A_770 = tpu.memref_slice %arg22[%dma_wait3A, %dma_wait3A_769] : memref<640x16xi32, #tpu.memory_space<vmem>> -> memref<40x16xi32, #tpu.memory_space<vmem>>
      %dma_wait3A_771 = arith.constant 240 : i32
      %dma_wait3A_772 = arith.constant 0 : i32
      %dma_wait3A_773 = tpu.memref_slice %arg22[%dma_wait3A_771, %dma_wait3A_772] : memref<640x16xi32, #tpu.memory_space<vmem>> -> memref<40x16xi32, #tpu.memory_space<vmem>>
      tpu.wait_dma2 semaphore(%run_scoped3A_763 : memref<!tpu.dma_semaphore, #tpu.memory_space<semaphore_mem>>) src(%arg8 : memref<40x16xi32, #tpu.memory_space<hbm>>) dst(%dma_wait3A_773 : memref<40x16xi32, #tpu.memory_space<vmem>>)
      tpu.yield
    }) : () -> ()
    "tpu.region"() ({
      %run_scoped3A_763 = tpu.sem_alloc : memref<!tpu.dma_semaphore, #tpu.memory_space<semaphore_mem>>
      %dma_start3A = arith.constant 280 : i32
      %dma_start3A_764 = arith.constant 0 : i32
      %dma_start3A_765 = tpu.memref_slice %arg22[%dma_start3A, %dma_start3A_764] : memref<640x16xi32, #tpu.memory_space<vmem>> -> memref<40x16xi32, #tpu.memory_space<vmem>>
      %dma_start3A_766 = arith.constant 280 : i32
      %dma_start3A_767 = arith.constant 0 : i32
      %dma_start3A_768 = tpu.memref_slice %arg22[%dma_start3A_766, %dma_start3A_767] : memref<640x16xi32, #tpu.memory_space<vmem>> -> memref<40x16xi32, #tpu.memory_space<vmem>>
      tpu.enqueue_dma source(%arg8 : memref<40x16xi32, #tpu.memory_space<hbm>>) target(%dma_start3A_768 : memref<40x16xi32, #tpu.memory_space<vmem>>) target_semaphore(%run_scoped3A_763 : memref<!tpu.dma_semaphore, #tpu.memory_space<semaphore_mem>>)
      %dma_wait3A = arith.constant 280 : i32
      %dma_wait3A_769 = arith.constant 0 : i32
      %dma_wait3A_770 = tpu.memref_slice %arg22[%dma_wait3A, %dma_wait3A_769] : memref<640x16xi32, #tpu.memory_space<vmem>> -> memref<40x16xi32, #tpu.memory_space<vmem>>
      %dma_wait3A_771 = arith.constant 280 : i32
      %dma_wait3A_772 = arith.constant 0 : i32
      %dma_wait3A_773 = tpu.memref_slice %arg22[%dma_wait3A_771, %dma_wait3A_772] : memref<640x16xi32, #tpu.memory_space<vmem>> -> memref<40x16xi32, #tpu.memory_space<vmem>>
      tpu.wait_dma2 semaphore(%run_scoped3A_763 : memref<!tpu.dma_semaphore, #tpu.memory_space<semaphore_mem>>) src(%arg8 : memref<40x16xi32, #tpu.memory_space<hbm>>) dst(%dma_wait3A_773 : memref<40x16xi32, #tpu.memory_space<vmem>>)
      tpu.yield
    }) : () -> ()
    "tpu.region"() ({
      %run_scoped3A_763 = tpu.sem_alloc : memref<!tpu.dma_semaphore, #tpu.memory_space<semaphore_mem>>
      %dma_start3A = arith.constant 320 : i32
      %dma_start3A_764 = arith.constant 0 : i32
      %dma_start3A_765 = tpu.memref_slice %arg22[%dma_start3A, %dma_start3A_764] : memref<640x16xi32, #tpu.memory_space<vmem>> -> memref<40x16xi32, #tpu.memory_space<vmem>>
      %dma_start3A_766 = arith.constant 320 : i32
      %dma_start3A_767 = arith.constant 0 : i32
      %dma_start3A_768 = tpu.memref_slice %arg22[%dma_start3A_766, %dma_start3A_767] : memref<640x16xi32, #tpu.memory_space<vmem>> -> memref<40x16xi32, #tpu.memory_space<vmem>>
      tpu.enqueue_dma source(%arg8 : memref<40x16xi32, #tpu.memory_space<hbm>>) target(%dma_start3A_768 : memref<40x16xi32, #tpu.memory_space<vmem>>) target_semaphore(%run_scoped3A_763 : memref<!tpu.dma_semaphore, #tpu.memory_space<semaphore_mem>>)
      %dma_wait3A = arith.constant 320 : i32
      %dma_wait3A_769 = arith.constant 0 : i32
      %dma_wait3A_770 = tpu.memref_slice %arg22[%dma_wait3A, %dma_wait3A_769] : memref<640x16xi32, #tpu.memory_space<vmem>> -> memref<40x16xi32, #tpu.memory_space<vmem>>
      %dma_wait3A_771 = arith.constant 320 : i32
      %dma_wait3A_772 = arith.constant 0 : i32
      %dma_wait3A_773 = tpu.memref_slice %arg22[%dma_wait3A_771, %dma_wait3A_772] : memref<640x16xi32, #tpu.memory_space<vmem>> -> memref<40x16xi32, #tpu.memory_space<vmem>>
      tpu.wait_dma2 semaphore(%run_scoped3A_763 : memref<!tpu.dma_semaphore, #tpu.memory_space<semaphore_mem>>) src(%arg8 : memref<40x16xi32, #tpu.memory_space<hbm>>) dst(%dma_wait3A_773 : memref<40x16xi32, #tpu.memory_space<vmem>>)
      tpu.yield
    }) : () -> ()
    "tpu.region"() ({
      %run_scoped3A_763 = tpu.sem_alloc : memref<!tpu.dma_semaphore, #tpu.memory_space<semaphore_mem>>
      %dma_start3A = arith.constant 360 : i32
      %dma_start3A_764 = arith.constant 0 : i32
      %dma_start3A_765 = tpu.memref_slice %arg22[%dma_start3A, %dma_start3A_764] : memref<640x16xi32, #tpu.memory_space<vmem>> -> memref<40x16xi32, #tpu.memory_space<vmem>>
      %dma_start3A_766 = arith.constant 360 : i32
      %dma_start3A_767 = arith.constant 0 : i32
      %dma_start3A_768 = tpu.memref_slice %arg22[%dma_start3A_766, %dma_start3A_767] : memref<640x16xi32, #tpu.memory_space<vmem>> -> memref<40x16xi32, #tpu.memory_space<vmem>>
      tpu.enqueue_dma source(%arg8 : memref<40x16xi32, #tpu.memory_space<hbm>>) target(%dma_start3A_768 : memref<40x16xi32, #tpu.memory_space<vmem>>) target_semaphore(%run_scoped3A_763 : memref<!tpu.dma_semaphore, #tpu.memory_space<semaphore_mem>>)
      %dma_wait3A = arith.constant 360 : i32
      %dma_wait3A_769 = arith.constant 0 : i32
      %dma_wait3A_770 = tpu.memref_slice %arg22[%dma_wait3A, %dma_wait3A_769] : memref<640x16xi32, #tpu.memory_space<vmem>> -> memref<40x16xi32, #tpu.memory_space<vmem>>
      %dma_wait3A_771 = arith.constant 360 : i32
      %dma_wait3A_772 = arith.constant 0 : i32
      %dma_wait3A_773 = tpu.memref_slice %arg22[%dma_wait3A_771, %dma_wait3A_772] : memref<640x16xi32, #tpu.memory_space<vmem>> -> memref<40x16xi32, #tpu.memory_space<vmem>>
      tpu.wait_dma2 semaphore(%run_scoped3A_763 : memref<!tpu.dma_semaphore, #tpu.memory_space<semaphore_mem>>) src(%arg8 : memref<40x16xi32, #tpu.memory_space<hbm>>) dst(%dma_wait3A_773 : memref<40x16xi32, #tpu.memory_space<vmem>>)
      tpu.yield
    }) : () -> ()
    "tpu.region"() ({
      %run_scoped3A_763 = tpu.sem_alloc : memref<!tpu.dma_semaphore, #tpu.memory_space<semaphore_mem>>
      %dma_start3A = arith.constant 400 : i32
      %dma_start3A_764 = arith.constant 0 : i32
      %dma_start3A_765 = tpu.memref_slice %arg22[%dma_start3A, %dma_start3A_764] : memref<640x16xi32, #tpu.memory_space<vmem>> -> memref<40x16xi32, #tpu.memory_space<vmem>>
      %dma_start3A_766 = arith.constant 400 : i32
      %dma_start3A_767 = arith.constant 0 : i32
      %dma_start3A_768 = tpu.memref_slice %arg22[%dma_start3A_766, %dma_start3A_767] : memref<640x16xi32, #tpu.memory_space<vmem>> -> memref<40x16xi32, #tpu.memory_space<vmem>>
      tpu.enqueue_dma source(%arg8 : memref<40x16xi32, #tpu.memory_space<hbm>>) target(%dma_start3A_768 : memref<40x16xi32, #tpu.memory_space<vmem>>) target_semaphore(%run_scoped3A_763 : memref<!tpu.dma_semaphore, #tpu.memory_space<semaphore_mem>>)
      %dma_wait3A = arith.constant 400 : i32
      %dma_wait3A_769 = arith.constant 0 : i32
      %dma_wait3A_770 = tpu.memref_slice %arg22[%dma_wait3A, %dma_wait3A_769] : memref<640x16xi32, #tpu.memory_space<vmem>> -> memref<40x16xi32, #tpu.memory_space<vmem>>
      %dma_wait3A_771 = arith.constant 400 : i32
      %dma_wait3A_772 = arith.constant 0 : i32
      %dma_wait3A_773 = tpu.memref_slice %arg22[%dma_wait3A_771, %dma_wait3A_772] : memref<640x16xi32, #tpu.memory_space<vmem>> -> memref<40x16xi32, #tpu.memory_space<vmem>>
      tpu.wait_dma2 semaphore(%run_scoped3A_763 : memref<!tpu.dma_semaphore, #tpu.memory_space<semaphore_mem>>) src(%arg8 : memref<40x16xi32, #tpu.memory_space<hbm>>) dst(%dma_wait3A_773 : memref<40x16xi32, #tpu.memory_space<vmem>>)
      tpu.yield
    }) : () -> ()
    "tpu.region"() ({
      %run_scoped3A_763 = tpu.sem_alloc : memref<!tpu.dma_semaphore, #tpu.memory_space<semaphore_mem>>
      %dma_start3A = arith.constant 440 : i32
      %dma_start3A_764 = arith.constant 0 : i32
      %dma_start3A_765 = tpu.memref_slice %arg22[%dma_start3A, %dma_start3A_764] : memref<640x16xi32, #tpu.memory_space<vmem>> -> memref<40x16xi32, #tpu.memory_space<vmem>>
      %dma_start3A_766 = arith.constant 440 : i32
      %dma_start3A_767 = arith.constant 0 : i32
      %dma_start3A_768 = tpu.memref_slice %arg22[%dma_start3A_766, %dma_start3A_767] : memref<640x16xi32, #tpu.memory_space<vmem>> -> memref<40x16xi32, #tpu.memory_space<vmem>>
      tpu.enqueue_dma source(%arg8 : memref<40x16xi32, #tpu.memory_space<hbm>>) target(%dma_start3A_768 : memref<40x16xi32, #tpu.memory_space<vmem>>) target_semaphore(%run_scoped3A_763 : memref<!tpu.dma_semaphore, #tpu.memory_space<semaphore_mem>>)
      %dma_wait3A = arith.constant 440 : i32
      %dma_wait3A_769 = arith.constant 0 : i32
      %dma_wait3A_770 = tpu.memref_slice %arg22[%dma_wait3A, %dma_wait3A_769] : memref<640x16xi32, #tpu.memory_space<vmem>> -> memref<40x16xi32, #tpu.memory_space<vmem>>
      %dma_wait3A_771 = arith.constant 440 : i32
      %dma_wait3A_772 = arith.constant 0 : i32
      %dma_wait3A_773 = tpu.memref_slice %arg22[%dma_wait3A_771, %dma_wait3A_772] : memref<640x16xi32, #tpu.memory_space<vmem>> -> memref<40x16xi32, #tpu.memory_space<vmem>>
      tpu.wait_dma2 semaphore(%run_scoped3A_763 : memref<!tpu.dma_semaphore, #tpu.memory_space<semaphore_mem>>) src(%arg8 : memref<40x16xi32, #tpu.memory_space<hbm>>) dst(%dma_wait3A_773 : memref<40x16xi32, #tpu.memory_space<vmem>>)
      tpu.yield
    }) : () -> ()
    "tpu.region"() ({
      %run_scoped3A_763 = tpu.sem_alloc : memref<!tpu.dma_semaphore, #tpu.memory_space<semaphore_mem>>
      %dma_start3A = arith.constant 480 : i32
      %dma_start3A_764 = arith.constant 0 : i32
      %dma_start3A_765 = tpu.memref_slice %arg22[%dma_start3A, %dma_start3A_764] : memref<640x16xi32, #tpu.memory_space<vmem>> -> memref<40x16xi32, #tpu.memory_space<vmem>>
      %dma_start3A_766 = arith.constant 480 : i32
      %dma_start3A_767 = arith.constant 0 : i32
      %dma_start3A_768 = tpu.memref_slice %arg22[%dma_start3A_766, %dma_start3A_767] : memref<640x16xi32, #tpu.memory_space<vmem>> -> memref<40x16xi32, #tpu.memory_space<vmem>>
      tpu.enqueue_dma source(%arg8 : memref<40x16xi32, #tpu.memory_space<hbm>>) target(%dma_start3A_768 : memref<40x16xi32, #tpu.memory_space<vmem>>) target_semaphore(%run_scoped3A_763 : memref<!tpu.dma_semaphore, #tpu.memory_space<semaphore_mem>>)
      %dma_wait3A = arith.constant 480 : i32
      %dma_wait3A_769 = arith.constant 0 : i32
      %dma_wait3A_770 = tpu.memref_slice %arg22[%dma_wait3A, %dma_wait3A_769] : memref<640x16xi32, #tpu.memory_space<vmem>> -> memref<40x16xi32, #tpu.memory_space<vmem>>
      %dma_wait3A_771 = arith.constant 480 : i32
      %dma_wait3A_772 = arith.constant 0 : i32
      %dma_wait3A_773 = tpu.memref_slice %arg22[%dma_wait3A_771, %dma_wait3A_772] : memref<640x16xi32, #tpu.memory_space<vmem>> -> memref<40x16xi32, #tpu.memory_space<vmem>>
      tpu.wait_dma2 semaphore(%run_scoped3A_763 : memref<!tpu.dma_semaphore, #tpu.memory_space<semaphore_mem>>) src(%arg8 : memref<40x16xi32, #tpu.memory_space<hbm>>) dst(%dma_wait3A_773 : memref<40x16xi32, #tpu.memory_space<vmem>>)
      tpu.yield
    }) : () -> ()
    "tpu.region"() ({
      %run_scoped3A_763 = tpu.sem_alloc : memref<!tpu.dma_semaphore, #tpu.memory_space<semaphore_mem>>
      %dma_start3A = arith.constant 520 : i32
      %dma_start3A_764 = arith.constant 0 : i32
      %dma_start3A_765 = tpu.memref_slice %arg22[%dma_start3A, %dma_start3A_764] : memref<640x16xi32, #tpu.memory_space<vmem>> -> memref<40x16xi32, #tpu.memory_space<vmem>>
      %dma_start3A_766 = arith.constant 520 : i32
      %dma_start3A_767 = arith.constant 0 : i32
      %dma_start3A_768 = tpu.memref_slice %arg22[%dma_start3A_766, %dma_start3A_767] : memref<640x16xi32, #tpu.memory_space<vmem>> -> memref<40x16xi32, #tpu.memory_space<vmem>>
      tpu.enqueue_dma source(%arg8 : memref<40x16xi32, #tpu.memory_space<hbm>>) target(%dma_start3A_768 : memref<40x16xi32, #tpu.memory_space<vmem>>) target_semaphore(%run_scoped3A_763 : memref<!tpu.dma_semaphore, #tpu.memory_space<semaphore_mem>>)
      %dma_wait3A = arith.constant 520 : i32
      %dma_wait3A_769 = arith.constant 0 : i32
      %dma_wait3A_770 = tpu.memref_slice %arg22[%dma_wait3A, %dma_wait3A_769] : memref<640x16xi32, #tpu.memory_space<vmem>> -> memref<40x16xi32, #tpu.memory_space<vmem>>
      %dma_wait3A_771 = arith.constant 520 : i32
      %dma_wait3A_772 = arith.constant 0 : i32
      %dma_wait3A_773 = tpu.memref_slice %arg22[%dma_wait3A_771, %dma_wait3A_772] : memref<640x16xi32, #tpu.memory_space<vmem>> -> memref<40x16xi32, #tpu.memory_space<vmem>>
      tpu.wait_dma2 semaphore(%run_scoped3A_763 : memref<!tpu.dma_semaphore, #tpu.memory_space<semaphore_mem>>) src(%arg8 : memref<40x16xi32, #tpu.memory_space<hbm>>) dst(%dma_wait3A_773 : memref<40x16xi32, #tpu.memory_space<vmem>>)
      tpu.yield
    }) : () -> ()
    "tpu.region"() ({
      %run_scoped3A_763 = tpu.sem_alloc : memref<!tpu.dma_semaphore, #tpu.memory_space<semaphore_mem>>
      %dma_start3A = arith.constant 560 : i32
      %dma_start3A_764 = arith.constant 0 : i32
      %dma_start3A_765 = tpu.memref_slice %arg22[%dma_start3A, %dma_start3A_764] : memref<640x16xi32, #tpu.memory_space<vmem>> -> memref<40x16xi32, #tpu.memory_space<vmem>>
      %dma_start3A_766 = arith.constant 560 : i32
      %dma_start3A_767 = arith.constant 0 : i32
      %dma_start3A_768 = tpu.memref_slice %arg22[%dma_start3A_766, %dma_start3A_767] : memref<640x16xi32, #tpu.memory_space<vmem>> -> memref<40x16xi32, #tpu.memory_space<vmem>>
      tpu.enqueue_dma source(%arg8 : memref<40x16xi32, #tpu.memory_space<hbm>>) target(%dma_start3A_768 : memref<40x16xi32, #tpu.memory_space<vmem>>) target_semaphore(%run_scoped3A_763 : memref<!tpu.dma_semaphore, #tpu.memory_space<semaphore_mem>>)
      %dma_wait3A = arith.constant 560 : i32
      %dma_wait3A_769 = arith.constant 0 : i32
      %dma_wait3A_770 = tpu.memref_slice %arg22[%dma_wait3A, %dma_wait3A_769] : memref<640x16xi32, #tpu.memory_space<vmem>> -> memref<40x16xi32, #tpu.memory_space<vmem>>
      %dma_wait3A_771 = arith.constant 560 : i32
      %dma_wait3A_772 = arith.constant 0 : i32
      %dma_wait3A_773 = tpu.memref_slice %arg22[%dma_wait3A_771, %dma_wait3A_772] : memref<640x16xi32, #tpu.memory_space<vmem>> -> memref<40x16xi32, #tpu.memory_space<vmem>>
      tpu.wait_dma2 semaphore(%run_scoped3A_763 : memref<!tpu.dma_semaphore, #tpu.memory_space<semaphore_mem>>) src(%arg8 : memref<40x16xi32, #tpu.memory_space<hbm>>) dst(%dma_wait3A_773 : memref<40x16xi32, #tpu.memory_space<vmem>>)
      tpu.yield
    }) : () -> ()
    "tpu.region"() ({
      %run_scoped3A_763 = tpu.sem_alloc : memref<!tpu.dma_semaphore, #tpu.memory_space<semaphore_mem>>
      %dma_start3A = arith.constant 600 : i32
      %dma_start3A_764 = arith.constant 0 : i32
      %dma_start3A_765 = tpu.memref_slice %arg22[%dma_start3A, %dma_start3A_764] : memref<640x16xi32, #tpu.memory_space<vmem>> -> memref<40x16xi32, #tpu.memory_space<vmem>>
      %dma_start3A_766 = arith.constant 600 : i32
      %dma_start3A_767 = arith.constant 0 : i32
      %dma_start3A_768 = tpu.memref_slice %arg22[%dma_start3A_766, %dma_start3A_767] : memref<640x16xi32, #tpu.memory_space<vmem>> -> memref<40x16xi32, #tpu.memory_space<vmem>>
      tpu.enqueue_dma source(%arg8 : memref<40x16xi32, #tpu.memory_space<hbm>>) target(%dma_start3A_768 : memref<40x16xi32, #tpu.memory_space<vmem>>) target_semaphore(%run_scoped3A_763 : memref<!tpu.dma_semaphore, #tpu.memory_space<semaphore_mem>>)
      %dma_wait3A = arith.constant 600 : i32
      %dma_wait3A_769 = arith.constant 0 : i32
      %dma_wait3A_770 = tpu.memref_slice %arg22[%dma_wait3A, %dma_wait3A_769] : memref<640x16xi32, #tpu.memory_space<vmem>> -> memref<40x16xi32, #tpu.memory_space<vmem>>
      %dma_wait3A_771 = arith.constant 600 : i32
      %dma_wait3A_772 = arith.constant 0 : i32
      %dma_wait3A_773 = tpu.memref_slice %arg22[%dma_wait3A_771, %dma_wait3A_772] : memref<640x16xi32, #tpu.memory_space<vmem>> -> memref<40x16xi32, #tpu.memory_space<vmem>>
      tpu.wait_dma2 semaphore(%run_scoped3A_763 : memref<!tpu.dma_semaphore, #tpu.memory_space<semaphore_mem>>) src(%arg8 : memref<40x16xi32, #tpu.memory_space<hbm>>) dst(%dma_wait3A_773 : memref<40x16xi32, #tpu.memory_space<vmem>>)
      tpu.yield
    }) : () -> ()
    %add3A_459 = arith.constant 0 : i32
    %add3A_460 = vector.broadcast %add3A_459 : i32 to vector<16xi32>
    %add3A_461 = arith.addi %add3A_460, %iota3A : vector<16xi32>
    %swap3A_462 = arith.constant 0 : i32
    %swap3A_463 = arith.index_cast %swap3A_462 : i32 to index
    %swap3A_464 = arith.constant 0 : index
    %swap3A_465 = tpu.vector_load %arg23[%swap3A_463, %swap3A_464] {strides = array<i32>} : memref<5x128xi32, #tpu.memory_space<vmem>>, vector<16xi32>,
    tpu.vector_store %arg23[%swap3A_463, %swap3A_464], %add3A_461 {strides = array<i32>} : memref<5x128xi32, #tpu.memory_space<vmem>>, vector<16xi32>,
    %add3A_466 = arith.constant 16 : i32
    %add3A_467 = vector.broadcast %add3A_466 : i32 to vector<16xi32>
    %add3A_468 = arith.addi %add3A_467, %iota3A : vector<16xi32>
    %swap3A_469 = arith.constant 0 : i32
    %swap3A_470 = arith.index_cast %swap3A_469 : i32 to index
    %swap3A_471 = arith.constant 16 : index
    %swap3A_472 = tpu.vector_load %arg23[%swap3A_470, %swap3A_471] {strides = array<i32>} : memref<5x128xi32, #tpu.memory_space<vmem>>, vector<16xi32>,
    tpu.vector_store %arg23[%swap3A_470, %swap3A_471], %add3A_468 {strides = array<i32>} : memref<5x128xi32, #tpu.memory_space<vmem>>, vector<16xi32>,
    %add3A_473 = arith.constant 32 : i32
    %add3A_474 = vector.broadcast %add3A_473 : i32 to vector<16xi32>
    %add3A_475 = arith.addi %add3A_474, %iota3A : vector<16xi32>
    %swap3A_476 = arith.constant 0 : i32
    %swap3A_477 = arith.index_cast %swap3A_476 : i32 to index
    %swap3A_478 = arith.constant 32 : index
    %swap3A_479 = tpu.vector_load %arg23[%swap3A_477, %swap3A_478] {strides = array<i32>} : memref<5x128xi32, #tpu.memory_space<vmem>>, vector<16xi32>,
    tpu.vector_store %arg23[%swap3A_477, %swap3A_478], %add3A_475 {strides = array<i32>} : memref<5x128xi32, #tpu.memory_space<vmem>>, vector<16xi32>,
    %add3A_480 = arith.constant 48 : i32
    %add3A_481 = vector.broadcast %add3A_480 : i32 to vector<16xi32>
    %add3A_482 = arith.addi %add3A_481, %iota3A : vector<16xi32>
    %swap3A_483 = arith.constant 0 : i32
    %swap3A_484 = arith.index_cast %swap3A_483 : i32 to index
    %swap3A_485 = arith.constant 48 : index
    %swap3A_486 = tpu.vector_load %arg23[%swap3A_484, %swap3A_485] {strides = array<i32>} : memref<5x128xi32, #tpu.memory_space<vmem>>, vector<16xi32>,
    tpu.vector_store %arg23[%swap3A_484, %swap3A_485], %add3A_482 {strides = array<i32>} : memref<5x128xi32, #tpu.memory_space<vmem>>, vector<16xi32>,
    %add3A_487 = arith.constant 64 : i32
    %add3A_488 = vector.broadcast %add3A_487 : i32 to vector<16xi32>
    %add3A_489 = arith.addi %add3A_488, %iota3A : vector<16xi32>
    %swap3A_490 = arith.constant 0 : i32
    %swap3A_491 = arith.index_cast %swap3A_490 : i32 to index
    %swap3A_492 = arith.constant 64 : index
    %swap3A_493 = tpu.vector_load %arg23[%swap3A_491, %swap3A_492] {strides = array<i32>} : memref<5x128xi32, #tpu.memory_space<vmem>>, vector<16xi32>,
    tpu.vector_store %arg23[%swap3A_491, %swap3A_492], %add3A_489 {strides = array<i32>} : memref<5x128xi32, #tpu.memory_space<vmem>>, vector<16xi32>,
    %add3A_494 = arith.constant 80 : i32
    %add3A_495 = vector.broadcast %add3A_494 : i32 to vector<16xi32>
    %add3A_496 = arith.addi %add3A_495, %iota3A : vector<16xi32>
    %swap3A_497 = arith.constant 0 : i32
    %swap3A_498 = arith.index_cast %swap3A_497 : i32 to index
    %swap3A_499 = arith.constant 80 : index
    %swap3A_500 = tpu.vector_load %arg23[%swap3A_498, %swap3A_499] {strides = array<i32>} : memref<5x128xi32, #tpu.memory_space<vmem>>, vector<16xi32>,
    tpu.vector_store %arg23[%swap3A_498, %swap3A_499], %add3A_496 {strides = array<i32>} : memref<5x128xi32, #tpu.memory_space<vmem>>, vector<16xi32>,
    %add3A_501 = arith.constant 96 : i32
    %add3A_502 = vector.broadcast %add3A_501 : i32 to vector<16xi32>
    %add3A_503 = arith.addi %add3A_502, %iota3A : vector<16xi32>
    %swap3A_504 = arith.constant 0 : i32
    %swap3A_505 = arith.index_cast %swap3A_504 : i32 to index
    %swap3A_506 = arith.constant 96 : index
    %swap3A_507 = tpu.vector_load %arg23[%swap3A_505, %swap3A_506] {strides = array<i32>} : memref<5x128xi32, #tpu.memory_space<vmem>>, vector<16xi32>,
    tpu.vector_store %arg23[%swap3A_505, %swap3A_506], %add3A_503 {strides = array<i32>} : memref<5x128xi32, #tpu.memory_space<vmem>>, vector<16xi32>,
    %add3A_508 = arith.constant 112 : i32
    %add3A_509 = vector.broadcast %add3A_508 : i32 to vector<16xi32>
    %add3A_510 = arith.addi %add3A_509, %iota3A : vector<16xi32>
    %swap3A_511 = arith.constant 0 : i32
    %swap3A_512 = arith.index_cast %swap3A_511 : i32 to index
    %swap3A_513 = arith.constant 112 : index
    %swap3A_514 = tpu.vector_load %arg23[%swap3A_512, %swap3A_513] {strides = array<i32>} : memref<5x128xi32, #tpu.memory_space<vmem>>, vector<16xi32>,
    tpu.vector_store %arg23[%swap3A_512, %swap3A_513], %add3A_510 {strides = array<i32>} : memref<5x128xi32, #tpu.memory_space<vmem>>, vector<16xi32>,
    %add3A_515 = arith.constant 128 : i32
    %add3A_516 = vector.broadcast %add3A_515 : i32 to vector<16xi32>
    %add3A_517 = arith.addi %add3A_516, %iota3A : vector<16xi32>
    %swap3A_518 = arith.constant 1 : i32
    %swap3A_519 = arith.index_cast %swap3A_518 : i32 to index
    %swap3A_520 = arith.constant 0 : index
    %swap3A_521 = tpu.vector_load %arg23[%swap3A_519, %swap3A_520] {strides = array<i32>} : memref<5x128xi32, #tpu.memory_space<vmem>>, vector<16xi32>,
    tpu.vector_store %arg23[%swap3A_519, %swap3A_520], %add3A_517 {strides = array<i32>} : memref<5x128xi32, #tpu.memory_space<vmem>>, vector<16xi32>,
    %add3A_522 = arith.constant 144 : i32
    %add3A_523 = vector.broadcast %add3A_522 : i32 to vector<16xi32>
    %add3A_524 = arith.addi %add3A_523, %iota3A : vector<16xi32>
    %swap3A_525 = arith.constant 1 : i32
    %swap3A_526 = arith.index_cast %swap3A_525 : i32 to index
    %swap3A_527 = arith.constant 16 : index
    %swap3A_528 = tpu.vector_load %arg23[%swap3A_526, %swap3A_527] {strides = array<i32>} : memref<5x128xi32, #tpu.memory_space<vmem>>, vector<16xi32>,
    tpu.vector_store %arg23[%swap3A_526, %swap3A_527], %add3A_524 {strides = array<i32>} : memref<5x128xi32, #tpu.memory_space<vmem>>, vector<16xi32>,
    %add3A_529 = arith.constant 160 : i32
    %add3A_530 = vector.broadcast %add3A_529 : i32 to vector<16xi32>
    %add3A_531 = arith.addi %add3A_530, %iota3A : vector<16xi32>
    %swap3A_532 = arith.constant 1 : i32
    %swap3A_533 = arith.index_cast %swap3A_532 : i32 to index
    %swap3A_534 = arith.constant 32 : index
    %swap3A_535 = tpu.vector_load %arg23[%swap3A_533, %swap3A_534] {strides = array<i32>} : memref<5x128xi32, #tpu.memory_space<vmem>>, vector<16xi32>,
    tpu.vector_store %arg23[%swap3A_533, %swap3A_534], %add3A_531 {strides = array<i32>} : memref<5x128xi32, #tpu.memory_space<vmem>>, vector<16xi32>,
    %add3A_536 = arith.constant 176 : i32
    %add3A_537 = vector.broadcast %add3A_536 : i32 to vector<16xi32>
    %add3A_538 = arith.addi %add3A_537, %iota3A : vector<16xi32>
    %swap3A_539 = arith.constant 1 : i32
    %swap3A_540 = arith.index_cast %swap3A_539 : i32 to index
    %swap3A_541 = arith.constant 48 : index
    %swap3A_542 = tpu.vector_load %arg23[%swap3A_540, %swap3A_541] {strides = array<i32>} : memref<5x128xi32, #tpu.memory_space<vmem>>, vector<16xi32>,
    tpu.vector_store %arg23[%swap3A_540, %swap3A_541], %add3A_538 {strides = array<i32>} : memref<5x128xi32, #tpu.memory_space<vmem>>, vector<16xi32>,
    %add3A_543 = arith.constant 192 : i32
    %add3A_544 = vector.broadcast %add3A_543 : i32 to vector<16xi32>
    %add3A_545 = arith.addi %add3A_544, %iota3A : vector<16xi32>
    %swap3A_546 = arith.constant 1 : i32
    %swap3A_547 = arith.index_cast %swap3A_546 : i32 to index
    %swap3A_548 = arith.constant 64 : index
    %swap3A_549 = tpu.vector_load %arg23[%swap3A_547, %swap3A_548] {strides = array<i32>} : memref<5x128xi32, #tpu.memory_space<vmem>>, vector<16xi32>,
    tpu.vector_store %arg23[%swap3A_547, %swap3A_548], %add3A_545 {strides = array<i32>} : memref<5x128xi32, #tpu.memory_space<vmem>>, vector<16xi32>,
    %add3A_550 = arith.constant 208 : i32
    %add3A_551 = vector.broadcast %add3A_550 : i32 to vector<16xi32>
    %add3A_552 = arith.addi %add3A_551, %iota3A : vector<16xi32>
    %swap3A_553 = arith.constant 1 : i32
    %swap3A_554 = arith.index_cast %swap3A_553 : i32 to index
    %swap3A_555 = arith.constant 80 : index
    %swap3A_556 = tpu.vector_load %arg23[%swap3A_554, %swap3A_555] {strides = array<i32>} : memref<5x128xi32, #tpu.memory_space<vmem>>, vector<16xi32>,
    tpu.vector_store %arg23[%swap3A_554, %swap3A_555], %add3A_552 {strides = array<i32>} : memref<5x128xi32, #tpu.memory_space<vmem>>, vector<16xi32>,
    %add3A_557 = arith.constant 224 : i32
    %add3A_558 = vector.broadcast %add3A_557 : i32 to vector<16xi32>
    %add3A_559 = arith.addi %add3A_558, %iota3A : vector<16xi32>
    %swap3A_560 = arith.constant 1 : i32
    %swap3A_561 = arith.index_cast %swap3A_560 : i32 to index
    %swap3A_562 = arith.constant 96 : index
    %swap3A_563 = tpu.vector_load %arg23[%swap3A_561, %swap3A_562] {strides = array<i32>} : memref<5x128xi32, #tpu.memory_space<vmem>>, vector<16xi32>,
    tpu.vector_store %arg23[%swap3A_561, %swap3A_562], %add3A_559 {strides = array<i32>} : memref<5x128xi32, #tpu.memory_space<vmem>>, vector<16xi32>,
    %add3A_564 = arith.constant 240 : i32
    %add3A_565 = vector.broadcast %add3A_564 : i32 to vector<16xi32>
    %add3A_566 = arith.addi %add3A_565, %iota3A : vector<16xi32>
    %swap3A_567 = arith.constant 1 : i32
    %swap3A_568 = arith.index_cast %swap3A_567 : i32 to index
    %swap3A_569 = arith.constant 112 : index
    %swap3A_570 = tpu.vector_load %arg23[%swap3A_568, %swap3A_569] {strides = array<i32>} : memref<5x128xi32, #tpu.memory_space<vmem>>, vector<16xi32>,
    tpu.vector_store %arg23[%swap3A_568, %swap3A_569], %add3A_566 {strides = array<i32>} : memref<5x128xi32, #tpu.memory_space<vmem>>, vector<16xi32>,
    %add3A_571 = arith.constant 256 : i32
    %add3A_572 = vector.broadcast %add3A_571 : i32 to vector<16xi32>
    %add3A_573 = arith.addi %add3A_572, %iota3A : vector<16xi32>
    %swap3A_574 = arith.constant 2 : i32
    %swap3A_575 = arith.index_cast %swap3A_574 : i32 to index
    %swap3A_576 = arith.constant 0 : index
    %swap3A_577 = tpu.vector_load %arg23[%swap3A_575, %swap3A_576] {strides = array<i32>} : memref<5x128xi32, #tpu.memory_space<vmem>>, vector<16xi32>,
    tpu.vector_store %arg23[%swap3A_575, %swap3A_576], %add3A_573 {strides = array<i32>} : memref<5x128xi32, #tpu.memory_space<vmem>>, vector<16xi32>,
    %add3A_578 = arith.constant 272 : i32
    %add3A_579 = vector.broadcast %add3A_578 : i32 to vector<16xi32>
    %add3A_580 = arith.addi %add3A_579, %iota3A : vector<16xi32>
    %swap3A_581 = arith.constant 2 : i32
    %swap3A_582 = arith.index_cast %swap3A_581 : i32 to index
    %swap3A_583 = arith.constant 16 : index
    %swap3A_584 = tpu.vector_load %arg23[%swap3A_582, %swap3A_583] {strides = array<i32>} : memref<5x128xi32, #tpu.memory_space<vmem>>, vector<16xi32>,
    tpu.vector_store %arg23[%swap3A_582, %swap3A_583], %add3A_580 {strides = array<i32>} : memref<5x128xi32, #tpu.memory_space<vmem>>, vector<16xi32>,
    %add3A_585 = arith.constant 288 : i32
    %add3A_586 = vector.broadcast %add3A_585 : i32 to vector<16xi32>
    %add3A_587 = arith.addi %add3A_586, %iota3A : vector<16xi32>
    %swap3A_588 = arith.constant 2 : i32
    %swap3A_589 = arith.index_cast %swap3A_588 : i32 to index
    %swap3A_590 = arith.constant 32 : index
    %swap3A_591 = tpu.vector_load %arg23[%swap3A_589, %swap3A_590] {strides = array<i32>} : memref<5x128xi32, #tpu.memory_space<vmem>>, vector<16xi32>,
    tpu.vector_store %arg23[%swap3A_589, %swap3A_590], %add3A_587 {strides = array<i32>} : memref<5x128xi32, #tpu.memory_space<vmem>>, vector<16xi32>,
    %add3A_592 = arith.constant 304 : i32
    %add3A_593 = vector.broadcast %add3A_592 : i32 to vector<16xi32>
    %add3A_594 = arith.addi %add3A_593, %iota3A : vector<16xi32>
    %swap3A_595 = arith.constant 2 : i32
    %swap3A_596 = arith.index_cast %swap3A_595 : i32 to index
    %swap3A_597 = arith.constant 48 : index
    %swap3A_598 = tpu.vector_load %arg23[%swap3A_596, %swap3A_597] {strides = array<i32>} : memref<5x128xi32, #tpu.memory_space<vmem>>, vector<16xi32>,
    tpu.vector_store %arg23[%swap3A_596, %swap3A_597], %add3A_594 {strides = array<i32>} : memref<5x128xi32, #tpu.memory_space<vmem>>, vector<16xi32>,
    %add3A_599 = arith.constant 320 : i32
    %add3A_600 = vector.broadcast %add3A_599 : i32 to vector<16xi32>
    %add3A_601 = arith.addi %add3A_600, %iota3A : vector<16xi32>
    %swap3A_602 = arith.constant 2 : i32
    %swap3A_603 = arith.index_cast %swap3A_602 : i32 to index
    %swap3A_604 = arith.constant 64 : index
    %swap3A_605 = tpu.vector_load %arg23[%swap3A_603, %swap3A_604] {strides = array<i32>} : memref<5x128xi32, #tpu.memory_space<vmem>>, vector<16xi32>,
    tpu.vector_store %arg23[%swap3A_603, %swap3A_604], %add3A_601 {strides = array<i32>} : memref<5x128xi32, #tpu.memory_space<vmem>>, vector<16xi32>,
    %add3A_606 = arith.constant 336 : i32
    %add3A_607 = vector.broadcast %add3A_606 : i32 to vector<16xi32>
    %add3A_608 = arith.addi %add3A_607, %iota3A : vector<16xi32>
    %swap3A_609 = arith.constant 2 : i32
    %swap3A_610 = arith.index_cast %swap3A_609 : i32 to index
    %swap3A_611 = arith.constant 80 : index
    %swap3A_612 = tpu.vector_load %arg23[%swap3A_610, %swap3A_611] {strides = array<i32>} : memref<5x128xi32, #tpu.memory_space<vmem>>, vector<16xi32>,
    tpu.vector_store %arg23[%swap3A_610, %swap3A_611], %add3A_608 {strides = array<i32>} : memref<5x128xi32, #tpu.memory_space<vmem>>, vector<16xi32>,
    %add3A_613 = arith.constant 352 : i32
    %add3A_614 = vector.broadcast %add3A_613 : i32 to vector<16xi32>
    %add3A_615 = arith.addi %add3A_614, %iota3A : vector<16xi32>
    %swap3A_616 = arith.constant 2 : i32
    %swap3A_617 = arith.index_cast %swap3A_616 : i32 to index
    %swap3A_618 = arith.constant 96 : index
    %swap3A_619 = tpu.vector_load %arg23[%swap3A_617, %swap3A_618] {strides = array<i32>} : memref<5x128xi32, #tpu.memory_space<vmem>>, vector<16xi32>,
    tpu.vector_store %arg23[%swap3A_617, %swap3A_618], %add3A_615 {strides = array<i32>} : memref<5x128xi32, #tpu.memory_space<vmem>>, vector<16xi32>,
    %add3A_620 = arith.constant 368 : i32
    %add3A_621 = vector.broadcast %add3A_620 : i32 to vector<16xi32>
    %add3A_622 = arith.addi %add3A_621, %iota3A : vector<16xi32>
    %swap3A_623 = arith.constant 2 : i32
    %swap3A_624 = arith.index_cast %swap3A_623 : i32 to index
    %swap3A_625 = arith.constant 112 : index
    %swap3A_626 = tpu.vector_load %arg23[%swap3A_624, %swap3A_625] {strides = array<i32>} : memref<5x128xi32, #tpu.memory_space<vmem>>, vector<16xi32>,
    tpu.vector_store %arg23[%swap3A_624, %swap3A_625], %add3A_622 {strides = array<i32>} : memref<5x128xi32, #tpu.memory_space<vmem>>, vector<16xi32>,
    %add3A_627 = arith.constant 384 : i32
    %add3A_628 = vector.broadcast %add3A_627 : i32 to vector<16xi32>
    %add3A_629 = arith.addi %add3A_628, %iota3A : vector<16xi32>
    %swap3A_630 = arith.constant 3 : i32
    %swap3A_631 = arith.index_cast %swap3A_630 : i32 to index
    %swap3A_632 = arith.constant 0 : index
    %swap3A_633 = tpu.vector_load %arg23[%swap3A_631, %swap3A_632] {strides = array<i32>} : memref<5x128xi32, #tpu.memory_space<vmem>>, vector<16xi32>,
    tpu.vector_store %arg23[%swap3A_631, %swap3A_632], %add3A_629 {strides = array<i32>} : memref<5x128xi32, #tpu.memory_space<vmem>>, vector<16xi32>,
    %add3A_634 = arith.constant 400 : i32
    %add3A_635 = vector.broadcast %add3A_634 : i32 to vector<16xi32>
    %add3A_636 = arith.addi %add3A_635, %iota3A : vector<16xi32>
    %swap3A_637 = arith.constant 3 : i32
    %swap3A_638 = arith.index_cast %swap3A_637 : i32 to index
    %swap3A_639 = arith.constant 16 : index
    %swap3A_640 = tpu.vector_load %arg23[%swap3A_638, %swap3A_639] {strides = array<i32>} : memref<5x128xi32, #tpu.memory_space<vmem>>, vector<16xi32>,
    tpu.vector_store %arg23[%swap3A_638, %swap3A_639], %add3A_636 {strides = array<i32>} : memref<5x128xi32, #tpu.memory_space<vmem>>, vector<16xi32>,
    %add3A_641 = arith.constant 416 : i32
    %add3A_642 = vector.broadcast %add3A_641 : i32 to vector<16xi32>
    %add3A_643 = arith.addi %add3A_642, %iota3A : vector<16xi32>
    %swap3A_644 = arith.constant 3 : i32
    %swap3A_645 = arith.index_cast %swap3A_644 : i32 to index
    %swap3A_646 = arith.constant 32 : index
    %swap3A_647 = tpu.vector_load %arg23[%swap3A_645, %swap3A_646] {strides = array<i32>} : memref<5x128xi32, #tpu.memory_space<vmem>>, vector<16xi32>,
    tpu.vector_store %arg23[%swap3A_645, %swap3A_646], %add3A_643 {strides = array<i32>} : memref<5x128xi32, #tpu.memory_space<vmem>>, vector<16xi32>,
    %add3A_648 = arith.constant 432 : i32
    %add3A_649 = vector.broadcast %add3A_648 : i32 to vector<16xi32>
    %add3A_650 = arith.addi %add3A_649, %iota3A : vector<16xi32>
    %swap3A_651 = arith.constant 3 : i32
    %swap3A_652 = arith.index_cast %swap3A_651 : i32 to index
    %swap3A_653 = arith.constant 48 : index
    %swap3A_654 = tpu.vector_load %arg23[%swap3A_652, %swap3A_653] {strides = array<i32>} : memref<5x128xi32, #tpu.memory_space<vmem>>, vector<16xi32>,
    tpu.vector_store %arg23[%swap3A_652, %swap3A_653], %add3A_650 {strides = array<i32>} : memref<5x128xi32, #tpu.memory_space<vmem>>, vector<16xi32>,
    %add3A_655 = arith.constant 448 : i32
    %add3A_656 = vector.broadcast %add3A_655 : i32 to vector<16xi32>
    %add3A_657 = arith.addi %add3A_656, %iota3A : vector<16xi32>
    %swap3A_658 = arith.constant 3 : i32
    %swap3A_659 = arith.index_cast %swap3A_658 : i32 to index
    %swap3A_660 = arith.constant 64 : index
    %swap3A_661 = tpu.vector_load %arg23[%swap3A_659, %swap3A_660] {strides = array<i32>} : memref<5x128xi32, #tpu.memory_space<vmem>>, vector<16xi32>,
    tpu.vector_store %arg23[%swap3A_659, %swap3A_660], %add3A_657 {strides = array<i32>} : memref<5x128xi32, #tpu.memory_space<vmem>>, vector<16xi32>,
    %add3A_662 = arith.constant 464 : i32
    %add3A_663 = vector.broadcast %add3A_662 : i32 to vector<16xi32>
    %add3A_664 = arith.addi %add3A_663, %iota3A : vector<16xi32>
    %swap3A_665 = arith.constant 3 : i32
    %swap3A_666 = arith.index_cast %swap3A_665 : i32 to index
    %swap3A_667 = arith.constant 80 : index
    %swap3A_668 = tpu.vector_load %arg23[%swap3A_666, %swap3A_667] {strides = array<i32>} : memref<5x128xi32, #tpu.memory_space<vmem>>, vector<16xi32>,
    tpu.vector_store %arg23[%swap3A_666, %swap3A_667], %add3A_664 {strides = array<i32>} : memref<5x128xi32, #tpu.memory_space<vmem>>, vector<16xi32>,
    %add3A_669 = arith.constant 480 : i32
    %add3A_670 = vector.broadcast %add3A_669 : i32 to vector<16xi32>
    %add3A_671 = arith.addi %add3A_670, %iota3A : vector<16xi32>
    %swap3A_672 = arith.constant 3 : i32
    %swap3A_673 = arith.index_cast %swap3A_672 : i32 to index
    %swap3A_674 = arith.constant 96 : index
    %swap3A_675 = tpu.vector_load %arg23[%swap3A_673, %swap3A_674] {strides = array<i32>} : memref<5x128xi32, #tpu.memory_space<vmem>>, vector<16xi32>,
    tpu.vector_store %arg23[%swap3A_673, %swap3A_674], %add3A_671 {strides = array<i32>} : memref<5x128xi32, #tpu.memory_space<vmem>>, vector<16xi32>,
    %add3A_676 = arith.constant 496 : i32
    %add3A_677 = vector.broadcast %add3A_676 : i32 to vector<16xi32>
    %add3A_678 = arith.addi %add3A_677, %iota3A : vector<16xi32>
    %swap3A_679 = arith.constant 3 : i32
    %swap3A_680 = arith.index_cast %swap3A_679 : i32 to index
    %swap3A_681 = arith.constant 112 : index
    %swap3A_682 = tpu.vector_load %arg23[%swap3A_680, %swap3A_681] {strides = array<i32>} : memref<5x128xi32, #tpu.memory_space<vmem>>, vector<16xi32>,
    tpu.vector_store %arg23[%swap3A_680, %swap3A_681], %add3A_678 {strides = array<i32>} : memref<5x128xi32, #tpu.memory_space<vmem>>, vector<16xi32>,
    %add3A_683 = arith.constant 512 : i32
    %add3A_684 = vector.broadcast %add3A_683 : i32 to vector<16xi32>
    %add3A_685 = arith.addi %add3A_684, %iota3A : vector<16xi32>
    %swap3A_686 = arith.constant 4 : i32
    %swap3A_687 = arith.index_cast %swap3A_686 : i32 to index
    %swap3A_688 = arith.constant 0 : index
    %swap3A_689 = tpu.vector_load %arg23[%swap3A_687, %swap3A_688] {strides = array<i32>} : memref<5x128xi32, #tpu.memory_space<vmem>>, vector<16xi32>,
    tpu.vector_store %arg23[%swap3A_687, %swap3A_688], %add3A_685 {strides = array<i32>} : memref<5x128xi32, #tpu.memory_space<vmem>>, vector<16xi32>,
    %add3A_690 = arith.constant 528 : i32
    %add3A_691 = vector.broadcast %add3A_690 : i32 to vector<16xi32>
    %add3A_692 = arith.addi %add3A_691, %iota3A : vector<16xi32>
    %swap3A_693 = arith.constant 4 : i32
    %swap3A_694 = arith.index_cast %swap3A_693 : i32 to index
    %swap3A_695 = arith.constant 16 : index
    %swap3A_696 = tpu.vector_load %arg23[%swap3A_694, %swap3A_695] {strides = array<i32>} : memref<5x128xi32, #tpu.memory_space<vmem>>, vector<16xi32>,
    tpu.vector_store %arg23[%swap3A_694, %swap3A_695], %add3A_692 {strides = array<i32>} : memref<5x128xi32, #tpu.memory_space<vmem>>, vector<16xi32>,
    %add3A_697 = arith.constant 544 : i32
    %add3A_698 = vector.broadcast %add3A_697 : i32 to vector<16xi32>
    %add3A_699 = arith.addi %add3A_698, %iota3A : vector<16xi32>
    %swap3A_700 = arith.constant 4 : i32
    %swap3A_701 = arith.index_cast %swap3A_700 : i32 to index
    %swap3A_702 = arith.constant 32 : index
    %swap3A_703 = tpu.vector_load %arg23[%swap3A_701, %swap3A_702] {strides = array<i32>} : memref<5x128xi32, #tpu.memory_space<vmem>>, vector<16xi32>,
    tpu.vector_store %arg23[%swap3A_701, %swap3A_702], %add3A_699 {strides = array<i32>} : memref<5x128xi32, #tpu.memory_space<vmem>>, vector<16xi32>,
    %add3A_704 = arith.constant 560 : i32
    %add3A_705 = vector.broadcast %add3A_704 : i32 to vector<16xi32>
    %add3A_706 = arith.addi %add3A_705, %iota3A : vector<16xi32>
    %swap3A_707 = arith.constant 4 : i32
    %swap3A_708 = arith.index_cast %swap3A_707 : i32 to index
    %swap3A_709 = arith.constant 48 : index
    %swap3A_710 = tpu.vector_load %arg23[%swap3A_708, %swap3A_709] {strides = array<i32>} : memref<5x128xi32, #tpu.memory_space<vmem>>, vector<16xi32>,
    tpu.vector_store %arg23[%swap3A_708, %swap3A_709], %add3A_706 {strides = array<i32>} : memref<5x128xi32, #tpu.memory_space<vmem>>, vector<16xi32>,
    %add3A_711 = arith.constant 576 : i32
    %add3A_712 = vector.broadcast %add3A_711 : i32 to vector<16xi32>
    %add3A_713 = arith.addi %add3A_712, %iota3A : vector<16xi32>
    %swap3A_714 = arith.constant 4 : i32
    %swap3A_715 = arith.index_cast %swap3A_714 : i32 to index
    %swap3A_716 = arith.constant 64 : index
    %swap3A_717 = tpu.vector_load %arg23[%swap3A_715, %swap3A_716] {strides = array<i32>} : memref<5x128xi32, #tpu.memory_space<vmem>>, vector<16xi32>,
    tpu.vector_store %arg23[%swap3A_715, %swap3A_716], %add3A_713 {strides = array<i32>} : memref<5x128xi32, #tpu.memory_space<vmem>>, vector<16xi32>,
    %add3A_718 = arith.constant 592 : i32
    %add3A_719 = vector.broadcast %add3A_718 : i32 to vector<16xi32>
    %add3A_720 = arith.addi %add3A_719, %iota3A : vector<16xi32>
    %swap3A_721 = arith.constant 4 : i32
    %swap3A_722 = arith.index_cast %swap3A_721 : i32 to index
    %swap3A_723 = arith.constant 80 : index
    %swap3A_724 = tpu.vector_load %arg23[%swap3A_722, %swap3A_723] {strides = array<i32>} : memref<5x128xi32, #tpu.memory_space<vmem>>, vector<16xi32>,
    tpu.vector_store %arg23[%swap3A_722, %swap3A_723], %add3A_720 {strides = array<i32>} : memref<5x128xi32, #tpu.memory_space<vmem>>, vector<16xi32>,
    %add3A_725 = arith.constant 608 : i32
    %add3A_726 = vector.broadcast %add3A_725 : i32 to vector<16xi32>
    %add3A_727 = arith.addi %add3A_726, %iota3A : vector<16xi32>
    %swap3A_728 = arith.constant 4 : i32
    %swap3A_729 = arith.index_cast %swap3A_728 : i32 to index
    %swap3A_730 = arith.constant 96 : index
    %swap3A_731 = tpu.vector_load %arg23[%swap3A_729, %swap3A_730] {strides = array<i32>} : memref<5x128xi32, #tpu.memory_space<vmem>>, vector<16xi32>,
    tpu.vector_store %arg23[%swap3A_729, %swap3A_730], %add3A_727 {strides = array<i32>} : memref<5x128xi32, #tpu.memory_space<vmem>>, vector<16xi32>,
    %add3A_732 = arith.constant 624 : i32
    %add3A_733 = vector.broadcast %add3A_732 : i32 to vector<16xi32>
    %add3A_734 = arith.addi %add3A_733, %iota3A : vector<16xi32>
    %swap3A_735 = arith.constant 4 : i32
    %swap3A_736 = arith.index_cast %swap3A_735 : i32 to index
    %swap3A_737 = arith.constant 112 : index
    %swap3A_738 = tpu.vector_load %arg23[%swap3A_736, %swap3A_737] {strides = array<i32>} : memref<5x128xi32, #tpu.memory_space<vmem>>, vector<16xi32>,
    tpu.vector_store %arg23[%swap3A_736, %swap3A_737], %add3A_734 {strides = array<i32>} : memref<5x128xi32, #tpu.memory_space<vmem>>, vector<16xi32>,
    %mul3A_739 = arith.constant 16 : i32
    %mul3A_740 = arith.muli %arg0, %mul3A_739 : i32
    %add3A_741 = arith.addi %mul3A_740, %arg1 : i32
    %scan3A_742 = arith.constant 0 : i32
    %scan3A_743 = arith.constant 0 : i32
    %scan3A_744 = arith.constant 5 : i32
    %scan3A_745 = arith.addi %scan3A_743, %scan3A_744 : i32
    %scan3A_746 = arith.constant 1 : i32
    %scan3A_747 = scf.for %scan3A_763 = %scan3A_743 to %scan3A_745 step %scan3A_746 iter_args(%scan3A_764 = %scan3A_742) -> (i32)  : i32 {
      %scan3A_765 = arith.constant 0 : i32
      %scan3A_766 = arith.constant 0 : i32
      %scan3A_767 = arith.constant 5 : i32
      %scan3A_768 = arith.addi %scan3A_766, %scan3A_767 : i32
      %scan3A_769 = arith.constant 1 : i32
      %scan3A_770 = scf.for %scan3A_889 = %scan3A_766 to %scan3A_768 step %scan3A_769 iter_args(%scan3A_890 = %scan3A_765) -> (i32)  : i32 {
        %mul3A_891 = arith.constant 5 : i32
        %mul3A_892 = arith.muli %scan3A_763, %mul3A_891 : i32
        %add3A_893 = arith.addi %mul3A_892, %scan3A_889 : i32
        %mul3A_894 = arith.constant 5 : i32
        %mul3A_895 = arith.muli %add3A_893, %mul3A_894 : i32
        "tpu.region"() ({
          %run_scoped3A_902 = tpu.sem_alloc : memref<!tpu.dma_semaphore, #tpu.memory_space<semaphore_mem>>
          %dma_start3A = arith.constant 0 : i32
          %dma_start3A_903 = tpu.memref_slice %arg2[%add3A_741, %mul3A_895, %dma_start3A] : memref<32x125x80xi32, #tpu.memory_space<hbm>> -> memref<1x5x80xi32, #tpu.memory_space<hbm>>
          %dma_start3A_904 = tpu.memref_squeeze %dma_start3A_903 : memref<1x5x80xi32, #tpu.memory_space<hbm>> -> memref<5x80xi32, #tpu.memory_space<hbm>>
          %dma_start3A_905 = arith.constant 0 : i32
          %dma_start3A_906 = tpu.memref_slice %arg2[%add3A_741, %mul3A_895, %dma_start3A_905] : memref<32x125x80xi32, #tpu.memory_space<hbm>> -> memref<1x5x80xi32, #tpu.memory_space<hbm>>
          %dma_start3A_907 = tpu.memref_squeeze %dma_start3A_906 : memref<1x5x80xi32, #tpu.memory_space<hbm>> -> memref<5x80xi32, #tpu.memory_space<hbm>>
          tpu.enqueue_dma source(%dma_start3A_907 : memref<5x80xi32, #tpu.memory_space<hbm>>) target(%arg27 : memref<5x80xi32, #tpu.memory_space<vmem>>) target_semaphore(%run_scoped3A_902 : memref<!tpu.dma_semaphore, #tpu.memory_space<semaphore_mem>>)
          %dma_wait3A = arith.constant 0 : i32
          %dma_wait3A_908 = tpu.memref_slice %arg2[%add3A_741, %mul3A_895, %dma_wait3A] : memref<32x125x80xi32, #tpu.memory_space<hbm>> -> memref<1x5x80xi32, #tpu.memory_space<hbm>>
          %dma_wait3A_909 = tpu.memref_squeeze %dma_wait3A_908 : memref<1x5x80xi32, #tpu.memory_space<hbm>> -> memref<5x80xi32, #tpu.memory_space<hbm>>
          %dma_wait3A_910 = arith.constant 0 : i32
          %dma_wait3A_911 = tpu.memref_slice %arg2[%add3A_741, %mul3A_895, %dma_wait3A_910] : memref<32x125x80xi32, #tpu.memory_space<hbm>> -> memref<1x5x80xi32, #tpu.memory_space<hbm>>
          %dma_wait3A_912 = tpu.memref_squeeze %dma_wait3A_911 : memref<1x5x80xi32, #tpu.memory_space<hbm>> -> memref<5x80xi32, #tpu.memory_space<hbm>>
          tpu.wait_dma2 semaphore(%run_scoped3A_902 : memref<!tpu.dma_semaphore, #tpu.memory_space<semaphore_mem>>) src(%dma_wait3A_912 : memref<5x80xi32, #tpu.memory_space<hbm>>) dst(%arg27 : memref<5x80xi32, #tpu.memory_space<vmem>>)
          tpu.yield
        }) : () -> ()
        "tpu.region"() ({
          %run_scoped3A_902 = tpu.sem_alloc : memref<!tpu.dma_semaphore, #tpu.memory_space<semaphore_mem>>
          %dma_start3A = arith.constant 0 : i32
          %dma_start3A_903 = tpu.memref_slice %arg3[%add3A_741, %mul3A_895, %dma_start3A] : memref<32x125x80xi32, #tpu.memory_space<hbm>> -> memref<1x5x80xi32, #tpu.memory_space<hbm>>
          %dma_start3A_904 = tpu.memref_squeeze %dma_start3A_903 : memref<1x5x80xi32, #tpu.memory_space<hbm>> -> memref<5x80xi32, #tpu.memory_space<hbm>>
          %dma_start3A_905 = arith.constant 0 : i32
          %dma_start3A_906 = tpu.memref_slice %arg3[%add3A_741, %mul3A_895, %dma_start3A_905] : memref<32x125x80xi32, #tpu.memory_space<hbm>> -> memref<1x5x80xi32, #tpu.memory_space<hbm>>
          %dma_start3A_907 = tpu.memref_squeeze %dma_start3A_906 : memref<1x5x80xi32, #tpu.memory_space<hbm>> -> memref<5x80xi32, #tpu.memory_space<hbm>>
          tpu.enqueue_dma source(%dma_start3A_907 : memref<5x80xi32, #tpu.memory_space<hbm>>) target(%arg28 : memref<5x80xi32, #tpu.memory_space<vmem>>) target_semaphore(%run_scoped3A_902 : memref<!tpu.dma_semaphore, #tpu.memory_space<semaphore_mem>>)
          %dma_wait3A = arith.constant 0 : i32
          %dma_wait3A_908 = tpu.memref_slice %arg3[%add3A_741, %mul3A_895, %dma_wait3A] : memref<32x125x80xi32, #tpu.memory_space<hbm>> -> memref<1x5x80xi32, #tpu.memory_space<hbm>>
          %dma_wait3A_909 = tpu.memref_squeeze %dma_wait3A_908 : memref<1x5x80xi32, #tpu.memory_space<hbm>> -> memref<5x80xi32, #tpu.memory_space<hbm>>
          %dma_wait3A_910 = arith.constant 0 : i32
          %dma_wait3A_911 = tpu.memref_slice %arg3[%add3A_741, %mul3A_895, %dma_wait3A_910] : memref<32x125x80xi32, #tpu.memory_space<hbm>> -> memref<1x5x80xi32, #tpu.memory_space<hbm>>
          %dma_wait3A_912 = tpu.memref_squeeze %dma_wait3A_911 : memref<1x5x80xi32, #tpu.memory_space<hbm>> -> memref<5x80xi32, #tpu.memory_space<hbm>>
          tpu.wait_dma2 semaphore(%run_scoped3A_902 : memref<!tpu.dma_semaphore, #tpu.memory_space<semaphore_mem>>) src(%dma_wait3A_912 : memref<5x80xi32, #tpu.memory_space<hbm>>) dst(%arg28 : memref<5x80xi32, #tpu.memory_space<vmem>>)
          tpu.yield
        }) : () -> ()
        %scan3A_896 = arith.constant 0 : i32
        %scan3A_897 = arith.constant 25 : i32
        %scan3A_898 = arith.addi %scan3A_896, %scan3A_897 : i32
        %scan3A_899 = arith.constant 1 : i32
        %scan3A_900 = scf.for %scan3A_902 = %scan3A_896 to %scan3A_898 step %scan3A_899 iter_args(%scan3A_903 = %scan3A_890) -> (i32)  : i32 {
          %jit3A = arith.constant 5 : i32
          %div3A_904 = arith.divsi %scan3A_902, %jit3A : i32
          %sign3A = arith.constant 0 : i32
          %sign3A_905 = arith.cmpi sgt, %scan3A_902, %sign3A : i32
          %sign3A_906 = arith.extui %sign3A_905 : i1 to i32
          %sign3A_907 = arith.constant 0 : i32
          %sign3A_908 = arith.cmpi slt, %scan3A_902, %sign3A_907 : i32
          %sign3A_909 = arith.extui %sign3A_908 : i1 to i32
          %sign3A_910 = arith.subi %sign3A_906, %sign3A_909 : i32
          %sign3A_911 = arith.constant 0 : i32
          %sign3A_912 = arith.cmpi sgt, %jit3A, %sign3A_911 : i32
          %sign3A_913 = arith.extui %sign3A_912 : i1 to i32
          %sign3A_914 = arith.constant 0 : i32
          %sign3A_915 = arith.cmpi slt, %jit3A, %sign3A_914 : i32
          %sign3A_916 = arith.extui %sign3A_915 : i1 to i32
          %sign3A_917 = arith.subi %sign3A_913, %sign3A_916 : i32
          %ne3A = arith.cmpi ne, %sign3A_910, %sign3A_917 : i32
          %rem3A = arith.remsi %scan3A_902, %jit3A : i32
          %ne3A_918 = arith.constant 0 : i32
          %ne3A_919 = arith.cmpi ne, %rem3A, %ne3A_918 : i32
          %and3A = arith.andi %ne3A, %ne3A_919 : i1
          %sub3A_920 = arith.constant 1 : i32
          %sub3A_921 = arith.subi %div3A_904, %sub3A_920 : i32
          %select_n3A = arith.select %and3A, %sub3A_921, %div3A_904 : i32
          %mul3A_922 = arith.constant 5 : i32
          %mul3A_923 = arith.muli %select_n3A, %mul3A_922 : i32
          %sub3A_924 = arith.subi %scan3A_902, %mul3A_923 : i32
          %mul3A_925 = arith.constant 16 : i32
          %mul3A_926 = arith.muli %sub3A_924, %mul3A_925 : i32
          %add3A_927 = vector.broadcast %mul3A_926 : i32 to vector<16xi32>
          %add3A_928 = arith.addi %add3A_927, %iota3A : vector<16xi32>
          %add3A_929 = vector.broadcast %select_n3A : i32 to vector<16xi32>
          %add3A_930 = arith.addi %broadcast_in_dim3A_0, %add3A_929 : vector<16xi32>
          %gather3A_931 = tpu.vector_load_idx %arg27[%add3A_930, %add3A_928] : memref<5x80xi32, #tpu.memory_space<vmem>>[vector<16xi32>, vector<16xi32>], vector<16xi32>,
          %add3A_932 = vector.broadcast %select_n3A : i32 to vector<16xi32>
          %add3A_933 = arith.addi %broadcast_in_dim3A_0, %add3A_932 : vector<16xi32>
          %gather3A_934 = tpu.vector_load_idx %arg28[%add3A_933, %add3A_928] : memref<5x80xi32, #tpu.memory_space<vmem>>[vector<16xi32>, vector<16xi32>], vector<16xi32>,
          %gather3A_935 = tpu.vector_load_idx %arg26[%gather3A_934] : memref<10240xi32, #tpu.memory_space<vmem>>[vector<16xi32>], vector<16xi32>,
          %eq3A_936 = arith.constant 1 : i32
          %eq3A_937 = vector.broadcast %eq3A_936 : i32 to vector<16xi32>
          %eq3A_938 = arith.cmpi eq, %gather3A_935, %eq3A_937 : vector<16xi32>
          %swap3A_939 = arith.index_cast %scan3A_903 : i32 to index
          %swap3A_940 = tpu.vector_load %arg29[%swap3A_939] masked %eq3A_938 {strides = array<i32>} : memref<2128xi32, #tpu.memory_space<vmem>>, vector<16xi32>, vector<16xi1>
          tpu.vector_store %arg29[%swap3A_939], %gather3A_931 masked %eq3A_938 {strides = array<i32>} : memref<2128xi32, #tpu.memory_space<vmem>>, vector<16xi32>, vector<16xi1>
          %swap3A_941 = arith.index_cast %scan3A_903 : i32 to index
          %swap3A_942 = tpu.vector_load %arg30[%swap3A_941] masked %eq3A_938 {strides = array<i32>} : memref<2128xi32, #tpu.memory_space<vmem>>, vector<16xi32>, vector<16xi1>
          tpu.vector_store %arg30[%swap3A_941], %gather3A_934 masked %eq3A_938 {strides = array<i32>} : memref<2128xi32, #tpu.memory_space<vmem>>, vector<16xi32>, vector<16xi1>
          %convert_element_type3A_943 = arith.extui %eq3A_938 : vector<16xi1> to vector<16xi32>
          %reduce_sum3A = arith.constant true
          %reduce_sum3A_944 = vector.broadcast %reduce_sum3A : i1 to vector<16xi1>
          %reduce_sum3A_945 = tpu.scan <sum>, %convert_element_type3A_943 masked %reduce_sum3A_944 : vector<16xi32>, vector<16xi1> -> vector<16xi32>
          %reduce_sum3A_946 = vector.extract %reduce_sum3A_945[15] : i32 from vector<16xi32>
          %add3A_947 = arith.addi %scan3A_903, %reduce_sum3A_946 : i32
          scf.yield %add3A_947 : i32
        }
        %scan3A_901 = arith.constant 25 : i32
        scf.yield %scan3A_900 : i32
      }
      %scan3A_771 = arith.constant 5 : i32
      %add3A_772 = arith.constant 0 : i32
      %add3A_773 = arith.addi %scan3A_770, %add3A_772 : i32
      %swap3A_774 = arith.index_cast %add3A_773 : i32 to index
      %swap3A_775 = tpu.vector_load %arg29[%swap3A_774] {strides = array<i32>} : memref<2128xi32, #tpu.memory_space<vmem>>, vector<16xi32>,
      tpu.vector_store %arg29[%swap3A_774], %broadcast_in_dim3A_0 {strides = array<i32>} : memref<2128xi32, #tpu.memory_space<vmem>>, vector<16xi32>,
      %add3A_776 = arith.constant 10240 : i32
      %add3A_777 = vector.broadcast %add3A_776 : i32 to vector<16xi32>
      %add3A_778 = arith.addi %broadcast_in_dim3A_0, %add3A_777 : vector<16xi32>
      %add3A_779 = arith.constant 0 : i32
      %add3A_780 = arith.addi %scan3A_770, %add3A_779 : i32
      %swap3A_781 = arith.index_cast %add3A_780 : i32 to index
      %swap3A_782 = tpu.vector_load %arg30[%swap3A_781] {strides = array<i32>} : memref<2128xi32, #tpu.memory_space<vmem>>, vector<16xi32>,
      tpu.vector_store %arg30[%swap3A_781], %add3A_778 {strides = array<i32>} : memref<2128xi32, #tpu.memory_space<vmem>>, vector<16xi32>,
      %add3A_783 = arith.constant 16 : i32
      %add3A_784 = arith.addi %scan3A_770, %add3A_783 : i32
      %swap3A_785 = arith.index_cast %add3A_784 : i32 to index
      %swap3A_786 = tpu.vector_load %arg29[%swap3A_785] {strides = array<i32>} : memref<2128xi32, #tpu.memory_space<vmem>>, vector<16xi32>,
      tpu.vector_store %arg29[%swap3A_785], %broadcast_in_dim3A_0 {strides = array<i32>} : memref<2128xi32, #tpu.memory_space<vmem>>, vector<16xi32>,
      %add3A_787 = arith.constant 10240 : i32
      %add3A_788 = vector.broadcast %add3A_787 : i32 to vector<16xi32>
      %add3A_789 = arith.addi %broadcast_in_dim3A_0, %add3A_788 : vector<16xi32>
      %add3A_790 = arith.constant 16 : i32
      %add3A_791 = arith.addi %scan3A_770, %add3A_790 : i32
      %swap3A_792 = arith.index_cast %add3A_791 : i32 to index
      %swap3A_793 = tpu.vector_load %arg30[%swap3A_792] {strides = array<i32>} : memref<2128xi32, #tpu.memory_space<vmem>>, vector<16xi32>,
      tpu.vector_store %arg30[%swap3A_792], %add3A_789 {strides = array<i32>} : memref<2128xi32, #tpu.memory_space<vmem>>, vector<16xi32>,
      %add3A_794 = arith.constant 32 : i32
      %add3A_795 = arith.addi %scan3A_770, %add3A_794 : i32
      %swap3A_796 = arith.index_cast %add3A_795 : i32 to index
      %swap3A_797 = tpu.vector_load %arg29[%swap3A_796] {strides = array<i32>} : memref<2128xi32, #tpu.memory_space<vmem>>, vector<16xi32>,
      tpu.vector_store %arg29[%swap3A_796], %broadcast_in_dim3A_0 {strides = array<i32>} : memref<2128xi32, #tpu.memory_space<vmem>>, vector<16xi32>,
      %add3A_798 = arith.constant 10240 : i32
      %add3A_799 = vector.broadcast %add3A_798 : i32 to vector<16xi32>
      %add3A_800 = arith.addi %broadcast_in_dim3A_0, %add3A_799 : vector<16xi32>
      %add3A_801 = arith.constant 32 : i32
      %add3A_802 = arith.addi %scan3A_770, %add3A_801 : i32
      %swap3A_803 = arith.index_cast %add3A_802 : i32 to index
      %swap3A_804 = tpu.vector_load %arg30[%swap3A_803] {strides = array<i32>} : memref<2128xi32, #tpu.memory_space<vmem>>, vector<16xi32>,
      tpu.vector_store %arg30[%swap3A_803], %add3A_800 {strides = array<i32>} : memref<2128xi32, #tpu.memory_space<vmem>>, vector<16xi32>,
      %add3A_805 = arith.constant 48 : i32
      %add3A_806 = arith.addi %scan3A_770, %add3A_805 : i32
      %swap3A_807 = arith.index_cast %add3A_806 : i32 to index
      %swap3A_808 = tpu.vector_load %arg29[%swap3A_807] {strides = array<i32>} : memref<2128xi32, #tpu.memory_space<vmem>>, vector<16xi32>,
      tpu.vector_store %arg29[%swap3A_807], %broadcast_in_dim3A_0 {strides = array<i32>} : memref<2128xi32, #tpu.memory_space<vmem>>, vector<16xi32>,
      %add3A_809 = arith.constant 10240 : i32
      %add3A_810 = vector.broadcast %add3A_809 : i32 to vector<16xi32>
      %add3A_811 = arith.addi %broadcast_in_dim3A_0, %add3A_810 : vector<16xi32>
      %add3A_812 = arith.constant 48 : i32
      %add3A_813 = arith.addi %scan3A_770, %add3A_812 : i32
      %swap3A_814 = arith.index_cast %add3A_813 : i32 to index
      %swap3A_815 = tpu.vector_load %arg30[%swap3A_814] {strides = array<i32>} : memref<2128xi32, #tpu.memory_space<vmem>>, vector<16xi32>,
      tpu.vector_store %arg30[%swap3A_814], %add3A_811 {strides = array<i32>} : memref<2128xi32, #tpu.memory_space<vmem>>, vector<16xi32>,
      %add3A_816 = arith.constant 64 : i32
      %add3A_817 = arith.addi %scan3A_770, %add3A_816 : i32
      %swap3A_818 = arith.index_cast %add3A_817 : i32 to index
      %swap3A_819 = tpu.vector_load %arg29[%swap3A_818] {strides = array<i32>} : memref<2128xi32, #tpu.memory_space<vmem>>, vector<16xi32>,
      tpu.vector_store %arg29[%swap3A_818], %broadcast_in_dim3A_0 {strides = array<i32>} : memref<2128xi32, #tpu.memory_space<vmem>>, vector<16xi32>,
      %add3A_820 = arith.constant 10240 : i32
      %add3A_821 = vector.broadcast %add3A_820 : i32 to vector<16xi32>
      %add3A_822 = arith.addi %broadcast_in_dim3A_0, %add3A_821 : vector<16xi32>
      %add3A_823 = arith.constant 64 : i32
      %add3A_824 = arith.addi %scan3A_770, %add3A_823 : i32
      %swap3A_825 = arith.index_cast %add3A_824 : i32 to index
      %swap3A_826 = tpu.vector_load %arg30[%swap3A_825] {strides = array<i32>} : memref<2128xi32, #tpu.memory_space<vmem>>, vector<16xi32>,
      tpu.vector_store %arg30[%swap3A_825], %add3A_822 {strides = array<i32>} : memref<2128xi32, #tpu.memory_space<vmem>>, vector<16xi32>,
      %add3A_827 = arith.constant 80 : i32
      %add3A_828 = arith.addi %scan3A_770, %add3A_827 : i32
      %swap3A_829 = arith.index_cast %add3A_828 : i32 to index
      %swap3A_830 = tpu.vector_load %arg29[%swap3A_829] {strides = array<i32>} : memref<2128xi32, #tpu.memory_space<vmem>>, vector<16xi32>,
      tpu.vector_store %arg29[%swap3A_829], %broadcast_in_dim3A_0 {strides = array<i32>} : memref<2128xi32, #tpu.memory_space<vmem>>, vector<16xi32>,
      %add3A_831 = arith.constant 10240 : i32
      %add3A_832 = vector.broadcast %add3A_831 : i32 to vector<16xi32>
      %add3A_833 = arith.addi %broadcast_in_dim3A_0, %add3A_832 : vector<16xi32>
      %add3A_834 = arith.constant 80 : i32
      %add3A_835 = arith.addi %scan3A_770, %add3A_834 : i32
      %swap3A_836 = arith.index_cast %add3A_835 : i32 to index
      %swap3A_837 = tpu.vector_load %arg30[%swap3A_836] {strides = array<i32>} : memref<2128xi32, #tpu.memory_space<vmem>>, vector<16xi32>,
      tpu.vector_store %arg30[%swap3A_836], %add3A_833 {strides = array<i32>} : memref<2128xi32, #tpu.memory_space<vmem>>, vector<16xi32>,
      %add3A_838 = arith.constant 96 : i32
      %add3A_839 = arith.addi %scan3A_770, %add3A_838 : i32
      %swap3A_840 = arith.index_cast %add3A_839 : i32 to index
      %swap3A_841 = tpu.vector_load %arg29[%swap3A_840] {strides = array<i32>} : memref<2128xi32, #tpu.memory_space<vmem>>, vector<16xi32>,
      tpu.vector_store %arg29[%swap3A_840], %broadcast_in_dim3A_0 {strides = array<i32>} : memref<2128xi32, #tpu.memory_space<vmem>>, vector<16xi32>,
      %add3A_842 = arith.constant 10240 : i32
      %add3A_843 = vector.broadcast %add3A_842 : i32 to vector<16xi32>
      %add3A_844 = arith.addi %broadcast_in_dim3A_0, %add3A_843 : vector<16xi32>
      %add3A_845 = arith.constant 96 : i32
      %add3A_846 = arith.addi %scan3A_770, %add3A_845 : i32
      %swap3A_847 = arith.index_cast %add3A_846 : i32 to index
      %swap3A_848 = tpu.vector_load %arg30[%swap3A_847] {strides = array<i32>} : memref<2128xi32, #tpu.memory_space<vmem>>, vector<16xi32>,
      tpu.vector_store %arg30[%swap3A_847], %add3A_844 {strides = array<i32>} : memref<2128xi32, #tpu.memory_space<vmem>>, vector<16xi32>,
      %add3A_849 = arith.constant 112 : i32
      %add3A_850 = arith.addi %scan3A_770, %add3A_849 : i32
      %swap3A_851 = arith.index_cast %add3A_850 : i32 to index
      %swap3A_852 = tpu.vector_load %arg29[%swap3A_851] {strides = array<i32>} : memref<2128xi32, #tpu.memory_space<vmem>>, vector<16xi32>,
      tpu.vector_store %arg29[%swap3A_851], %broadcast_in_dim3A_0 {strides = array<i32>} : memref<2128xi32, #tpu.memory_space<vmem>>, vector<16xi32>,
      %add3A_853 = arith.constant 10240 : i32
      %add3A_854 = vector.broadcast %add3A_853 : i32 to vector<16xi32>
      %add3A_855 = arith.addi %broadcast_in_dim3A_0, %add3A_854 : vector<16xi32>
      %add3A_856 = arith.constant 112 : i32
      %add3A_857 = arith.addi %scan3A_770, %add3A_856 : i32
      %swap3A_858 = arith.index_cast %add3A_857 : i32 to index
      %swap3A_859 = tpu.vector_load %arg30[%swap3A_858] {strides = array<i32>} : memref<2128xi32, #tpu.memory_space<vmem>>, vector<16xi32>,
      tpu.vector_store %arg30[%swap3A_858], %add3A_855 {strides = array<i32>} : memref<2128xi32, #tpu.memory_space<vmem>>, vector<16xi32>,
      %add3A_860 = arith.constant 127 : i32
      %add3A_861 = arith.addi %scan3A_770, %add3A_860 : i32
      %shift_right_logical3A = arith.constant 7 : i32
      %shift_right_logical3A_862 = arith.shrui %add3A_861, %shift_right_logical3A : i32
      %mul3A_863 = arith.constant 8 : i32
      %mul3A_864 = arith.muli %shift_right_logical3A_862, %mul3A_863 : i32
      %while3A = arith.constant 0 : i32
      %while3A_865 = arith.constant 0 : i32
      %while3A_866 = arith.subi %mul3A_864, %while3A : i32
      %while3A_867 = arith.addi %while3A, %while3A_866 : i32
      %while3A_868 = arith.constant 1 : i32
      %while3A_869 = arith.divsi %while3A_866, %while3A_868 : i32
      %while3A_870 = arith.muli %while3A_869, %while3A_868 : i32
      %while3A_871 = arith.addi %while3A, %while3A_870 : i32
      %while3A_872 = arith.constant 1 : i32
      %while3A_873 = scf.for %while3A_889 = %while3A to %while3A_871 step %while3A_872 iter_args(%while3A_890 = %while3A_865) -> (i32)  : i32 {
        %mul3A_891 = arith.constant 16 : i32
        %mul3A_892 = arith.muli %while3A_889, %mul3A_891 : i32
        %get3A_893 = arith.index_cast %mul3A_892 : i32 to index
        %get3A_894 = tpu.vector_load %arg30[%get3A_893] {strides = array<i32>} : memref<2128xi32, #tpu.memory_space<vmem>>, vector<16xi32>,
        %broadcast_in_dim3A_895 = arith.constant true
        %broadcast_in_dim3A_896 = vector.broadcast %broadcast_in_dim3A_895 : i1 to vector<16xi1>
        %unique3A, %unique3A_897 = tpu.scan_count mask(%broadcast_in_dim3A_896 : vector<16xi1>) value(%get3A_894 : vector<16xi32>) : vector<16xi1>, vector<16xi32>
        %shift_right_logical3A_898 = arith.constant 4 : i32
        %shift_right_logical3A_899 = vector.broadcast %shift_right_logical3A_898 : i32 to vector<16xi32>
        %shift_right_logical3A_900 = arith.shrui %get3A_894, %shift_right_logical3A_899 : vector<16xi32>
        %and3A = arith.constant 15 : i32
        %and3A_901 = vector.broadcast %and3A : i32 to vector<16xi32>
        %and3A_902 = arith.andi %get3A_894, %and3A_901 : vector<16xi32>
        %lt3A = arith.constant 10240 : i32
        %lt3A_903 = vector.broadcast %lt3A : i32 to vector<16xi32>
        %lt3A_904 = arith.cmpi slt, %get3A_894, %lt3A_903 : vector<16xi32>
        %and3A_905 = arith.andi %unique3A, %lt3A_904 : vector<16xi1>
        tpu.vector_store_idx %arg22[%shift_right_logical3A_900, %and3A_902], %unique3A_897 masked %and3A_905 {add = true} : memref<640x16xi32, #tpu.memory_space<vmem>>[vector<16xi32>, vector<16xi32>], vector<16xi32>, vector<16xi1>
        %while3A_906 = arith.constant 0 : i32
        scf.yield %while3A_906 : i32
      }
      %while3A_874 = arith.constant 1 : i32
      %while3A_875 = scf.for %while3A_889 = %while3A_871 to %while3A_867 step %while3A_874 iter_args(%while3A_890 = %while3A_873) -> (i32)  : i32 {
        %mul3A_891 = arith.constant 16 : i32
        %mul3A_892 = arith.muli %while3A_889, %mul3A_891 : i32
        %get3A_893 = arith.index_cast %mul3A_892 : i32 to index
        %get3A_894 = tpu.vector_load %arg30[%get3A_893] {strides = array<i32>} : memref<2128xi32, #tpu.memory_space<vmem>>, vector<16xi32>,
        %broadcast_in_dim3A_895 = arith.constant true
        %broadcast_in_dim3A_896 = vector.broadcast %broadcast_in_dim3A_895 : i1 to vector<16xi1>
        %unique3A, %unique3A_897 = tpu.scan_count mask(%broadcast_in_dim3A_896 : vector<16xi1>) value(%get3A_894 : vector<16xi32>) : vector<16xi1>, vector<16xi32>
        %shift_right_logical3A_898 = arith.constant 4 : i32
        %shift_right_logical3A_899 = vector.broadcast %shift_right_logical3A_898 : i32 to vector<16xi32>
        %shift_right_logical3A_900 = arith.shrui %get3A_894, %shift_right_logical3A_899 : vector<16xi32>
        %and3A = arith.constant 15 : i32
        %and3A_901 = vector.broadcast %and3A : i32 to vector<16xi32>
        %and3A_902 = arith.andi %get3A_894, %and3A_901 : vector<16xi32>
        %lt3A = arith.constant 10240 : i32
        %lt3A_903 = vector.broadcast %lt3A : i32 to vector<16xi32>
        %lt3A_904 = arith.cmpi slt, %get3A_894, %lt3A_903 : vector<16xi32>
        %and3A_905 = arith.andi %unique3A, %lt3A_904 : vector<16xi1>
        tpu.vector_store_idx %arg22[%shift_right_logical3A_900, %and3A_902], %unique3A_897 masked %and3A_905 {add = true} : memref<640x16xi32, #tpu.memory_space<vmem>>[vector<16xi32>, vector<16xi32>], vector<16xi32>, vector<16xi1>
        %while3A_906 = arith.constant 0 : i32
        scf.yield %while3A_906 : i32
      }
      %while3A_876 = arith.constant 0 : i32
      %while3A_877 = arith.constant 0 : i32
      %while3A_878 = arith.subi %shift_right_logical3A_862, %while3A_876 : i32
      %while3A_879 = arith.addi %while3A_876, %while3A_878 : i32
      %while3A_880 = arith.constant 1 : i32
      %while3A_881 = arith.divsi %while3A_878, %while3A_880 : i32
      %while3A_882 = arith.muli %while3A_881, %while3A_880 : i32
      %while3A_883 = arith.addi %while3A_876, %while3A_882 : i32
      %while3A_884 = arith.constant 1 : i32
      %while3A_885 = scf.for %while3A_889 = %while3A_876 to %while3A_883 step %while3A_884 iter_args(%while3A_890 = %while3A_877) -> (i32)  : i32 {
        %mul3A_891 = arith.constant 128 : i32
        %mul3A_892 = arith.muli %while3A_889, %mul3A_891 : i32
        %add3A_893 = arith.constant 0 : i32
        %add3A_894 = arith.addi %mul3A_892, %add3A_893 : i32
        %get3A_895 = arith.index_cast %add3A_894 : i32 to index
        %get3A_896 = tpu.vector_load %arg30[%get3A_895] {strides = array<i32>} : memref<2128xi32, #tpu.memory_space<vmem>>, vector<16xi32>,
        %swap3A_897 = arith.constant 0 : i32
        %swap3A_898 = arith.index_cast %swap3A_897 : i32 to index
        %swap3A_899 = arith.constant 0 : index
        %swap3A_900 = tpu.vector_load %arg31[%swap3A_898, %swap3A_899] {strides = array<i32>} : memref<1x128xi32, #tpu.memory_space<vmem>>, vector<16xi32>,
        tpu.vector_store %arg31[%swap3A_898, %swap3A_899], %get3A_896 {strides = array<i32>} : memref<1x128xi32, #tpu.memory_space<vmem>>, vector<16xi32>,
        %mul3A_901 = arith.constant 128 : i32
        %mul3A_902 = arith.muli %while3A_889, %mul3A_901 : i32
        %add3A_903 = arith.constant 16 : i32
        %add3A_904 = arith.addi %mul3A_902, %add3A_903 : i32
        %get3A_905 = arith.index_cast %add3A_904 : i32 to index
        %get3A_906 = tpu.vector_load %arg30[%get3A_905] {strides = array<i32>} : memref<2128xi32, #tpu.memory_space<vmem>>, vector<16xi32>,
        %swap3A_907 = arith.constant 0 : i32
        %swap3A_908 = arith.index_cast %swap3A_907 : i32 to index
        %swap3A_909 = arith.constant 16 : index
        %swap3A_910 = tpu.vector_load %arg31[%swap3A_908, %swap3A_909] {strides = array<i32>} : memref<1x128xi32, #tpu.memory_space<vmem>>, vector<16xi32>,
        tpu.vector_store %arg31[%swap3A_908, %swap3A_909], %get3A_906 {strides = array<i32>} : memref<1x128xi32, #tpu.memory_space<vmem>>, vector<16xi32>,
        %mul3A_911 = arith.constant 128 : i32
        %mul3A_912 = arith.muli %while3A_889, %mul3A_911 : i32
        %add3A_913 = arith.constant 32 : i32
        %add3A_914 = arith.addi %mul3A_912, %add3A_913 : i32
        %get3A_915 = arith.index_cast %add3A_914 : i32 to index
        %get3A_916 = tpu.vector_load %arg30[%get3A_915] {strides = array<i32>} : memref<2128xi32, #tpu.memory_space<vmem>>, vector<16xi32>,
        %swap3A_917 = arith.constant 0 : i32
        %swap3A_918 = arith.index_cast %swap3A_917 : i32 to index
        %swap3A_919 = arith.constant 32 : index
        %swap3A_920 = tpu.vector_load %arg31[%swap3A_918, %swap3A_919] {strides = array<i32>} : memref<1x128xi32, #tpu.memory_space<vmem>>, vector<16xi32>,
        tpu.vector_store %arg31[%swap3A_918, %swap3A_919], %get3A_916 {strides = array<i32>} : memref<1x128xi32, #tpu.memory_space<vmem>>, vector<16xi32>,
        %mul3A_921 = arith.constant 128 : i32
        %mul3A_922 = arith.muli %while3A_889, %mul3A_921 : i32
        %add3A_923 = arith.constant 48 : i32
        %add3A_924 = arith.addi %mul3A_922, %add3A_923 : i32
        %get3A_925 = arith.index_cast %add3A_924 : i32 to index
        %get3A_926 = tpu.vector_load %arg30[%get3A_925] {strides = array<i32>} : memref<2128xi32, #tpu.memory_space<vmem>>, vector<16xi32>,
        %swap3A_927 = arith.constant 0 : i32
        %swap3A_928 = arith.index_cast %swap3A_927 : i32 to index
        %swap3A_929 = arith.constant 48 : index
        %swap3A_930 = tpu.vector_load %arg31[%swap3A_928, %swap3A_929] {strides = array<i32>} : memref<1x128xi32, #tpu.memory_space<vmem>>, vector<16xi32>,
        tpu.vector_store %arg31[%swap3A_928, %swap3A_929], %get3A_926 {strides = array<i32>} : memref<1x128xi32, #tpu.memory_space<vmem>>, vector<16xi32>,
        %mul3A_931 = arith.constant 128 : i32
        %mul3A_932 = arith.muli %while3A_889, %mul3A_931 : i32
        %add3A_933 = arith.constant 64 : i32
        %add3A_934 = arith.addi %mul3A_932, %add3A_933 : i32
        %get3A_935 = arith.index_cast %add3A_934 : i32 to index
        %get3A_936 = tpu.vector_load %arg30[%get3A_935] {strides = array<i32>} : memref<2128xi32, #tpu.memory_space<vmem>>, vector<16xi32>,
        %swap3A_937 = arith.constant 0 : i32
        %swap3A_938 = arith.index_cast %swap3A_937 : i32 to index
        %swap3A_939 = arith.constant 64 : index
        %swap3A_940 = tpu.vector_load %arg31[%swap3A_938, %swap3A_939] {strides = array<i32>} : memref<1x128xi32, #tpu.memory_space<vmem>>, vector<16xi32>,
        tpu.vector_store %arg31[%swap3A_938, %swap3A_939], %get3A_936 {strides = array<i32>} : memref<1x128xi32, #tpu.memory_space<vmem>>, vector<16xi32>,
        %mul3A_941 = arith.constant 128 : i32
        %mul3A_942 = arith.muli %while3A_889, %mul3A_941 : i32
        %add3A_943 = arith.constant 80 : i32
        %add3A_944 = arith.addi %mul3A_942, %add3A_943 : i32
        %get3A_945 = arith.index_cast %add3A_944 : i32 to index
        %get3A_946 = tpu.vector_load %arg30[%get3A_945] {strides = array<i32>} : memref<2128xi32, #tpu.memory_space<vmem>>, vector<16xi32>,
        %swap3A_947 = arith.constant 0 : i32
        %swap3A_948 = arith.index_cast %swap3A_947 : i32 to index
        %swap3A_949 = arith.constant 80 : index
        %swap3A_950 = tpu.vector_load %arg31[%swap3A_948, %swap3A_949] {strides = array<i32>} : memref<1x128xi32, #tpu.memory_space<vmem>>, vector<16xi32>,
        tpu.vector_store %arg31[%swap3A_948, %swap3A_949], %get3A_946 {strides = array<i32>} : memref<1x128xi32, #tpu.memory_space<vmem>>, vector<16xi32>,
        %mul3A_951 = arith.constant 128 : i32
        %mul3A_952 = arith.muli %while3A_889, %mul3A_951 : i32
        %add3A_953 = arith.constant 96 : i32
        %add3A_954 = arith.addi %mul3A_952, %add3A_953 : i32
        %get3A_955 = arith.index_cast %add3A_954 : i32 to index
        %get3A_956 = tpu.vector_load %arg30[%get3A_955] {strides = array<i32>} : memref<2128xi32, #tpu.memory_space<vmem>>, vector<16xi32>,
        %swap3A_957 = arith.constant 0 : i32
        %swap3A_958 = arith.index_cast %swap3A_957 : i32 to index
        %swap3A_959 = arith.constant 96 : index
        %swap3A_960 = tpu.vector_load %arg31[%swap3A_958, %swap3A_959] {strides = array<i32>} : memref<1x128xi32, #tpu.memory_space<vmem>>, vector<16xi32>,
        tpu.vector_store %arg31[%swap3A_958, %swap3A_959], %get3A_956 {strides = array<i32>} : memref<1x128xi32, #tpu.memory_space<vmem>>, vector<16xi32>,
        %mul3A_961 = arith.constant 128 : i32
        %mul3A_962 = arith.muli %while3A_889, %mul3A_961 : i32
        %add3A_963 = arith.constant 112 : i32
        %add3A_964 = arith.addi %mul3A_962, %add3A_963 : i32
        %get3A_965 = arith.index_cast %add3A_964 : i32 to index
        %get3A_966 = tpu.vector_load %arg30[%get3A_965] {strides = array<i32>} : memref<2128xi32, #tpu.memory_space<vmem>>, vector<16xi32>,
        %swap3A_967 = arith.constant 0 : i32
        %swap3A_968 = arith.index_cast %swap3A_967 : i32 to index
        %swap3A_969 = arith.constant 112 : index
        %swap3A_970 = tpu.vector_load %arg31[%swap3A_968, %swap3A_969] {strides = array<i32>} : memref<1x128xi32, #tpu.memory_space<vmem>>, vector<16xi32>,
        tpu.vector_store %arg31[%swap3A_968, %swap3A_969], %get3A_966 {strides = array<i32>} : memref<1x128xi32, #tpu.memory_space<vmem>>, vector<16xi32>,
        %mul3A_971 = arith.constant 128 : i32
        %mul3A_972 = arith.muli %while3A_889, %mul3A_971 : i32
        %dma_start3A = tpu.memref_slice %arg29[%mul3A_972] : memref<2128xi32, #tpu.memory_space<vmem>> -> memref<128xi32, #tpu.memory_space<vmem>>
        %dma_start3A_973 = arith.constant 0 : i32
        %dma_start3A_974 = arith.constant 0 : i32
        %dma_start3A_975 = tpu.memref_slice %arg6[%dma_start3A_973, %dma_start3A_974] : memref<10000x128xf32, #tpu.memory_space<hbm>> -> memref<10000x128xf32, #tpu.memory_space<hbm>>
        tpu.enqueue_indirect_dma source(%dma_start3A_975 : memref<10000x128xf32, #tpu.memory_space<hbm>>) target(%arg32 : memref<128x128xf32, #tpu.memory_space<vmem>>) offsets(%dma_start3A : memref<128xi32, #tpu.memory_space<vmem>>) semaphore(%arg33 : memref<!tpu.dma_semaphore, #tpu.memory_space<semaphore_mem>>)
        %dma_wait3A = tpu.memref_slice %arg29[%mul3A_972] : memref<2128xi32, #tpu.memory_space<vmem>> -> memref<128xi32, #tpu.memory_space<vmem>>
        %dma_wait3A_976 = arith.constant 0 : i32
        %dma_wait3A_977 = arith.constant 0 : i32
        %dma_wait3A_978 = tpu.memref_slice %arg6[%dma_wait3A_976, %dma_wait3A_977] : memref<10000x128xf32, #tpu.memory_space<hbm>> -> memref<10000x128xf32, #tpu.memory_space<hbm>>
        tpu.wait_indirect_dma semaphore(%arg33 : memref<!tpu.dma_semaphore, #tpu.memory_space<semaphore_mem>>) src(%dma_wait3A_978 : memref<10000x128xf32, #tpu.memory_space<hbm>>) dst(%arg32 : memref<128x128xf32, #tpu.memory_space<vmem>>)
        %run_scoped3A_979 = arith.constant 0 : i32
        "tpu.region"() ({
          %run_scoped3A_981 = tpu.sem_alloc : memref<!tpu.dma_semaphore, #tpu.memory_space<semaphore_mem>>
          %dma_start3A_982 = arith.constant 0 : i32
          %dma_start3A_983 = tpu.memref_slice %arg31[%run_scoped3A_979, %dma_start3A_982] : memref<1x128xi32, #tpu.memory_space<vmem>> -> memref<1x128xi32, #tpu.memory_space<vmem>>
          %dma_start3A_984 = tpu.memref_squeeze %dma_start3A_983 : memref<1x128xi32, #tpu.memory_space<vmem>> -> memref<128xi32, #tpu.memory_space<vmem>>
          %dma_start3A_985 = arith.constant 0 : i32
          %dma_start3A_986 = arith.constant 0 : i32
          %dma_start3A_987 = tpu.memref_slice %arg12[%dma_start3A_985, %dma_start3A_986] : memref<10272x128xf32, #tpu.memory_space<vmem_shared>> -> memref<10272x128xf32, #tpu.memory_space<vmem_shared>>
          tpu.enqueue_indirect_dma source(%arg32 : memref<128x128xf32, #tpu.memory_space<vmem>>) target(%dma_start3A_987 : memref<10272x128xf32, #tpu.memory_space<vmem_shared>>) offsets(%dma_start3A_984 : memref<128xi32, #tpu.memory_space<vmem>>) semaphore(%run_scoped3A_981 : memref<!tpu.dma_semaphore, #tpu.memory_space<semaphore_mem>>) {add = true}
          %dma_wait3A_988 = arith.constant 0 : i32
          %dma_wait3A_989 = tpu.memref_slice %arg31[%run_scoped3A_979, %dma_wait3A_988] : memref<1x128xi32, #tpu.memory_space<vmem>> -> memref<1x128xi32, #tpu.memory_space<vmem>>
          %dma_wait3A_990 = tpu.memref_squeeze %dma_wait3A_989 : memref<1x128xi32, #tpu.memory_space<vmem>> -> memref<128xi32, #tpu.memory_space<vmem>>
          %dma_wait3A_991 = arith.constant 0 : i32
          %dma_wait3A_992 = arith.constant 0 : i32
          %dma_wait3A_993 = tpu.memref_slice %arg12[%dma_wait3A_991, %dma_wait3A_992] : memref<10272x128xf32, #tpu.memory_space<vmem_shared>> -> memref<10272x128xf32, #tpu.memory_space<vmem_shared>>
          tpu.wait_indirect_dma semaphore(%run_scoped3A_981 : memref<!tpu.dma_semaphore, #tpu.memory_space<semaphore_mem>>) src(%arg32 : memref<128x128xf32, #tpu.memory_space<vmem>>) dst(%dma_wait3A_993 : memref<10272x128xf32, #tpu.memory_space<vmem_shared>>)
          tpu.yield
        }) : () -> ()
        %while3A_980 = arith.constant 0 : i32
        scf.yield %while3A_980 : i32
      }
      %while3A_886 = arith.constant 1 : i32
      %while3A_887 = scf.for %while3A_889 = %while3A_883 to %while3A_879 step %while3A_886 iter_args(%while3A_890 = %while3A_885) -> (i32)  : i32 {
        %mul3A_891 = arith.constant 128 : i32
        %mul3A_892 = arith.muli %while3A_889, %mul3A_891 : i32
        %add3A_893 = arith.constant 0 : i32
        %add3A_894 = arith.addi %mul3A_892, %add3A_893 : i32
        %get3A_895 = arith.index_cast %add3A_894 : i32 to index
        %get3A_896 = tpu.vector_load %arg30[%get3A_895] {strides = array<i32>} : memref<2128xi32, #tpu.memory_space<vmem>>, vector<16xi32>,
        %swap3A_897 = arith.constant 0 : i32
        %swap3A_898 = arith.index_cast %swap3A_897 : i32 to index
        %swap3A_899 = arith.constant 0 : index
        %swap3A_900 = tpu.vector_load %arg31[%swap3A_898, %swap3A_899] {strides = array<i32>} : memref<1x128xi32, #tpu.memory_space<vmem>>, vector<16xi32>,
        tpu.vector_store %arg31[%swap3A_898, %swap3A_899], %get3A_896 {strides = array<i32>} : memref<1x128xi32, #tpu.memory_space<vmem>>, vector<16xi32>,
        %mul3A_901 = arith.constant 128 : i32
        %mul3A_902 = arith.muli %while3A_889, %mul3A_901 : i32
        %add3A_903 = arith.constant 16 : i32
        %add3A_904 = arith.addi %mul3A_902, %add3A_903 : i32
        %get3A_905 = arith.index_cast %add3A_904 : i32 to index
        %get3A_906 = tpu.vector_load %arg30[%get3A_905] {strides = array<i32>} : memref<2128xi32, #tpu.memory_space<vmem>>, vector<16xi32>,
        %swap3A_907 = arith.constant 0 : i32
        %swap3A_908 = arith.index_cast %swap3A_907 : i32 to index
        %swap3A_909 = arith.constant 16 : index
        %swap3A_910 = tpu.vector_load %arg31[%swap3A_908, %swap3A_909] {strides = array<i32>} : memref<1x128xi32, #tpu.memory_space<vmem>>, vector<16xi32>,
        tpu.vector_store %arg31[%swap3A_908, %swap3A_909], %get3A_906 {strides = array<i32>} : memref<1x128xi32, #tpu.memory_space<vmem>>, vector<16xi32>,
        %mul3A_911 = arith.constant 128 : i32
        %mul3A_912 = arith.muli %while3A_889, %mul3A_911 : i32
        %add3A_913 = arith.constant 32 : i32
        %add3A_914 = arith.addi %mul3A_912, %add3A_913 : i32
        %get3A_915 = arith.index_cast %add3A_914 : i32 to index
        %get3A_916 = tpu.vector_load %arg30[%get3A_915] {strides = array<i32>} : memref<2128xi32, #tpu.memory_space<vmem>>, vector<16xi32>,
        %swap3A_917 = arith.constant 0 : i32
        %swap3A_918 = arith.index_cast %swap3A_917 : i32 to index
        %swap3A_919 = arith.constant 32 : index
        %swap3A_920 = tpu.vector_load %arg31[%swap3A_918, %swap3A_919] {strides = array<i32>} : memref<1x128xi32, #tpu.memory_space<vmem>>, vector<16xi32>,
        tpu.vector_store %arg31[%swap3A_918, %swap3A_919], %get3A_916 {strides = array<i32>} : memref<1x128xi32, #tpu.memory_space<vmem>>, vector<16xi32>,
        %mul3A_921 = arith.constant 128 : i32
        %mul3A_922 = arith.muli %while3A_889, %mul3A_921 : i32
        %add3A_923 = arith.constant 48 : i32
        %add3A_924 = arith.addi %mul3A_922, %add3A_923 : i32
        %get3A_925 = arith.index_cast %add3A_924 : i32 to index
        %get3A_926 = tpu.vector_load %arg30[%get3A_925] {strides = array<i32>} : memref<2128xi32, #tpu.memory_space<vmem>>, vector<16xi32>,
        %swap3A_927 = arith.constant 0 : i32
        %swap3A_928 = arith.index_cast %swap3A_927 : i32 to index
        %swap3A_929 = arith.constant 48 : index
        %swap3A_930 = tpu.vector_load %arg31[%swap3A_928, %swap3A_929] {strides = array<i32>} : memref<1x128xi32, #tpu.memory_space<vmem>>, vector<16xi32>,
        tpu.vector_store %arg31[%swap3A_928, %swap3A_929], %get3A_926 {strides = array<i32>} : memref<1x128xi32, #tpu.memory_space<vmem>>, vector<16xi32>,
        %mul3A_931 = arith.constant 128 : i32
        %mul3A_932 = arith.muli %while3A_889, %mul3A_931 : i32
        %add3A_933 = arith.constant 64 : i32
        %add3A_934 = arith.addi %mul3A_932, %add3A_933 : i32
        %get3A_935 = arith.index_cast %add3A_934 : i32 to index
        %get3A_936 = tpu.vector_load %arg30[%get3A_935] {strides = array<i32>} : memref<2128xi32, #tpu.memory_space<vmem>>, vector<16xi32>,
        %swap3A_937 = arith.constant 0 : i32
        %swap3A_938 = arith.index_cast %swap3A_937 : i32 to index
        %swap3A_939 = arith.constant 64 : index
        %swap3A_940 = tpu.vector_load %arg31[%swap3A_938, %swap3A_939] {strides = array<i32>} : memref<1x128xi32, #tpu.memory_space<vmem>>, vector<16xi32>,
        tpu.vector_store %arg31[%swap3A_938, %swap3A_939], %get3A_936 {strides = array<i32>} : memref<1x128xi32, #tpu.memory_space<vmem>>, vector<16xi32>,
        %mul3A_941 = arith.constant 128 : i32
        %mul3A_942 = arith.muli %while3A_889, %mul3A_941 : i32
        %add3A_943 = arith.constant 80 : i32
        %add3A_944 = arith.addi %mul3A_942, %add3A_943 : i32
        %get3A_945 = arith.index_cast %add3A_944 : i32 to index
        %get3A_946 = tpu.vector_load %arg30[%get3A_945] {strides = array<i32>} : memref<2128xi32, #tpu.memory_space<vmem>>, vector<16xi32>,
        %swap3A_947 = arith.constant 0 : i32
        %swap3A_948 = arith.index_cast %swap3A_947 : i32 to index
        %swap3A_949 = arith.constant 80 : index
        %swap3A_950 = tpu.vector_load %arg31[%swap3A_948, %swap3A_949] {strides = array<i32>} : memref<1x128xi32, #tpu.memory_space<vmem>>, vector<16xi32>,
        tpu.vector_store %arg31[%swap3A_948, %swap3A_949], %get3A_946 {strides = array<i32>} : memref<1x128xi32, #tpu.memory_space<vmem>>, vector<16xi32>,
        %mul3A_951 = arith.constant 128 : i32
        %mul3A_952 = arith.muli %while3A_889, %mul3A_951 : i32
        %add3A_953 = arith.constant 96 : i32
        %add3A_954 = arith.addi %mul3A_952, %add3A_953 : i32
        %get3A_955 = arith.index_cast %add3A_954 : i32 to index
        %get3A_956 = tpu.vector_load %arg30[%get3A_955] {strides = array<i32>} : memref<2128xi32, #tpu.memory_space<vmem>>, vector<16xi32>,
        %swap3A_957 = arith.constant 0 : i32
        %swap3A_958 = arith.index_cast %swap3A_957 : i32 to index
        %swap3A_959 = arith.constant 96 : index
        %swap3A_960 = tpu.vector_load %arg31[%swap3A_958, %swap3A_959] {strides = array<i32>} : memref<1x128xi32, #tpu.memory_space<vmem>>, vector<16xi32>,
        tpu.vector_store %arg31[%swap3A_958, %swap3A_959], %get3A_956 {strides = array<i32>} : memref<1x128xi32, #tpu.memory_space<vmem>>, vector<16xi32>,
        %mul3A_961 = arith.constant 128 : i32
        %mul3A_962 = arith.muli %while3A_889, %mul3A_961 : i32
        %add3A_963 = arith.constant 112 : i32
        %add3A_964 = arith.addi %mul3A_962, %add3A_963 : i32
        %get3A_965 = arith.index_cast %add3A_964 : i32 to index
        %get3A_966 = tpu.vector_load %arg30[%get3A_965] {strides = array<i32>} : memref<2128xi32, #tpu.memory_space<vmem>>, vector<16xi32>,
        %swap3A_967 = arith.constant 0 : i32
        %swap3A_968 = arith.index_cast %swap3A_967 : i32 to index
        %swap3A_969 = arith.constant 112 : index
        %swap3A_970 = tpu.vector_load %arg31[%swap3A_968, %swap3A_969] {strides = array<i32>} : memref<1x128xi32, #tpu.memory_space<vmem>>, vector<16xi32>,
        tpu.vector_store %arg31[%swap3A_968, %swap3A_969], %get3A_966 {strides = array<i32>} : memref<1x128xi32, #tpu.memory_space<vmem>>, vector<16xi32>,
        %mul3A_971 = arith.constant 128 : i32
        %mul3A_972 = arith.muli %while3A_889, %mul3A_971 : i32
        %dma_start3A = tpu.memref_slice %arg29[%mul3A_972] : memref<2128xi32, #tpu.memory_space<vmem>> -> memref<128xi32, #tpu.memory_space<vmem>>
        %dma_start3A_973 = arith.constant 0 : i32
        %dma_start3A_974 = arith.constant 0 : i32
        %dma_start3A_975 = tpu.memref_slice %arg6[%dma_start3A_973, %dma_start3A_974] : memref<10000x128xf32, #tpu.memory_space<hbm>> -> memref<10000x128xf32, #tpu.memory_space<hbm>>
        tpu.enqueue_indirect_dma source(%dma_start3A_975 : memref<10000x128xf32, #tpu.memory_space<hbm>>) target(%arg32 : memref<128x128xf32, #tpu.memory_space<vmem>>) offsets(%dma_start3A : memref<128xi32, #tpu.memory_space<vmem>>) semaphore(%arg33 : memref<!tpu.dma_semaphore, #tpu.memory_space<semaphore_mem>>)
        %dma_wait3A = tpu.memref_slice %arg29[%mul3A_972] : memref<2128xi32, #tpu.memory_space<vmem>> -> memref<128xi32, #tpu.memory_space<vmem>>
        %dma_wait3A_976 = arith.constant 0 : i32
        %dma_wait3A_977 = arith.constant 0 : i32
        %dma_wait3A_978 = tpu.memref_slice %arg6[%dma_wait3A_976, %dma_wait3A_977] : memref<10000x128xf32, #tpu.memory_space<hbm>> -> memref<10000x128xf32, #tpu.memory_space<hbm>>
        tpu.wait_indirect_dma semaphore(%arg33 : memref<!tpu.dma_semaphore, #tpu.memory_space<semaphore_mem>>) src(%dma_wait3A_978 : memref<10000x128xf32, #tpu.memory_space<hbm>>) dst(%arg32 : memref<128x128xf32, #tpu.memory_space<vmem>>)
        %run_scoped3A_979 = arith.constant 0 : i32
        "tpu.region"() ({
          %run_scoped3A_981 = tpu.sem_alloc : memref<!tpu.dma_semaphore, #tpu.memory_space<semaphore_mem>>
          %dma_start3A_982 = arith.constant 0 : i32
          %dma_start3A_983 = tpu.memref_slice %arg31[%run_scoped3A_979, %dma_start3A_982] : memref<1x128xi32, #tpu.memory_space<vmem>> -> memref<1x128xi32, #tpu.memory_space<vmem>>
          %dma_start3A_984 = tpu.memref_squeeze %dma_start3A_983 : memref<1x128xi32, #tpu.memory_space<vmem>> -> memref<128xi32, #tpu.memory_space<vmem>>
          %dma_start3A_985 = arith.constant 0 : i32
          %dma_start3A_986 = arith.constant 0 : i32
          %dma_start3A_987 = tpu.memref_slice %arg12[%dma_start3A_985, %dma_start3A_986] : memref<10272x128xf32, #tpu.memory_space<vmem_shared>> -> memref<10272x128xf32, #tpu.memory_space<vmem_shared>>
          tpu.enqueue_indirect_dma source(%arg32 : memref<128x128xf32, #tpu.memory_space<vmem>>) target(%dma_start3A_987 : memref<10272x128xf32, #tpu.memory_space<vmem_shared>>) offsets(%dma_start3A_984 : memref<128xi32, #tpu.memory_space<vmem>>) semaphore(%run_scoped3A_981 : memref<!tpu.dma_semaphore, #tpu.memory_space<semaphore_mem>>) {add = true}
          %dma_wait3A_988 = arith.constant 0 : i32
          %dma_wait3A_989 = tpu.memref_slice %arg31[%run_scoped3A_979, %dma_wait3A_988] : memref<1x128xi32, #tpu.memory_space<vmem>> -> memref<1x128xi32, #tpu.memory_space<vmem>>
          %dma_wait3A_990 = tpu.memref_squeeze %dma_wait3A_989 : memref<1x128xi32, #tpu.memory_space<vmem>> -> memref<128xi32, #tpu.memory_space<vmem>>
          %dma_wait3A_991 = arith.constant 0 : i32
          %dma_wait3A_992 = arith.constant 0 : i32
          %dma_wait3A_993 = tpu.memref_slice %arg12[%dma_wait3A_991, %dma_wait3A_992] : memref<10272x128xf32, #tpu.memory_space<vmem_shared>> -> memref<10272x128xf32, #tpu.memory_space<vmem_shared>>
          tpu.wait_indirect_dma semaphore(%run_scoped3A_981 : memref<!tpu.dma_semaphore, #tpu.memory_space<semaphore_mem>>) src(%arg32 : memref<128x128xf32, #tpu.memory_space<vmem>>) dst(%dma_wait3A_993 : memref<10272x128xf32, #tpu.memory_space<vmem_shared>>)
          tpu.yield
        }) : () -> ()
        %while3A_980 = arith.constant 0 : i32
        scf.yield %while3A_980 : i32
      }
      %scan3A_888 = arith.constant 0 : i32
      scf.yield %scan3A_888 : i32
    }
    %scan3A_748 = arith.constant 5 : i32
    %run_scoped3A_749 = arith.constant 0 : i32
    "tpu.region"() ({
      %run_scoped3A_763 = tpu.sem_alloc : memref<!tpu.dma_semaphore, #tpu.memory_space<semaphore_mem>>
      %dma_start3A = arith.constant 0 : i32
      %dma_start3A_764 = arith.constant 0 : i32
      %dma_start3A_765 = tpu.memref_slice %arg22[%dma_start3A, %dma_start3A_764] : memref<640x16xi32, #tpu.memory_space<vmem>> -> memref<128x16xi32, #tpu.memory_space<vmem>>
      %dma_start3A_766 = arith.constant 0 : i32
      %dma_start3A_767 = tpu.memref_slice %arg23[%run_scoped3A_749, %dma_start3A_766] : memref<5x128xi32, #tpu.memory_space<vmem>> -> memref<1x128xi32, #tpu.memory_space<vmem>>
      %dma_start3A_768 = tpu.memref_squeeze %dma_start3A_767 : memref<1x128xi32, #tpu.memory_space<vmem>> -> memref<128xi32, #tpu.memory_space<vmem>>
      %dma_start3A_769 = arith.constant 0 : i32
      %dma_start3A_770 = arith.constant 0 : i32
      %dma_start3A_771 = tpu.memref_slice %arg14[%dma_start3A_769, %dma_start3A_770] : memref<640x16xi32, #tpu.memory_space<vmem_shared>> -> memref<640x16xi32, #tpu.memory_space<vmem_shared>>
      tpu.enqueue_indirect_dma source(%dma_start3A_765 : memref<128x16xi32, #tpu.memory_space<vmem>>) target(%dma_start3A_771 : memref<640x16xi32, #tpu.memory_space<vmem_shared>>) offsets(%dma_start3A_768 : memref<128xi32, #tpu.memory_space<vmem>>) semaphore(%run_scoped3A_763 : memref<!tpu.dma_semaphore, #tpu.memory_space<semaphore_mem>>) {add = true}
      %dma_wait3A = arith.constant 0 : i32
      %dma_wait3A_772 = arith.constant 0 : i32
      %dma_wait3A_773 = tpu.memref_slice %arg22[%dma_wait3A, %dma_wait3A_772] : memref<640x16xi32, #tpu.memory_space<vmem>> -> memref<128x16xi32, #tpu.memory_space<vmem>>
      %dma_wait3A_774 = arith.constant 0 : i32
      %dma_wait3A_775 = tpu.memref_slice %arg23[%run_scoped3A_749, %dma_wait3A_774] : memref<5x128xi32, #tpu.memory_space<vmem>> -> memref<1x128xi32, #tpu.memory_space<vmem>>
      %dma_wait3A_776 = tpu.memref_squeeze %dma_wait3A_775 : memref<1x128xi32, #tpu.memory_space<vmem>> -> memref<128xi32, #tpu.memory_space<vmem>>
      %dma_wait3A_777 = arith.constant 0 : i32
      %dma_wait3A_778 = arith.constant 0 : i32
      %dma_wait3A_779 = tpu.memref_slice %arg14[%dma_wait3A_777, %dma_wait3A_778] : memref<640x16xi32, #tpu.memory_space<vmem_shared>> -> memref<640x16xi32, #tpu.memory_space<vmem_shared>>
      tpu.wait_indirect_dma semaphore(%run_scoped3A_763 : memref<!tpu.dma_semaphore, #tpu.memory_space<semaphore_mem>>) src(%dma_wait3A_773 : memref<128x16xi32, #tpu.memory_space<vmem>>) dst(%dma_wait3A_779 : memref<640x16xi32, #tpu.memory_space<vmem_shared>>)
      tpu.yield
    }) : () -> ()
    %run_scoped3A_750 = arith.constant 1 : i32
    "tpu.region"() ({
      %run_scoped3A_763 = tpu.sem_alloc : memref<!tpu.dma_semaphore, #tpu.memory_space<semaphore_mem>>
      %dma_start3A = arith.constant 128 : i32
      %dma_start3A_764 = arith.constant 0 : i32
      %dma_start3A_765 = tpu.memref_slice %arg22[%dma_start3A, %dma_start3A_764] : memref<640x16xi32, #tpu.memory_space<vmem>> -> memref<128x16xi32, #tpu.memory_space<vmem>>
      %dma_start3A_766 = arith.constant 0 : i32
      %dma_start3A_767 = tpu.memref_slice %arg23[%run_scoped3A_750, %dma_start3A_766] : memref<5x128xi32, #tpu.memory_space<vmem>> -> memref<1x128xi32, #tpu.memory_space<vmem>>
      %dma_start3A_768 = tpu.memref_squeeze %dma_start3A_767 : memref<1x128xi32, #tpu.memory_space<vmem>> -> memref<128xi32, #tpu.memory_space<vmem>>
      %dma_start3A_769 = arith.constant 0 : i32
      %dma_start3A_770 = arith.constant 0 : i32
      %dma_start3A_771 = tpu.memref_slice %arg14[%dma_start3A_769, %dma_start3A_770] : memref<640x16xi32, #tpu.memory_space<vmem_shared>> -> memref<640x16xi32, #tpu.memory_space<vmem_shared>>
      tpu.enqueue_indirect_dma source(%dma_start3A_765 : memref<128x16xi32, #tpu.memory_space<vmem>>) target(%dma_start3A_771 : memref<640x16xi32, #tpu.memory_space<vmem_shared>>) offsets(%dma_start3A_768 : memref<128xi32, #tpu.memory_space<vmem>>) semaphore(%run_scoped3A_763 : memref<!tpu.dma_semaphore, #tpu.memory_space<semaphore_mem>>) {add = true}
      %dma_wait3A = arith.constant 128 : i32
      %dma_wait3A_772 = arith.constant 0 : i32
      %dma_wait3A_773 = tpu.memref_slice %arg22[%dma_wait3A, %dma_wait3A_772] : memref<640x16xi32, #tpu.memory_space<vmem>> -> memref<128x16xi32, #tpu.memory_space<vmem>>
      %dma_wait3A_774 = arith.constant 0 : i32
      %dma_wait3A_775 = tpu.memref_slice %arg23[%run_scoped3A_750, %dma_wait3A_774] : memref<5x128xi32, #tpu.memory_space<vmem>> -> memref<1x128xi32, #tpu.memory_space<vmem>>
      %dma_wait3A_776 = tpu.memref_squeeze %dma_wait3A_775 : memref<1x128xi32, #tpu.memory_space<vmem>> -> memref<128xi32, #tpu.memory_space<vmem>>
      %dma_wait3A_777 = arith.constant 0 : i32
      %dma_wait3A_778 = arith.constant 0 : i32
      %dma_wait3A_779 = tpu.memref_slice %arg14[%dma_wait3A_777, %dma_wait3A_778] : memref<640x16xi32, #tpu.memory_space<vmem_shared>> -> memref<640x16xi32, #tpu.memory_space<vmem_shared>>
      tpu.wait_indirect_dma semaphore(%run_scoped3A_763 : memref<!tpu.dma_semaphore, #tpu.memory_space<semaphore_mem>>) src(%dma_wait3A_773 : memref<128x16xi32, #tpu.memory_space<vmem>>) dst(%dma_wait3A_779 : memref<640x16xi32, #tpu.memory_space<vmem_shared>>)
      tpu.yield
    }) : () -> ()
    %run_scoped3A_751 = arith.constant 2 : i32
    "tpu.region"() ({
      %run_scoped3A_763 = tpu.sem_alloc : memref<!tpu.dma_semaphore, #tpu.memory_space<semaphore_mem>>
      %dma_start3A = arith.constant 256 : i32
      %dma_start3A_764 = arith.constant 0 : i32
      %dma_start3A_765 = tpu.memref_slice %arg22[%dma_start3A, %dma_start3A_764] : memref<640x16xi32, #tpu.memory_space<vmem>> -> memref<128x16xi32, #tpu.memory_space<vmem>>
      %dma_start3A_766 = arith.constant 0 : i32
      %dma_start3A_767 = tpu.memref_slice %arg23[%run_scoped3A_751, %dma_start3A_766] : memref<5x128xi32, #tpu.memory_space<vmem>> -> memref<1x128xi32, #tpu.memory_space<vmem>>
      %dma_start3A_768 = tpu.memref_squeeze %dma_start3A_767 : memref<1x128xi32, #tpu.memory_space<vmem>> -> memref<128xi32, #tpu.memory_space<vmem>>
      %dma_start3A_769 = arith.constant 0 : i32
      %dma_start3A_770 = arith.constant 0 : i32
      %dma_start3A_771 = tpu.memref_slice %arg14[%dma_start3A_769, %dma_start3A_770] : memref<640x16xi32, #tpu.memory_space<vmem_shared>> -> memref<640x16xi32, #tpu.memory_space<vmem_shared>>
      tpu.enqueue_indirect_dma source(%dma_start3A_765 : memref<128x16xi32, #tpu.memory_space<vmem>>) target(%dma_start3A_771 : memref<640x16xi32, #tpu.memory_space<vmem_shared>>) offsets(%dma_start3A_768 : memref<128xi32, #tpu.memory_space<vmem>>) semaphore(%run_scoped3A_763 : memref<!tpu.dma_semaphore, #tpu.memory_space<semaphore_mem>>) {add = true}
      %dma_wait3A = arith.constant 256 : i32
      %dma_wait3A_772 = arith.constant 0 : i32
      %dma_wait3A_773 = tpu.memref_slice %arg22[%dma_wait3A, %dma_wait3A_772] : memref<640x16xi32, #tpu.memory_space<vmem>> -> memref<128x16xi32, #tpu.memory_space<vmem>>
      %dma_wait3A_774 = arith.constant 0 : i32
      %dma_wait3A_775 = tpu.memref_slice %arg23[%run_scoped3A_751, %dma_wait3A_774] : memref<5x128xi32, #tpu.memory_space<vmem>> -> memref<1x128xi32, #tpu.memory_space<vmem>>
      %dma_wait3A_776 = tpu.memref_squeeze %dma_wait3A_775 : memref<1x128xi32, #tpu.memory_space<vmem>> -> memref<128xi32, #tpu.memory_space<vmem>>
      %dma_wait3A_777 = arith.constant 0 : i32
      %dma_wait3A_778 = arith.constant 0 : i32
      %dma_wait3A_779 = tpu.memref_slice %arg14[%dma_wait3A_777, %dma_wait3A_778] : memref<640x16xi32, #tpu.memory_space<vmem_shared>> -> memref<640x16xi32, #tpu.memory_space<vmem_shared>>
      tpu.wait_indirect_dma semaphore(%run_scoped3A_763 : memref<!tpu.dma_semaphore, #tpu.memory_space<semaphore_mem>>) src(%dma_wait3A_773 : memref<128x16xi32, #tpu.memory_space<vmem>>) dst(%dma_wait3A_779 : memref<640x16xi32, #tpu.memory_space<vmem_shared>>)
      tpu.yield
    }) : () -> ()
    %run_scoped3A_752 = arith.constant 3 : i32
    "tpu.region"() ({
      %run_scoped3A_763 = tpu.sem_alloc : memref<!tpu.dma_semaphore, #tpu.memory_space<semaphore_mem>>
      %dma_start3A = arith.constant 384 : i32
      %dma_start3A_764 = arith.constant 0 : i32
      %dma_start3A_765 = tpu.memref_slice %arg22[%dma_start3A, %dma_start3A_764] : memref<640x16xi32, #tpu.memory_space<vmem>> -> memref<128x16xi32, #tpu.memory_space<vmem>>
      %dma_start3A_766 = arith.constant 0 : i32
      %dma_start3A_767 = tpu.memref_slice %arg23[%run_scoped3A_752, %dma_start3A_766] : memref<5x128xi32, #tpu.memory_space<vmem>> -> memref<1x128xi32, #tpu.memory_space<vmem>>
      %dma_start3A_768 = tpu.memref_squeeze %dma_start3A_767 : memref<1x128xi32, #tpu.memory_space<vmem>> -> memref<128xi32, #tpu.memory_space<vmem>>
      %dma_start3A_769 = arith.constant 0 : i32
      %dma_start3A_770 = arith.constant 0 : i32
      %dma_start3A_771 = tpu.memref_slice %arg14[%dma_start3A_769, %dma_start3A_770] : memref<640x16xi32, #tpu.memory_space<vmem_shared>> -> memref<640x16xi32, #tpu.memory_space<vmem_shared>>
      tpu.enqueue_indirect_dma source(%dma_start3A_765 : memref<128x16xi32, #tpu.memory_space<vmem>>) target(%dma_start3A_771 : memref<640x16xi32, #tpu.memory_space<vmem_shared>>) offsets(%dma_start3A_768 : memref<128xi32, #tpu.memory_space<vmem>>) semaphore(%run_scoped3A_763 : memref<!tpu.dma_semaphore, #tpu.memory_space<semaphore_mem>>) {add = true}
      %dma_wait3A = arith.constant 384 : i32
      %dma_wait3A_772 = arith.constant 0 : i32
      %dma_wait3A_773 = tpu.memref_slice %arg22[%dma_wait3A, %dma_wait3A_772] : memref<640x16xi32, #tpu.memory_space<vmem>> -> memref<128x16xi32, #tpu.memory_space<vmem>>
      %dma_wait3A_774 = arith.constant 0 : i32
      %dma_wait3A_775 = tpu.memref_slice %arg23[%run_scoped3A_752, %dma_wait3A_774] : memref<5x128xi32, #tpu.memory_space<vmem>> -> memref<1x128xi32, #tpu.memory_space<vmem>>
      %dma_wait3A_776 = tpu.memref_squeeze %dma_wait3A_775 : memref<1x128xi32, #tpu.memory_space<vmem>> -> memref<128xi32, #tpu.memory_space<vmem>>
      %dma_wait3A_777 = arith.constant 0 : i32
      %dma_wait3A_778 = arith.constant 0 : i32
      %dma_wait3A_779 = tpu.memref_slice %arg14[%dma_wait3A_777, %dma_wait3A_778] : memref<640x16xi32, #tpu.memory_space<vmem_shared>> -> memref<640x16xi32, #tpu.memory_space<vmem_shared>>
      tpu.wait_indirect_dma semaphore(%run_scoped3A_763 : memref<!tpu.dma_semaphore, #tpu.memory_space<semaphore_mem>>) src(%dma_wait3A_773 : memref<128x16xi32, #tpu.memory_space<vmem>>) dst(%dma_wait3A_779 : memref<640x16xi32, #tpu.memory_space<vmem_shared>>)
      tpu.yield
    }) : () -> ()
    %run_scoped3A_753 = arith.constant 4 : i32
    "tpu.region"() ({
      %run_scoped3A_763 = tpu.sem_alloc : memref<!tpu.dma_semaphore, #tpu.memory_space<semaphore_mem>>
      %dma_start3A = arith.constant 512 : i32
      %dma_start3A_764 = arith.constant 0 : i32
      %dma_start3A_765 = tpu.memref_slice %arg22[%dma_start3A, %dma_start3A_764] : memref<640x16xi32, #tpu.memory_space<vmem>> -> memref<128x16xi32, #tpu.memory_space<vmem>>
      %dma_start3A_766 = arith.constant 0 : i32
      %dma_start3A_767 = tpu.memref_slice %arg23[%run_scoped3A_753, %dma_start3A_766] : memref<5x128xi32, #tpu.memory_space<vmem>> -> memref<1x128xi32, #tpu.memory_space<vmem>>
      %dma_start3A_768 = tpu.memref_squeeze %dma_start3A_767 : memref<1x128xi32, #tpu.memory_space<vmem>> -> memref<128xi32, #tpu.memory_space<vmem>>
      %dma_start3A_769 = arith.constant 0 : i32
      %dma_start3A_770 = arith.constant 0 : i32
      %dma_start3A_771 = tpu.memref_slice %arg14[%dma_start3A_769, %dma_start3A_770] : memref<640x16xi32, #tpu.memory_space<vmem_shared>> -> memref<640x16xi32, #tpu.memory_space<vmem_shared>>
      tpu.enqueue_indirect_dma source(%dma_start3A_765 : memref<128x16xi32, #tpu.memory_space<vmem>>) target(%dma_start3A_771 : memref<640x16xi32, #tpu.memory_space<vmem_shared>>) offsets(%dma_start3A_768 : memref<128xi32, #tpu.memory_space<vmem>>) semaphore(%run_scoped3A_763 : memref<!tpu.dma_semaphore, #tpu.memory_space<semaphore_mem>>) {add = true}
      %dma_wait3A = arith.constant 512 : i32
      %dma_wait3A_772 = arith.constant 0 : i32
      %dma_wait3A_773 = tpu.memref_slice %arg22[%dma_wait3A, %dma_wait3A_772] : memref<640x16xi32, #tpu.memory_space<vmem>> -> memref<128x16xi32, #tpu.memory_space<vmem>>
      %dma_wait3A_774 = arith.constant 0 : i32
      %dma_wait3A_775 = tpu.memref_slice %arg23[%run_scoped3A_753, %dma_wait3A_774] : memref<5x128xi32, #tpu.memory_space<vmem>> -> memref<1x128xi32, #tpu.memory_space<vmem>>
      %dma_wait3A_776 = tpu.memref_squeeze %dma_wait3A_775 : memref<1x128xi32, #tpu.memory_space<vmem>> -> memref<128xi32, #tpu.memory_space<vmem>>
      %dma_wait3A_777 = arith.constant 0 : i32
      %dma_wait3A_778 = arith.constant 0 : i32
      %dma_wait3A_779 = tpu.memref_slice %arg14[%dma_wait3A_777, %dma_wait3A_778] : memref<640x16xi32, #tpu.memory_space<vmem_shared>> -> memref<640x16xi32, #tpu.memory_space<vmem_shared>>
      tpu.wait_indirect_dma semaphore(%run_scoped3A_763 : memref<!tpu.dma_semaphore, #tpu.memory_space<semaphore_mem>>) src(%dma_wait3A_773 : memref<128x16xi32, #tpu.memory_space<vmem>>) dst(%dma_wait3A_779 : memref<640x16xi32, #tpu.memory_space<vmem_shared>>)
      tpu.yield
    }) : () -> ()
    %barrier3A_754 = arith.constant 0 : index
    tpu.barrier barrier_id(%barrier3A_754)
    %mul3A_755 = arith.constant 640 : i32
    %mul3A_756 = arith.muli %arg1, %mul3A_755 : i32
    %mul3A_757 = arith.constant 640 : i32
    %mul3A_758 = arith.muli %arg1, %mul3A_757 : i32
    "tpu.region"() ({
      %run_scoped3A_763 = tpu.sem_alloc : memref<!tpu.dma_semaphore, #tpu.memory_space<semaphore_mem>>
      %dma_start3A = arith.constant 0 : i32
      %dma_start3A_764 = tpu.memref_slice %arg9[%arg0, %mul3A_758, %dma_start3A] : memref<2x10240x128xf32, #tpu.memory_space<hbm>> -> memref<1x640x128xf32, #tpu.memory_space<hbm>>
      %dma_start3A_765 = tpu.memref_squeeze %dma_start3A_764 : memref<1x640x128xf32, #tpu.memory_space<hbm>> -> memref<640x128xf32, #tpu.memory_space<hbm>>
      %dma_start3A_766 = arith.constant 0 : i32
      %dma_start3A_767 = tpu.memref_slice %arg12[%mul3A_756, %dma_start3A_766] : memref<10272x128xf32, #tpu.memory_space<vmem_shared>> -> memref<640x128xf32, #tpu.memory_space<vmem_shared>>
      tpu.enqueue_dma source(%dma_start3A_767 : memref<640x128xf32, #tpu.memory_space<vmem_shared>>) target(%dma_start3A_765 : memref<640x128xf32, #tpu.memory_space<hbm>>) target_semaphore(%run_scoped3A_763 : memref<!tpu.dma_semaphore, #tpu.memory_space<semaphore_mem>>)
      %dma_wait3A = arith.constant 0 : i32
      %dma_wait3A_768 = tpu.memref_slice %arg9[%arg0, %mul3A_758, %dma_wait3A] : memref<2x10240x128xf32, #tpu.memory_space<hbm>> -> memref<1x640x128xf32, #tpu.memory_space<hbm>>
      %dma_wait3A_769 = tpu.memref_squeeze %dma_wait3A_768 : memref<1x640x128xf32, #tpu.memory_space<hbm>> -> memref<640x128xf32, #tpu.memory_space<hbm>>
      %dma_wait3A_770 = arith.constant 0 : i32
      %dma_wait3A_771 = tpu.memref_slice %arg12[%mul3A_756, %dma_wait3A_770] : memref<10272x128xf32, #tpu.memory_space<vmem_shared>> -> memref<640x128xf32, #tpu.memory_space<vmem_shared>>
      tpu.wait_dma2 semaphore(%run_scoped3A_763 : memref<!tpu.dma_semaphore, #tpu.memory_space<semaphore_mem>>) src(%dma_wait3A_771 : memref<640x128xf32, #tpu.memory_space<vmem_shared>>) dst(%dma_wait3A_769 : memref<640x128xf32, #tpu.memory_space<hbm>>)
      tpu.yield
    }) : () -> ()
    %mul3A_759 = arith.constant 40 : i32
    %mul3A_760 = arith.muli %arg1, %mul3A_759 : i32
    %mul3A_761 = arith.constant 40 : i32
    %mul3A_762 = arith.muli %arg1, %mul3A_761 : i32
    "tpu.region"() ({
      %run_scoped3A_763 = tpu.sem_alloc : memref<!tpu.dma_semaphore, #tpu.memory_space<semaphore_mem>>
      %dma_start3A = arith.constant 0 : i32
      %dma_start3A_764 = tpu.memref_slice %arg10[%arg0, %mul3A_762, %dma_start3A] : memref<2x640x16xi32, #tpu.memory_space<hbm>> -> memref<1x40x16xi32, #tpu.memory_space<hbm>>
      %dma_start3A_765 = tpu.memref_squeeze %dma_start3A_764 : memref<1x40x16xi32, #tpu.memory_space<hbm>> -> memref<40x16xi32, #tpu.memory_space<hbm>>
      %dma_start3A_766 = arith.constant 0 : i32
      %dma_start3A_767 = tpu.memref_slice %arg14[%mul3A_760, %dma_start3A_766] : memref<640x16xi32, #tpu.memory_space<vmem_shared>> -> memref<40x16xi32, #tpu.memory_space<vmem_shared>>
      tpu.enqueue_dma source(%dma_start3A_767 : memref<40x16xi32, #tpu.memory_space<vmem_shared>>) target(%dma_start3A_765 : memref<40x16xi32, #tpu.memory_space<hbm>>) target_semaphore(%run_scoped3A_763 : memref<!tpu.dma_semaphore, #tpu.memory_space<semaphore_mem>>)
      %dma_wait3A = arith.constant 0 : i32
      %dma_wait3A_768 = tpu.memref_slice %arg10[%arg0, %mul3A_762, %dma_wait3A] : memref<2x640x16xi32, #tpu.memory_space<hbm>> -> memref<1x40x16xi32, #tpu.memory_space<hbm>>
      %dma_wait3A_769 = tpu.memref_squeeze %dma_wait3A_768 : memref<1x40x16xi32, #tpu.memory_space<hbm>> -> memref<40x16xi32, #tpu.memory_space<hbm>>
      %dma_wait3A_770 = arith.constant 0 : i32
      %dma_wait3A_771 = tpu.memref_slice %arg14[%mul3A_760, %dma_wait3A_770] : memref<640x16xi32, #tpu.memory_space<vmem_shared>> -> memref<40x16xi32, #tpu.memory_space<vmem_shared>>
      tpu.wait_dma2 semaphore(%run_scoped3A_763 : memref<!tpu.dma_semaphore, #tpu.memory_space<semaphore_mem>>) src(%dma_wait3A_771 : memref<40x16xi32, #tpu.memory_space<vmem_shared>>) dst(%dma_wait3A_769 : memref<40x16xi32, #tpu.memory_space<hbm>>)
      tpu.yield
    }) : () -> ()
    return
  }
}

module attributes {stable_mosaic.version = 14 : i64} {
  func.func @_tc_body(%arg0: i32, %arg1: memref<2x2048x128xf32, #tpu.memory_space<vmem>>, %arg2: memref<2048x128xf32, #tpu.memory_space<vmem>>, %arg3: memref<1x2048x2xi32, #tpu.memory_space<vmem>>, %arg4: memref<1x1x2048xf32, #tpu.memory_space<vmem>>, %arg5: memref<1x1x2048xi32, #tpu.memory_space<vmem>>, %arg6: memref<128x128xf32, #tpu.memory_space<vmem>>, %arg7: memref<128x128xf32, #tpu.memory_space<vmem>>, %arg8: memref<128x16xf32, #tpu.memory_space<vmem>>, %arg9: memref<1x16xf32, #tpu.memory_space<vmem>>, %arg10: memref<64x16xf32, #tpu.memory_space<vmem>>, %arg11: memref<64x128xf32, #tpu.memory_space<vmem>>) attributes {dimension_semantics = [#tpu.dimension_semantics<arbitrary>], iteration_bounds = array<i64: 5>, scalar_prefetch = 0 : i64, scratch_operands = 1 : i64, tpu.core_type = #tpu.core_type<tc>, window_params = [{transform_indices = @transform_0, window_bounds = array<i64: 2, 2048, 128>}, {transform_indices = @transform_1, window_bounds = array<i64: 2048, 128>}, {transform_indices = @transform_2, window_bounds = array<i64: 1, 2048, 2>}, {transform_indices = @transform_3, window_bounds = array<i64: 1, 1, 2048>}, {transform_indices = @transform_4, window_bounds = array<i64: 1, 1, 2048>}, {pipeline_mode = #tpu.pipeline_mode<synchronous>, transform_indices = @transform_5, window_bounds = array<i64: 128, 128>}, {pipeline_mode = #tpu.pipeline_mode<synchronous>, transform_indices = @transform_6, window_bounds = array<i64: 128, 128>}, {pipeline_mode = #tpu.pipeline_mode<synchronous>, transform_indices = @transform_7, window_bounds = array<i64: 128, 16>}, {pipeline_mode = #tpu.pipeline_mode<synchronous>, transform_indices = @transform_8, window_bounds = array<i64: 1, 16>}, {pipeline_mode = #tpu.pipeline_mode<synchronous>, transform_indices = @transform_9, window_bounds = array<i64: 64, 16>}]} {
    %eq3A = arith.constant 0 : i32
    %eq3A_0 = arith.cmpi eq, %arg0, %eq3A : i32
    %convert_element_type3A = arith.extui %eq3A_0 : i1 to i32
    %cond3A = arith.constant 0 : i32
    %cond3A_1 = arith.cmpi ne, %convert_element_type3A, %cond3A : i32
    scf.if %cond3A_1 {
      %broadcast_in_dim3A_67 = arith.constant 0.000000e+00 : f32
      %broadcast_in_dim3A_68 = vector.broadcast %broadcast_in_dim3A_67 : f32 to vector<64x128xf32>
      %swap3A_69 = arith.constant 0 : index
      %swap3A_70 = arith.constant 0 : index
      %swap3A_71 = vector.load %arg11[%swap3A_69, %swap3A_70] : memref<64x128xf32, #tpu.memory_space<vmem>>, vector<64x128xf32>
      tpu.vector_store %arg11[%swap3A_69, %swap3A_70], %broadcast_in_dim3A_68 {strides = array<i32>} : memref<64x128xf32, #tpu.memory_space<vmem>>, vector<64x128xf32>,
    } else {
    }
    %get3A = arith.constant 0 : index
    %get3A_2 = arith.constant 0 : index
    %get3A_3 = arith.constant 0 : index
    %get3A_4 = vector.load %arg3[%get3A, %get3A_2, %get3A_3] : memref<1x2048x2xi32, #tpu.memory_space<vmem>>, vector<1x2048x2xi32>
    %get3A_5 = vector.shape_cast %get3A_4 : vector<1x2048x2xi32> to vector<2048x2xi32>
    %reduce_sum3A = arith.constant dense<0> : vector<2048xi32>
    %reduce_sum3A_6 = vector.multi_reduction <add>, %get3A_5, %reduce_sum3A [1] : vector<2048x2xi32> to vector<2048xi32>
    %broadcast_in_dim3A = vector.shape_cast %reduce_sum3A_6 : vector<2048xi32> to vector<2048x1xi32>
    %max3A = arith.constant 1 : i32
    %max3A_7 = vector.broadcast %max3A : i32 to vector<2048x1xi32>
    %max3A_8 = arith.maxsi %broadcast_in_dim3A, %max3A_7 : vector<2048x1xi32>
    %convert_element_type3A_9 = arith.sitofp %max3A_8 : vector<2048x1xi32> to vector<2048x1xf32>
    %div3A = arith.constant 1.000000e+00 : f32
    %div3A_10 = vector.broadcast %div3A : f32 to vector<2048x1xf32>
    %div3A_11 = arith.divf %div3A_10, %convert_element_type3A_9 : vector<2048x1xf32>
    %get3A_12 = arith.constant 0 : index
    %get3A_13 = arith.constant 0 : index
    %get3A_14 = arith.constant 0 : index
    %get3A_15 = vector.load %arg1[%get3A_12, %get3A_13, %get3A_14] : memref<2x2048x128xf32, #tpu.memory_space<vmem>>, vector<1x2048x128xf32>
    %get3A_16 = vector.shape_cast %get3A_15 : vector<1x2048x128xf32> to vector<2048x128xf32>
    %get3A_17 = arith.constant 1 : index
    %get3A_18 = arith.constant 0 : index
    %get3A_19 = arith.constant 0 : index
    %get3A_20 = vector.load %arg1[%get3A_17, %get3A_18, %get3A_19] : memref<2x2048x128xf32, #tpu.memory_space<vmem>>, vector<1x2048x128xf32>
    %get3A_21 = vector.shape_cast %get3A_20 : vector<1x2048x128xf32> to vector<2048x128xf32>
    %add3A = arith.addf %get3A_16, %get3A_21 : vector<2048x128xf32>
    %mul3A = vector.broadcast %div3A_11 : vector<2048x1xf32> to vector<2048x128xf32>
    %mul3A_22 = arith.mulf %add3A, %mul3A : vector<2048x128xf32>
    %get3A_23 = arith.constant 0 : index
    %get3A_24 = arith.constant 0 : index
    %get3A_25 = vector.load %arg6[%get3A_23, %get3A_24] : memref<128x128xf32, #tpu.memory_space<vmem>>, vector<128x128xf32>
    %dot_general3A = arith.constant dense<0.000000e+00> : vector<2048x128xf32>
    %dot_general3A_26 = tpu.matmul %mul3A_22, %get3A_25, %dot_general3A {dimension_numbers = #tpu.dot_dimension_numbers<[1], [0], [0], [1], [0, 0, 1, 1], [], []>, precision = #tpu.contract_precision<fp32>, transpose_lhs_hint = false} : vector<2048x128xf32>, vector<128x128xf32>, vector<2048x128xf32> -> vector<2048x128xf32>
    %get3A_27 = arith.constant 0 : index
    %get3A_28 = arith.constant 0 : index
    %get3A_29 = vector.load %arg2[%get3A_27, %get3A_28] : memref<2048x128xf32, #tpu.memory_space<vmem>>, vector<2048x128xf32>
    %get3A_30 = arith.constant 0 : index
    %get3A_31 = arith.constant 0 : index
    %get3A_32 = vector.load %arg7[%get3A_30, %get3A_31] : memref<128x128xf32, #tpu.memory_space<vmem>>, vector<128x128xf32>
    %dot_general3A_33 = arith.constant dense<0.000000e+00> : vector<2048x128xf32>
    %dot_general3A_34 = tpu.matmul %get3A_29, %get3A_32, %dot_general3A_33 {dimension_numbers = #tpu.dot_dimension_numbers<[1], [0], [0], [1], [0, 0, 1, 1], [], []>, precision = #tpu.contract_precision<fp32>, transpose_lhs_hint = false} : vector<2048x128xf32>, vector<128x128xf32>, vector<2048x128xf32> -> vector<2048x128xf32>
    %add3A_35 = arith.addf %dot_general3A_26, %dot_general3A_34 : vector<2048x128xf32>
    %max3A_36 = arith.constant 0.000000e+00 : f32
    %max3A_37 = vector.broadcast %max3A_36 : f32 to vector<2048x128xf32>
    %max3A_38 = arith.maximumf %add3A_35, %max3A_37 : vector<2048x128xf32>
    %iota3A = tpu.iota {dimensions = array<i32: 0>} : vector<64x2048xi32>
    %get3A_39 = arith.constant 0 : index
    %get3A_40 = arith.constant 0 : index
    %get3A_41 = arith.constant 0 : index
    %get3A_42 = vector.load %arg5[%get3A_39, %get3A_40, %get3A_41] : memref<1x1x2048xi32, #tpu.memory_space<vmem>>, vector<1x1x2048xi32>
    %get3A_43 = vector.shape_cast %get3A_42 : vector<1x1x2048xi32> to vector<1x2048xi32>
    %eq3A_44 = vector.broadcast %get3A_43 : vector<1x2048xi32> to vector<64x2048xi32>
    %eq3A_45 = arith.cmpi eq, %iota3A, %eq3A_44 : vector<64x2048xi32>
    %get3A_46 = arith.constant 0 : index
    %get3A_47 = arith.constant 0 : index
    %get3A_48 = arith.constant 0 : index
    %get3A_49 = vector.load %arg4[%get3A_46, %get3A_47, %get3A_48] : memref<1x1x2048xf32, #tpu.memory_space<vmem>>, vector<1x1x2048xf32>
    %get3A_50 = vector.shape_cast %get3A_49 : vector<1x1x2048xf32> to vector<1x2048xf32>
    %jit3A = arith.constant 0.000000e+00 : f32
    %broadcast_in_dim3A_51 = vector.shape_cast %get3A_50 : vector<1x2048xf32> to vector<1x2048xf32>
    %broadcast_in_dim3A_52 = vector.broadcast %broadcast_in_dim3A_51 : vector<1x2048xf32> to vector<64x2048xf32>
    %broadcast_in_dim3A_53 = vector.broadcast %jit3A : f32 to vector<64x2048xf32>
    %select_n3A = arith.select %eq3A_45, %broadcast_in_dim3A_52, %broadcast_in_dim3A_53 : vector<64x2048xi1>, vector<64x2048xf32>
    %get3A_54 = arith.constant 0 : index
    %get3A_55 = arith.constant 0 : index
    %get3A_56 = vector.load %arg11[%get3A_54, %get3A_55] : memref<64x128xf32, #tpu.memory_space<vmem>>, vector<64x128xf32>
    %dot_general3A_57 = arith.constant dense<0.000000e+00> : vector<64x128xf32>
    %dot_general3A_58 = tpu.matmul %select_n3A, %max3A_38, %dot_general3A_57 {dimension_numbers = #tpu.dot_dimension_numbers<[1], [0], [0], [1], [0, 0, 1, 1], [], []>, precision = #tpu.contract_precision<fp32>, transpose_lhs_hint = false} : vector<64x2048xf32>, vector<2048x128xf32>, vector<64x128xf32> -> vector<64x128xf32>
    %add3A_59 = arith.addf %get3A_56, %dot_general3A_58 : vector<64x128xf32>
    %swap3A = arith.constant 0 : index
    %swap3A_60 = arith.constant 0 : index
    %swap3A_61 = vector.load %arg11[%swap3A, %swap3A_60] : memref<64x128xf32, #tpu.memory_space<vmem>>, vector<64x128xf32>
    tpu.vector_store %arg11[%swap3A, %swap3A_60], %add3A_59 {strides = array<i32>} : memref<64x128xf32, #tpu.memory_space<vmem>>, vector<64x128xf32>,
    %eq3A_62 = arith.constant 4 : i32
    %eq3A_63 = arith.cmpi eq, %arg0, %eq3A_62 : i32
    %convert_element_type3A_64 = arith.extui %eq3A_63 : i1 to i32
    %cond3A_65 = arith.constant 0 : i32
    %cond3A_66 = arith.cmpi ne, %convert_element_type3A_64, %cond3A_65 : i32
    scf.if %cond3A_66 {
      %get3A_67 = arith.constant 0 : index
      %get3A_68 = arith.constant 0 : index
      %get3A_69 = vector.load %arg11[%get3A_67, %get3A_68] : memref<64x128xf32, #tpu.memory_space<vmem>>, vector<64x128xf32>
      %get3A_70 = arith.constant 0 : index
      %get3A_71 = arith.constant 0 : index
      %get3A_72 = vector.load %arg8[%get3A_70, %get3A_71] : memref<128x16xf32, #tpu.memory_space<vmem>>, vector<128x16xf32>
      %dot_general3A_73 = arith.constant dense<0.000000e+00> : vector<64x16xf32>
      %dot_general3A_74 = tpu.matmul %get3A_69, %get3A_72, %dot_general3A_73 {dimension_numbers = #tpu.dot_dimension_numbers<[1], [0], [0], [1], [0, 0, 1, 1], [], []>, precision = #tpu.contract_precision<fp32>, transpose_lhs_hint = false} : vector<64x128xf32>, vector<128x16xf32>, vector<64x16xf32> -> vector<64x16xf32>
      %get3A_75 = arith.constant 0 : index
      %get3A_76 = arith.constant 0 : index
      %get3A_77 = vector.load %arg9[%get3A_75, %get3A_76] : memref<1x16xf32, #tpu.memory_space<vmem>>, vector<1x16xf32>
      %add3A_78 = vector.broadcast %get3A_77 : vector<1x16xf32> to vector<64x16xf32>
      %add3A_79 = arith.addf %dot_general3A_74, %add3A_78 : vector<64x16xf32>
      %swap3A_80 = arith.constant 0 : index
      %swap3A_81 = arith.constant 0 : index
      %swap3A_82 = vector.load %arg10[%swap3A_80, %swap3A_81] : memref<64x16xf32, #tpu.memory_space<vmem>>, vector<64x16xf32>
      tpu.vector_store %arg10[%swap3A_80, %swap3A_81], %add3A_79 {strides = array<i32>} : memref<64x16xf32, #tpu.memory_space<vmem>>, vector<64x16xf32>,
    } else {
    }
    return
  }
  func.func @transform_0(%arg0: i32) -> (i32, i32, i32) {
    %c0_i32 = arith.constant 0 : i32
    %c0_i32_0 = arith.constant 0 : i32
    %c0_i32_1 = arith.constant 0 : i32
    return %c0_i32, %arg0, %c0_i32_0 : i32, i32, i32
  }
  func.func @transform_1(%arg0: i32) -> (i32, i32) {
    %c0_i32 = arith.constant 0 : i32
    %c0_i32_0 = arith.constant 0 : i32
    return %arg0, %c0_i32 : i32, i32
  }
  func.func @transform_2(%arg0: i32) -> (i32, i32, i32) {
    %c0_i32 = arith.constant 0 : i32
    %c0_i32_0 = arith.constant 0 : i32
    %c0_i32_1 = arith.constant 0 : i32
    return %arg0, %c0_i32, %c0_i32_0 : i32, i32, i32
  }
  func.func @transform_3(%arg0: i32) -> (i32, i32, i32) {
    %c0_i32 = arith.constant 0 : i32
    %c0_i32_0 = arith.constant 0 : i32
    %c0_i32_1 = arith.constant 0 : i32
    return %arg0, %c0_i32, %c0_i32_0 : i32, i32, i32
  }
  func.func @transform_4(%arg0: i32) -> (i32, i32, i32) {
    %c0_i32 = arith.constant 0 : i32
    %c0_i32_0 = arith.constant 0 : i32
    %c0_i32_1 = arith.constant 0 : i32
    return %arg0, %c0_i32, %c0_i32_0 : i32, i32, i32
  }
  func.func @transform_5(%arg0: i32) -> (i32, i32) {
    %c0_i32 = arith.constant 0 : i32
    %c0_i32_0 = arith.constant 0 : i32
    %c0_i32_1 = arith.constant 0 : i32
    return %c0_i32, %c0_i32_0 : i32, i32
  }
  func.func @transform_6(%arg0: i32) -> (i32, i32) {
    %c0_i32 = arith.constant 0 : i32
    %c0_i32_0 = arith.constant 0 : i32
    %c0_i32_1 = arith.constant 0 : i32
    return %c0_i32, %c0_i32_0 : i32, i32
  }
  func.func @transform_7(%arg0: i32) -> (i32, i32) {
    %c0_i32 = arith.constant 0 : i32
    %c0_i32_0 = arith.constant 0 : i32
    %c0_i32_1 = arith.constant 0 : i32
    return %c0_i32, %c0_i32_0 : i32, i32
  }
  func.func @transform_8(%arg0: i32) -> (i32, i32) {
    %c0_i32 = arith.constant 0 : i32
    %c0_i32_0 = arith.constant 0 : i32
    %c0_i32_1 = arith.constant 0 : i32
    return %c0_i32, %c0_i32_0 : i32, i32
  }
  func.func @transform_9(%arg0: i32) -> (i32, i32) {
    %c0_i32 = arith.constant 0 : i32
    %c0_i32_0 = arith.constant 0 : i32
    %c0_i32_1 = arith.constant 0 : i32
    return %c0_i32, %c0_i32_0 : i32, i32
  }
}

</mosaic_0001>

<sc_bundles>
// kernel: kernel.4.cloned.1.call-start
scs
__scs_entry_jumppad:
0x0: {  	(pc) =	sbr.rel $0x88, $3  }
0x1: {  	(tag) =	ssettag $0x0;
	lr =	simm.s32 $0x1  }
0x2: {  	[smem:$0x3F99] =	sst lr;
	_ =	strace $0xD0000000  }
0x3: {  	_ = 	snop  }
0x4: {  	_ = 	snop  }
0x5: {  	_ = 	snop  }
0x6: {  	_ = 	snop  }
0x7: {  	_ = 	snop  }
__scs_overlays_trampoline_lowered:
0x8: {  	[smem:$0x3FA8] =	sst s0  }
0x9: {  	[smem:$0x3FA9] =	sst s1  }
0xa: {  	[smem:$0x3FAA] =	sst s2  }
0xb: {  	[smem:$0x3FAB] =	sst s3  }
0xc: {  	[smem:$0x3FAC] =	sst s4  }
0xd: {  	[smem:$0x3FAD] =	sst s5  }
0xe: {  	[smem:$0x3FAE] =	sst s6  }
0xf: {  	[smem:$0x3FAF] =	sst s7  }
0x10: {  	[smem:$0x3FB0] =	sst s8  }
0x11: {  	[smem:$0x3FB1] =	sst s9;
	s0 =	simm.s32 @!p0 $0x0  }
0x12: {  	s1 =	sld [smem:$0x3F97];
	s0 =	simm.s32 @p0 $0x1  }
0x13: {  	[smem:$0x3FB2] =	sst s0;
	s0 =	simm.s32 @!p1 $0x0  }
0x14: {  	s2 =	sld [smem:$0x3F96];
	s0 =	simm.s32 @p1 $0x1  }
0x15: {  	[smem:$0x3FB3] =	sst s0;
	s0 =	simm.s32 @!p2 $0x0  }
0x16: {  	s3 =	sld [smem:$0x3FDB];
	s0 =	simm.s32 @p2 $0x1  }
0x17: {  	s4 =	simm.s32 $0x1BF5;
	[smem:$0x3FB5] =	sst s0  }
0x18: {  	s0 =	sld [smem:$0x3F98];
	_ =	swait.ge [sflag:s4], $0x0  }
0x19: {  	s7 =	sld [smem:$0x3F99]  }
0x1a: {  	s8 =	sadd.s32 $0xFFFFE003, lr  }
0x1b: {  	s9 =	sadd.s32 $0xFFFFFEF7, lr;
	s5 =	simm.s32 $0xFFFFFFFF;
	p2 =	slt.u32 s8, $0xFFFFF086  }
0x1c: {  	p1 =	slt.u32 s9, $0xF7A;
	s5 =	simm.s32 @!p2 $0x0  }
0x1d: {  	s5 =	simm.s32 @p1 $0x1;
	p0 =	seq.s32 s7, s2  }
0x1e: {  	s7 =	smul.u32 @!p0 $0xF7A, s2;
	p2 =	seq.s32 @!p0 s5, $0x0  }
0x1f: {  	s9 =	smul.u32 $0xF7A, s1;
	s8 =	simm.s32 @!p0 $0x1BF5;
	p2 =	por !p2, p0  }
0x20: {  	[sflag:s8] =	ssyncset.s32 @!p0 $0xFFFFF086;
	s6 =	sadd.s32 @!p0 s3, s7;
	s7 =	simm.s32 @!p0 $0x108  }
0x21: {  	s3 =	sadd.s32 s3, s9;
	s6 =	sadd.s32 @!p0 $0x88, s6;
	s7 =	simm.s32 @p2 $0x1082  }
0x22: {  	[simem:s7], [sflag:s8] =	dma.local @!p0 [hbm:s6], $0xF7A  }
0x23: {  	s9 =	sor.u32 $0xD0000000, s2;
	s6 =	simm.s32 $0x108;
	_ =	swait.ge @!p0 [sflag:s8], $0x0  }
0x24: {  	s3 =	sadd.s32 $0x88, s3;
	s6 =	simm.s32 @!p1 $0x1082;
	[sflag:s4] =	ssyncset.s32 $0xFFFFF086  }
0x25: {  	[simem:s6], [sflag:s4] =	dma.local [hbm:s3], $0xF7A  }
0x26: {  	[smem:$0x3F99] =	sst s1;
	(tag) =	ssettag s2;
	_ =	strace s9  }
0x27: {  	s1 =	sld [smem:$0x3FA9]  }
0x28: {  	s2 =	sld [smem:$0x3FAA]  }
0x29: {  	s4 =	sld [smem:$0x3FAC]  }
0x2a: {  	p0 =	seq.s32 s5, $0x0;
	s5 =	sld [smem:$0x3FAD]  }
0x2b: {  	s6 =	sld [smem:$0x3FAE]  }
0x2c: {  	s7 =	sld [smem:$0x3FAF]  }
0x2d: {  	s3 =	simm.s32 $0x108;
	s8 =	sld [smem:$0x3FB0]  }
0x2e: {  	s3 =	simm.s32 @!p0 $0x1082;
	s9 =	sld [smem:$0x3FB1]  }
0x2f: {  	lr =	sadd.s32 s0, s3;
	s0 =	sld [smem:$0x3FA8]  }
0x30: {  	s3 =	sld [smem:$0x3FAB]  }
0x31: {  	[smem:$0x3FB4] =	sst s10  }
0x32: {  	s10 =	sld [smem:$0x3FB2];
	_ =	sdelay $0x3  }
0x33: {  	p0 =	seq.s32 s10, $0x1;
	s10 =	sld [smem:$0x3FB4];
	_ =	sdelay $0x3  }
0x34: {  	[smem:$0x3FB4] =	sst s10  }
0x35: {  	s10 =	sld [smem:$0x3FB3];
	_ =	sdelay $0x3  }
0x36: {  	p1 =	seq.s32 s10, $0x1;
	s10 =	sld [smem:$0x3FB4];
	_ =	sdelay $0x3  }
0x37: {  	[smem:$0x3FB4] =	sst s10  }
0x38: {  	s10 =	sld [smem:$0x3FB5]  }
0x39: {  	_ = 	snop;
	(pc) =	sbr.ind lr, $3  }
0x3a: {  	_ = 	snop  }
0x3b: {  	_ = 	snop  }
0x3c: {  	p2 =	seq.s32 s10, $0x1;
	s10 =	sld [smem:$0x3FB4]  }
0x3d: {  	_ =	shalt  }
0x3e: {  	_ =	shalt  }
0x3f: {  	_ =	shalt  }
0x40: {  	_ =	shalt  }
0x41: {  	_ =	shalt  }
0x42: {  	_ =	shalt  }
0x43: {  	_ =	shalt  }
0x44: {  	_ =	shalt  }
0x45: {  	_ =	shalt  }
0x46: {  	_ =	shalt  }
0x47: {  	_ =	shalt  }
0x48: {  	_ =	shalt  }
0x49: {  	_ =	shalt  }
0x4a: {  	_ =	shalt  }
0x4b: {  	_ =	shalt  }
0x4c: {  	_ =	shalt  }
0x4d: {  	_ =	shalt  }
0x4e: {  	_ =	shalt  }
0x4f: {  	_ =	shalt  }
0x50: {  	_ =	shalt  }
0x51: {  	_ =	shalt  }
0x52: {  	_ =	shalt  }
0x53: {  	_ =	shalt  }
0x54: {  	_ =	shalt  }
0x55: {  	_ =	shalt  }
0x56: {  	_ =	shalt  }
0x57: {  	_ =	shalt  }
0x58: {  	_ =	shalt  }
0x59: {  	_ =	shalt  }
0x5a: {  	_ =	shalt  }
0x5b: {  	_ =	shalt  }
0x5c: {  	_ =	shalt  }
0x5d: {  	_ =	shalt  }
0x5e: {  	_ =	shalt  }
0x5f: {  	_ =	shalt  }
0x60: {  	_ =	shalt  }
0x61: {  	_ =	shalt  }
0x62: {  	_ =	shalt  }
0x63: {  	_ =	shalt  }
0x64: {  	_ =	shalt  }
0x65: {  	_ =	shalt  }
0x66: {  	_ =	shalt  }
0x67: {  	_ =	shalt  }
0x68: {  	_ =	shalt  }
0x69: {  	_ =	shalt  }
0x6a: {  	_ =	shalt  }
0x6b: {  	_ =	shalt  }
0x6c: {  	_ =	shalt  }
0x6d: {  	_ =	shalt  }
0x6e: {  	_ =	shalt  }
0x6f: {  	_ =	shalt  }
0x70: {  	_ =	shalt  }
0x71: {  	_ =	shalt  }
0x72: {  	_ =	shalt  }
0x73: {  	_ =	shalt  }
0x74: {  	_ =	shalt  }
0x75: {  	_ =	shalt  }
0x76: {  	_ =	shalt  }
0x77: {  	_ =	shalt  }
0x78: {  	_ =	shalt  }
0x79: {  	_ =	shalt  }
0x7a: {  	_ =	shalt  }
0x7b: {  	_ =	shalt  }
0x7c: {  	_ =	shalt  }
0x7d: {  	_ =	shalt  }
0x7e: {  	_ =	shalt  }
0x7f: {  	_ =	shalt  }
0x80: {  	_ =	shalt  }
0x81: {  	_ =	shalt  }
0x82: {  	_ =	shalt  }
0x83: {  	_ =	shalt  }
0x84: {  	_ =	shalt  }
0x85: {  	_ =	shalt  }
0x86: {  	_ =	shalt  }
0x87: {  	_ =	shalt  }
.Lfunc_end0:
.L_simem_size_0:
called_computation_lowered:
.L_overlay_start_0:
0x88: {  	s2 =	sld [smem:$0x3FD9]  }
0x89: {  	s3 =	sld [smem:$0x3FFE];
	_ =	sdelay $0x1  }
0x8a: {  	s1 =	srdreg.scid  }
0x8b: {  	s0 =	sand.u32 $0x1, s1  }
0x8c: {  	s17 =	sshll.u32 s0, $0xA;
	s2 =	sadd.s32 s3, s2  }
0x8d: {  	s2 =	sadd.s32 s2, s17  }
0x8e: {  	[smem:$0x3FC0] =	sst s2  }
0x8f: {  	_ = 	snop  }
0x90: {  	s2 =	sld [smem:$0x3FC9]  }
0x91: {  	s18 =	sld [smem:$0x3FD0];
	(tm) =	ssettm $0x1  }
0x92: {  	s4 =	sld [smem:$0x3FFB];
	_ =	sdelay $0x3  }
0x93: {  	_ =	strace s4  }
0x94: {  	s4 =	sld [smem:$0x3FFC];
	_ =	sdelay $0x3  }
0x95: {  	_ =	strace s4  }
0x96: {  	s4 =	sld [smem:$0x3FFD];
	_ =	sdelay $0x3  }
0x97: {  	_ =	strace s4  }
0x98: {  	_ =	strace $0x8FFFFFFF  }
0x99: {  	s19 =	sld [smem:$0x3FDB];
	_ =	sdelay $0x1  }
0x9a: {  	s5 =	simm.s32 $_scs_section_size  }
0x9b: {  	s6 =	simm.s32 $_size__tile_overlayer_lowered;
	s7 =	simm.s32 $_tile_overlayer_lowered  }
0x9c: {  	s22 =	simm.s32 $0x1BFF;
	s21 =	sshll.u32 s7, $0x1;
	s4 =	sadd.s32 s5, s19  }
0x9d: {  	s8 =	simm.s32 $0x0;
	s20 =	sshll.u32 s6, $0x1;
	s6 =	sadd.s32 s21, s4  }
0x9e: {  	[timem:s8], [sflag:s22] =	dma.local [hbm:s6], s20  }
0x9f: {  	_ =	swait.ge [sflag:s22], s20  }
0xa0: {  	s5 =	ssub.s32 $0x0, s20;
	[sflag:s22] =	ssyncset.done $0x0  }
0xa1: {  	[sflag:s22] =	ssyncadd.s32 s5;
	_ =	sdelay $0x1  }
0xa2: {  	s23 =	simm.s32 $0x1B8B  }
0xa3: {  	_ =	swait.ge [sflag:s23], $0x1  }
0xa4: {  	[sflag:s23] =	ssyncset.done $0x0  }
0xa5: {  	s25 =	simm.s32 $0x1B8E;
	s24 =	sld [smem:$0x3FFE];
	[sflag:s23] =	ssyncadd.s32 $0xFFFFFFFF  }
0xa6: {  	s26 =	simm.s32 $execute0_lowered;
	[smem:$0x3FD2] =	sst s25  }
0xa7: {  	s6 =	sshll.u32 s26, $0x1;
	_ =	strace $0x80000046;
	[dreg:$0x1] =	wrdreg $0xFFFFFFFF  }
0xa8: {  	s28 =	simm.s32 $_size_execute0_lowered;
	s4 =	sadd.s32 s4, s6;
	[dreg:$0x0] =	wrdreg $0x0  }
0xa9: {  	s6 =	sshll.u32 s28, $0x1;
	[dreg:$0x2] =	wrdreg s4  }
0xaa: {  	[dreg:$0x3] =	wrdreg s6  }
0xab: {  	[dreg:$0x4] =	wrdreg $0xC0  }
0xac: {  	_ =	task [dreg:s8], $0x5FFFF  }
0xad: {  	[dreg:$0x1] =	wrdreg $0xFFFFFFFF  }
0xae: {  	[dreg:$0x0] =	wrdreg $0x60  }
0xaf: {  	[dreg:$0x2] =	wrdreg s24  }
0xb0: {  	[dreg:$0x3] =	wrdreg s2  }
0xb1: {  	[dreg:$0x4] =	wrdreg s18  }
0xb2: {  	[dreg:$0x5] =	wrdreg $0x0  }
0xb3: {  	[dreg:$0x6] =	wrdreg $0x142900  }
0xb4: {  	[dreg:$0x7] =	wrdreg $0x141000  }
0xb5: {  	[dreg:$0x8] =	wrdreg $0x145100  }
0xb6: {  	[dreg:$0x9] =	wrdreg $0x9  }
0xb7: {  	_ =	task.clear_ibuf [dreg:s8], $0xAFFFF;
	_ =	strace $0x90000046  }
0xb8: {  	s29 =	simm.s32 $0x9;
	_ =	strace $0x80000048  }
0xb9: {  	_ =	swait.ge [sflag:s29], $0x1  }
0xba: {  	[sflag:s29] =	ssyncadd.s32 $0xFFFFFFFF  }
0xbb: {  	_ =	strace $0x90000048  }
0xbc: {  	_ =	sfence  }
0xbd: {  	s30 =	sld [smem:$0x0];
	_ =	sdelay $0x2  }
0xbe: {  	s31 =	sshll.u32 s1, $0xD;
	s1 =	sshrl.u32 s1, $0x2  }
0xbf: {  	s3 =	sand.u32 $0x4000, s31;
	s1 =	sadd.s32 s1, s30  }
0xc0: {  	s0 =	sor.u32 s3, s0;
	s1 =	sshll.u32 s1, $0x11  }
0xc1: {  	s0 =	sor.u32 s1, s0  }
0xc2: {  	s0 =	sadd.s32 $0x8F2B, s0  }
0xc3: {  	[sflag:s0] =	ssyncadd.remote.s32 $0x1  }
0xc4: {  	_ =	sfence.sel $0xFFFF  }
0xc5: {  	[dreg:$0x0] =	wrdreg $0xFFFFFFFF;
	(pc) =	sbr.abs _section_cstart, $3  }
0xc6: {  	[dreg:$0x1] =	wrdreg $0xFFFFFFFF  }
0xc7: {  	_ =	task.clear_ibuf [dreg:s8], $0x2FFFF;
	_ =	strace $0x9FFFFFFF  }
0xc8: {  	(tm) =	ssettm $0x7FFFFFFF  }
0xc9: {  	_ =	shalt  }
tec
execute0_lowered:
.L_overlay_start_1:
0x0: {  	(tag) =	ssettag $0x1  }
0x1: {  	s4 =	rddreg [dreg:$0x0]  }
0x2: {  	s0 =	rddreg [dreg:$0x1]  }
0x3: {  	s1 =	rddreg [dreg:$0x2]  }
0x4: {  	s2 =	rddreg [dreg:$0x3]  }
0x5: {  	s3 =	rddreg [dreg:$0x4]  }
0x6: {  	s18 =	rddreg [dreg:$0x5]  }
0x7: {  	s5 =	srdreg.scid;
	s17 =	stileid.u32  }
0x8: {  	s19 =	rddreg [dreg:$0x6];
	s8 =	simm.s32 $0x0;
	s7 =	smul.u32 $0x14000, s17  }
0x9: {  	[smem:$0x7FF] =	sst s8;
	s8 =	smul.u32 $0x280, s17  }
0xa: {  	s5 =	sand.u32 $0x1, s5;
	s9 =	sadd.s32 $0xB800, s4;
	s15 =	smul.u32 $0x50400, s17  }
0xb: {  	s10 =	sadd.s32 $0x1A00, s4;
	s12 =	sadd.s32 $0x16200, s4;
	s24 =	smul.u32 $0x640, s17  }
0xc: {  	s23 =	sshll.u32 s17, $0x6;
	s20 =	sadd.s32 $0x190, s18;
	s6 =	smul.u32 $0x140000, s5  }
0xd: {  	_ =	strace $0x80000047;
	s11 =	smul.u32 $0x2800, s5;
	[dreg:$0x8] =	wrdreg s12  }
0xe: {  	s21 =	ssub.s32 $0x2, s5;
	[dreg:$0xd] =	wrdreg s20;
	s13 =	sshrl.u32 s8, $0x3  }
0xf: {  	s14 =	sshrl.u32 s21, $0x1;
	s22 =	sshrl.u32 s15, $0x2;
	s3 =	sadd.s32 s8, s3  }
0x10: {  	s15 =	sshll.u32 s5, $0x4;
	s6 =	sadd.s32 s7, s6;
	s11 =	sadd.s32 s8, s11  }
0x11: {  	s16 =	sadd.s32 s22, s2;
	[dreg:$0x9] =	wrdreg s3;
	s3 =	sshrl.u32 s24, $0x2  }
0x12: {  	s22 =	sor.u32 s17, s15;
	s15 =	sadd.s32 $0x960, s18;
	s17 =	sadd.s32 $0xC80, s18  }
0x13: {  	s6 =	sshrl.u32 s6, $0x3;
	s11 =	sshrl.u32 s11, $0x3;
	[dreg:$0x19] =	wrdreg s15  }
0x14: {  	s20 =	smul.u32 $0x2710, s22;
	[dreg:$0x1b] =	wrdreg s17;
	s22 =	sadd.s32 $0x1130, s18  }
0x15: {  	s6 =	sadd.s32 s6, s4;
	s11 =	sadd.s32 s11, s4;
	s4 =	sadd.s32 s13, s4  }
0x16: {  	s13 =	ssub.s32 s21, s14;
	s14 =	sadd.s32 s3, s18;
	[dreg:$0x1e] =	wrdreg s22  }
0x17: {  	s21 =	sadd.s32 s8, s19;
	[dreg:$0xc] =	wrdreg s14  }
0x18: {  	s8 =	sadd.s32 $0x320, s18;
	[dreg:$0xe] =	wrdreg s21  }
0x19: {  	s19 =	sadd.s32 $0xE10, s18;
	[dreg:$0x15] =	wrdreg s8  }
0x1a: {  	s25 =	sadd.s32 $0x15C00, s4;
	[dreg:$0x1c] =	wrdreg s19  }
0x1b: {  	s28 =	simm.s32 $0x1BC10;
	s26 =	sadd.s32 $0x15600, s4;
	[dreg:$0xa] =	wrdreg s25  }
0x1c: {  	s12 =	sor.u32 $0x1C02, s23;
	s23 =	sadd.s32 $0x19600, s4;
	[dreg:$0xb] =	wrdreg s26  }
0x1d: {  	s29 =	simm.s32 $0x1;
	s24 =	sadd.s32 $0x19C00, s6;
	[dreg:$0xf] =	wrdreg s23  }
0x1e: {  	p0 =	sne.s32 s5, $0x0;
	s5 =	smax.u32 s13, $0x1;
	[dreg:$0x10] =	wrdreg s24  }
0x1f: {  	s30 =	simm.s32 $0x1BB90;
	s6 =	sshrl.u32 s16, $0x3;
	[dreg:$0x12] =	wrdreg s5  }
0x20: {  	s31 =	simm.s32 $0x0;
	s13 =	sadd.s32 $0x640, s18;
	[dreg:$0x13] =	wrdreg s6  }
0x21: {  	s17 =	simm.s32 $0x14C90;
	s14 =	sadd.s32 $0x7D0, s18;
	[dreg:$0x17] =	wrdreg s13  }
0x22: {  	s22 =	simm.s32 $0x17FD0;
	s16 =	sadd.s32 $0xAF0, s18;
	[dreg:$0x18] =	wrdreg s14  }
0x23: {  	v0 =	vimm.s32 $0x0;
	v1 =	vlaneseq.u32;
	s21 =	sadd.s32 $0xFA0, s18;
	s19 =	simm.s32 $0x14FB0;
	[dreg:$0x1a] =	wrdreg s16  }
0x24: {  	v25 =	vimm.s32 $0x2800;
	v2 =	vor.u32 $0x10, v1;
	v3 =	vand.u32 $0x7, v1;
	s25 =	sadd.s32 s7, s2;
	s26 =	sadd.s32 $0x18C00, s11;
	[dreg:$0x1d] =	wrdreg s21  }
0x25: {  	v4 =	vor.u32 $0x20, v1;
	v5 =	vor.u32 $0x30, v1;
	v6 =	vor.u32 $0x40, v1;
	s11 =	sadd.s32 $0x4B0, s18;
	s23 =	sadd.s32 $0x12C0, s18;
	[dreg:$0x11] =	wrdreg s26  }
0x26: {  	v7 =	vor.u32 $0x50, v1;
	v8 =	vor.u32 $0x60, v1;
	v9 =	vor.u32 $0x70, v1;
	s24 =	sadd.s32 $0x1450, s18;
	s16 =	simm.s32 $0x2;
	[dreg:$0x16] =	wrdreg s11  }
.Ltmp0:
0x27: {  	v10 =	vor.u32 $0x80, v1;
	v11 =	vor.u32 $0x90, v1;
	v12 =	vor.u32 $0xA0, v1;
	s21 =	simm.s32 $0x15000;
	[dreg:$0x1f] =	wrdreg s23;
	(pc) =	sbr.rel .LBB2_1-.Ltmp0, $4  }
0x28: {  	v13 =	vor.u32 $0xB0, v1;
	v14 =	vor.u32 $0xC0, v1;
	v15 =	vor.u32 $0xD0, v1;
	s7 =	sshrl.u32 s25, $0x3;
	[smem:$0x7FB] =	sst s24;
	s25 =	sadd.s32 $0x15E0, s18  }
0x29: {  	v16 =	vor.u32 $0xE0, v1;
	v17 =	vor.u32 $0xF0, v1;
	v18 =	vor.u32 $0x100, v1;
	s26 =	sadd.s32 $0x1770, s18;
	s18 =	simm.s32 $0x14E20;
	[dreg:$0x14] =	wrdreg s7  }
0x2a: {  	v19 =	vor.u32 $0x110, v1;
	v20 =	vor.u32 $0x120, v1;
	v21 =	vor.u32 $0x130, v1;
	s23 =	simm.s32 $0x15050;
	s24 =	simm.s32 $0x1A7D0;
	[smem:$0x7FC] =	sst s25  }
0x2b: {  	v22 =	vor.u32 $0x140, v1;
	v23 =	vor.u32 $0x150, v1;
	v24 =	vor.u32 $0x160, v1;
	[smem:$0x7FD] =	sst s26;
	s25 =	simm.s32 $0x1A960;
	s26 =	simm.s32 $0x80  }
.LBB2_47:
0x2c: {  	s3 =	rddreg [dreg:$0x4];
	s5 =	simm.s32 $0x17850  }
0x2d: {  	[spmem:s3] =	stream.indirect.scatter.add.s32 [tilespmem:s23], [sflag:$0x2], $0x10, s5, s26, $0xb8;
	[tilespmem:$0x1FC10] =	vst v63  }
0x2e: {  	_ =	swait.ge [sflag:s16], $0x800  }
0x2f: {  	[sflag:s16] =	ssyncset.done $0x0  }
0x30: {  	s8 =	simm.s32 $0x178D0;
	s6 =	simm.s32 $0x15850;
	[sflag:s16] =	ssyncadd.s32 $0xFFFFF800  }
0x31: {  	[spmem:s3] =	stream.indirect.scatter.add.s32 [tilespmem:s6], [sflag:$0x2], $0x10, s8, s26, $0xb8;
	[tilespmem:$0x1FC10] =	vst v63  }
0x32: {  	_ =	swait.ge [sflag:s16], $0x800  }
0x33: {  	[sflag:s16] =	ssyncset.done $0x0  }
0x34: {  	s11 =	simm.s32 $0x17950;
	s13 =	simm.s32 $0x16050;
	[sflag:s16] =	ssyncadd.s32 $0xFFFFF800  }
0x35: {  	[spmem:s3] =	stream.indirect.scatter.add.s32 [tilespmem:s13], [sflag:$0x2], $0x10, s11, s26, $0xb8;
	[tilespmem:$0x1FC10] =	vst v63  }
0x36: {  	_ =	swait.ge [sflag:s16], $0x800  }
0x37: {  	[sflag:s16] =	ssyncset.done $0x0  }
0x38: {  	s14 =	simm.s32 $0x179D0;
	s15 =	simm.s32 $0x16850;
	[sflag:s16] =	ssyncadd.s32 $0xFFFFF800  }
0x39: {  	[spmem:s3] =	stream.indirect.scatter.add.s32 [tilespmem:s15], [sflag:$0x2], $0x10, s14, s26, $0xb8;
	[tilespmem:$0x1FC10] =	vst v63  }
0x3a: {  	_ =	swait.ge [sflag:s16], $0x800  }
0x3b: {  	[sflag:s16] =	ssyncset.done $0x0  }
0x3c: {  	s7 =	simm.s32 $0x17A50;
	s8 =	simm.s32 $0x17050;
	[sflag:s16] =	ssyncadd.s32 $0xFFFFF800  }
0x3d: {  	[spmem:s3] =	stream.indirect.scatter.add.s32 [tilespmem:s8], [sflag:$0x2], $0x10, s7, s26, $0xb8;
	[tilespmem:$0x1FC10] =	vst v63  }
0x3e: {  	_ =	swait.ge [sflag:s16], $0x800  }
0x3f: {  	[sflag:s16] =	ssyncset.done $0x0  }
0x40: {  	[sflag:s16] =	ssyncadd.s32 $0xFFFFF800  }
0x41: {  	[bflag:$0x0] =	sbarrier.arrive $0xFFFF  }
0x42: {  	s11 =	rddreg [dreg:$0x10]  }
0x43: {  	s13 =	rddreg [dreg:$0x14]  }
0x44: {  	[hbm:s11], [sflag:s12] =	dma.local [spmem:s13], $0x2800  }
0x45: {  	_ =	swait.ge [sflag:s16], $0x2800  }
0x46: {  	[sflag:s16] =	ssyncset.done $0x0  }
0x47: {  	s14 =	rddreg [dreg:$0x11];
	[sflag:s16] =	ssyncadd.s32 $0xFFFFD800  }
0x48: {  	[hbm:s14], [sflag:s12] =	dma.local [spmem:s4], $0x50  }
0x49: {  	_ =	swait.ge [sflag:s16], $0x50  }
0x4a: {  	s31 =	sadd.s32 $0x1, s31;
	s15 =	rddreg [dreg:$0x12]  }
0x4b: {  	p1 =	sne.s32 s31, s15  }
.Ltmp1:
0x4c: {  	_ = 	snop;
	(pc) =	sbr.rel @!p1 .LBB2_48-.Ltmp1, $3  }
0x4d: {  	_ =	sdelay $0x1  }
0x4e: {  	[sflag:s16] =	ssyncset.done $0x0  }
0x4f: {  	[sflag:s16] =	ssyncadd.s32 $0xFFFFFFB0  }
.LBB2_1:
0x50: {  	s3 =	rddreg [dreg:$0x8]  }
0x51: {  	s4 =	rddreg [dreg:$0x13]  }
0x52: {  	[spmem:s4], [sflag:s12] =	dma.local [hbm:s3], $0x2820  }
0x53: {  	_ =	swait.ge [sflag:s16], $0x2820  }
0x54: {  	[sflag:s16] =	ssyncset.done $0x0;
	s11 =	rddreg [dreg:$0x9]  }
0x55: {  	[sflag:s16] =	ssyncadd.s32 $0xFFFFD7E0;
	s4 =	sshrl.u32 s11, $0x3  }
0x56: {  	[spmem:s4], [sflag:s12] =	dma.local [hbm:s1], $0x50  }
0x57: {  	_ =	swait.ge [sflag:s16], $0x50  }
0x58: {  	s13 =	simm.s32 $0x0;
	[sflag:s16] =	ssyncset.done $0x0  }
0x59: {  	s6 =	simm.s32 $0x14790;
	s5 =	rddreg [dreg:$0xa];
	[sflag:s16] =	ssyncadd.s32 $0xFFFFFFB0  }
0x5a: {  	[tilespmem:s6], [sflag:$0x2] =	stream.linear.gather [hbm4b:s5+s13], $0x280, $0x38;
	[tilespmem:$0x1FC10] =	vst v63  }
0x5b: {  	_ =	swait.ge [sflag:s16], $0x280  }
0x5c: {  	[sflag:s16] =	ssyncset.done $0x0  }
0x5d: {  	s15 =	simm.s32 $0x14A10;
	s14 =	rddreg [dreg:$0xb];
	[sflag:s16] =	ssyncadd.s32 $0xFFFFFD80  }
0x5e: {  	[tilespmem:s15], [sflag:$0x2] =	stream.linear.gather [hbm4b:s14+s13], $0x280, $0x38;
	[tilespmem:$0x1FC10] =	vst v63  }
0x5f: {  	_ =	swait.ge [sflag:s16], $0x280  }
0x60: {  	[sflag:s16] =	ssyncset.done $0x0  }
0x61: {  	[sflag:s16] =	ssyncadd.s32 $0xFFFFFD80  }
0x62: {  	[tilespmem:$0x14C90] =	vst v0  }
0x63: {  	[tilespmem:$0x14CA0] =	vst v0  }
0x64: {  	[tilespmem:$0x14CB0] =	vst v0  }
0x65: {  	[tilespmem:$0x14CC0] =	vst v0  }
0x66: {  	[tilespmem:$0x14CD0] =	vst v0  }
0x67: {  	[tilespmem:$0x14CE0] =	vst v0  }
0x68: {  	[tilespmem:$0x14CF0] =	vst v0  }
0x69: {  	[tilespmem:$0x14D00] =	vst v0  }
0x6a: {  	[tilespmem:$0x14D10] =	vst v0  }
0x6b: {  	[tilespmem:$0x14D20] =	vst v0  }
0x6c: {  	[tilespmem:$0x14D30] =	vst v0  }
0x6d: {  	[tilespmem:$0x14D40] =	vst v0  }
0x6e: {  	[tilespmem:$0x14D50] =	vst v0  }
0x6f: {  	[tilespmem:$0x14D60] =	vst v0  }
0x70: {  	[tilespmem:$0x14D70] =	vst v0  }
0x71: {  	[tilespmem:$0x14D80] =	vst v0  }
0x72: {  	[tilespmem:$0x14D90] =	vst v0  }
0x73: {  	[tilespmem:$0x14DA0] =	vst v0  }
0x74: {  	[tilespmem:$0x14DB0] =	vst v0  }
0x75: {  	[tilespmem:$0x14DC0] =	vst v0  }
0x76: {  	[tilespmem:$0x14DD0] =	vst v0  }
0x77: {  	[tilespmem:$0x14DE0] =	vst v0  }
0x78: {  	[tilespmem:$0x14DF0] =	vst v0  }
0x79: {  	[tilespmem:$0x14E00] =	vst v0  }
0x7a: {  	s6 =	simm.s32 $0x0;
	s5 =	simm.s32 $0x40;
	[tilespmem:$0x14E10] =	vst v0  }
.LBB2_2:
0x7b: {  	p1 =	sne.s32 s5, $0x9C0;
	v26 =	vld [tilespmem:s6+$0x14790];
	_ =	sdelay $0x1  }
0x7c: {  	v27 =	vld [tilespmem:s6+$0x14A10];
	_ =	sdelay $0x2  }
0x7d: {  	v26 =	vmul.u32 $0x50, v26;
	_ =	sdelay $0x1  }
0x7e: {  	v26 =	vadd.s32 v27, v26  }
0x7f: {  	(xrf1) =	vunique.msk.u32 $0xffff, v26;
	_ =	sdelay $0xd  }
0x80: {  	_, v27, vm0 =	vpop (xrf1);
	_ =	sdelay $0x1  }
.Ltmp2:
0x81: {  	(pc) =	sbr.rel @p1 .LBB2_2-.Ltmp2, $2  }
0x82: {  	_ =	sdelay $0x2  }
0x83: {  	s6 =	sshra.s32 s5, $0x2;
	s5 =	sadd.s32 $0x40, s5;
	[tilespmem:v26+s17+$0x0] =	vst.idx.add.s32.msk vm0, v27  }
0x84: {  	v26 =	vld [tilespmem:s6+$0x14790];
	_ =	sdelay $0x1  }
0x85: {  	v27 =	vld [tilespmem:s6+$0x14A10];
	_ =	sdelay $0x2  }
0x86: {  	v26 =	vmul.u32 $0x50, v26;
	_ =	sdelay $0x1  }
0x87: {  	v26 =	vadd.s32 v27, v26  }
0x88: {  	(xrf1) =	vunique.msk.u32 $0xffff, v26;
	_ =	sdelay $0xd  }
0x89: {  	_, v27, vm0 =	vpop (xrf1);
	_ =	sdelay $0x5  }
0x8a: {  	s3 =	rddreg [dreg:$0xc];
	[tilespmem:v26+s17+$0x0] =	vst.idx.add.s32.msk vm0, v27  }
0x8b: {  	[spmem:s3] =	stream.linear.scatter [tilespmem:s17], [sflag:$0x2], $0x190, $0x38;
	[tilespmem:$0x1FC10] =	vst v63  }
0x8c: {  	_ =	swait.ge [sflag:s16], $0x190  }
0x8d: {  	[sflag:s16] =	ssyncset.done $0x0  }
0x8e: {  	[sflag:s16] =	ssyncadd.s32 $0xFFFFFE70  }
0x8f: {  	[bflag:$0x0] =	sbarrier.arrive $0xFFFF  }
0x90: {  	s14 =	rddreg [dreg:$0x5]  }
0x91: {  	[tilespmem:s17], [sflag:$0x2] =	stream.linear.gather [spmem:s14], $0x190, $0x38;
	[tilespmem:$0x1FC10] =	vst v63  }
0x92: {  	_ =	swait.ge [sflag:s16], $0x190  }
0x93: {  	[sflag:s16] =	ssyncset.done $0x0  }
0x94: {  	s15 =	rddreg [dreg:$0xd];
	[sflag:s16] =	ssyncadd.s32 $0xFFFFFE70  }
0x95: {  	[tilespmem:s18], [sflag:$0x2] =	stream.linear.gather [spmem:s15], $0x190, $0x38;
	[tilespmem:$0x1FC10] =	vst v63  }
0x96: {  	_ =	swait.ge [sflag:s16], $0x190  }
0x97: {  	[sflag:s16] =	ssyncset.done $0x0  }
0x98: {  	s5 =	simm.s32 $0x0;
	[sflag:s16] =	ssyncadd.s32 $0xFFFFFE70  }
0x99: {  	s6 =	simm.s32 $0x40;
	v26 =	vld [tilespmem:s5+$0x14E20]  }
.LBB2_4:
0x9a: {  	p1 =	sne.s32 s6, $0x600;
	v27 =	vld [tilespmem:s5+$0x14C90];
	_ =	sdelay $0x1  }
.Ltmp3:
0x9b: {  	(pc) =	sbr.rel @p1 .LBB2_4-.Ltmp3, $3  }
0x9c: {  	_ =	sdelay $0x1  }
0x9d: {  	s7 =	sshra.s32 s6, $0x2;
	v27 =	vadd.s32 v27, v26  }
0x9e: {  	s6 =	sadd.s32 $0x40, s6;
	v26 =	vld [tilespmem:s7+$0x14E20];
	[tilespmem:s5+$0x14C90] =	vst v27;
	s5 =	smov.u32 s7  }
0x9f: {  	v27 =	vld [tilespmem:s5+$0x14C90];
	_ =	sdelay $0x4  }
0xa0: {  	v26 =	vadd.s32 v27, v26  }
0xa1: {  	s3 =	rddreg [dreg:$0x15];
	[tilespmem:s5+$0x14C90] =	vst v26  }
0xa2: {  	[tilespmem:s18], [sflag:$0x2] =	stream.linear.gather [spmem:s3], $0x190, $0x38;
	[tilespmem:$0x1FC10] =	vst v63  }
0xa3: {  	_ =	swait.ge [sflag:s16], $0x190  }
0xa4: {  	[sflag:s16] =	ssyncset.done $0x0  }
0xa5: {  	s5 =	simm.s32 $0x0;
	[sflag:s16] =	ssyncadd.s32 $0xFFFFFE70  }
0xa6: {  	s6 =	simm.s32 $0x40;
	v26 =	vld [tilespmem:s5+$0x14E20]  }
.LBB2_6:
0xa7: {  	p1 =	sne.s32 s6, $0x600;
	v27 =	vld [tilespmem:s5+$0x14C90];
	_ =	sdelay $0x1  }
.Ltmp4:
0xa8: {  	(pc) =	sbr.rel @p1 .LBB2_6-.Ltmp4, $3  }
0xa9: {  	_ =	sdelay $0x1  }
0xaa: {  	s7 =	sshra.s32 s6, $0x2;
	v27 =	vadd.s32 v27, v26  }
0xab: {  	s6 =	sadd.s32 $0x40, s6;
	v26 =	vld [tilespmem:s7+$0x14E20];
	[tilespmem:s5+$0x14C90] =	vst v27;
	s5 =	smov.u32 s7  }
0xac: {  	v27 =	vld [tilespmem:s5+$0x14C90];
	_ =	sdelay $0x4  }
0xad: {  	v26 =	vadd.s32 v27, v26  }
0xae: {  	s3 =	rddreg [dreg:$0x16];
	[tilespmem:s5+$0x14C90] =	vst v26  }
0xaf: {  	[tilespmem:s18], [sflag:$0x2] =	stream.linear.gather [spmem:s3], $0x190, $0x38;
	[tilespmem:$0x1FC10] =	vst v63  }
0xb0: {  	_ =	swait.ge [sflag:s16], $0x190  }
0xb1: {  	[sflag:s16] =	ssyncset.done $0x0  }
0xb2: {  	s5 =	simm.s32 $0x0;
	[sflag:s16] =	ssyncadd.s32 $0xFFFFFE70  }
0xb3: {  	s6 =	simm.s32 $0x40;
	v26 =	vld [tilespmem:s5+$0x14E20]  }
.LBB2_8:
0xb4: {  	p1 =	sne.s32 s6, $0x600;
	v27 =	vld [tilespmem:s5+$0x14C90];
	_ =	sdelay $0x1  }
.Ltmp5:
0xb5: {  	(pc) =	sbr.rel @p1 .LBB2_8-.Ltmp5, $3  }
0xb6: {  	_ =	sdelay $0x1  }
0xb7: {  	s7 =	sshra.s32 s6, $0x2;
	v27 =	vadd.s32 v27, v26  }
0xb8: {  	s6 =	sadd.s32 $0x40, s6;
	v26 =	vld [tilespmem:s7+$0x14E20];
	[tilespmem:s5+$0x14C90] =	vst v27;
	s5 =	smov.u32 s7  }
0xb9: {  	v27 =	vld [tilespmem:s5+$0x14C90];
	_ =	sdelay $0x4  }
0xba: {  	v26 =	vadd.s32 v27, v26  }
0xbb: {  	s3 =	rddreg [dreg:$0x17];
	[tilespmem:s5+$0x14C90] =	vst v26  }
0xbc: {  	[tilespmem:s18], [sflag:$0x2] =	stream.linear.gather [spmem:s3], $0x190, $0x38;
	[tilespmem:$0x1FC10] =	vst v63  }
0xbd: {  	_ =	swait.ge [sflag:s16], $0x190  }
0xbe: {  	[sflag:s16] =	ssyncset.done $0x0  }
0xbf: {  	s5 =	simm.s32 $0x0;
	[sflag:s16] =	ssyncadd.s32 $0xFFFFFE70  }
0xc0: {  	s6 =	simm.s32 $0x40;
	v26 =	vld [tilespmem:s5+$0x14E20]  }
.LBB2_10:
0xc1: {  	p1 =	sne.s32 s6, $0x600;
	v27 =	vld [tilespmem:s5+$0x14C90];
	_ =	sdelay $0x1  }
.Ltmp6:
0xc2: {  	(pc) =	sbr.rel @p1 .LBB2_10-.Ltmp6, $3  }
0xc3: {  	_ =	sdelay $0x1  }
0xc4: {  	s7 =	sshra.s32 s6, $0x2;
	v27 =	vadd.s32 v27, v26  }
0xc5: {  	s6 =	sadd.s32 $0x40, s6;
	v26 =	vld [tilespmem:s7+$0x14E20];
	[tilespmem:s5+$0x14C90] =	vst v27;
	s5 =	smov.u32 s7  }
0xc6: {  	v27 =	vld [tilespmem:s5+$0x14C90];
	_ =	sdelay $0x4  }
0xc7: {  	v26 =	vadd.s32 v27, v26  }
0xc8: {  	s3 =	rddreg [dreg:$0x18];
	[tilespmem:s5+$0x14C90] =	vst v26  }
0xc9: {  	[tilespmem:s18], [sflag:$0x2] =	stream.linear.gather [spmem:s3], $0x190, $0x38;
	[tilespmem:$0x1FC10] =	vst v63  }
0xca: {  	_ =	swait.ge [sflag:s16], $0x190  }
0xcb: {  	[sflag:s16] =	ssyncset.done $0x0  }
0xcc: {  	s5 =	simm.s32 $0x0;
	[sflag:s16] =	ssyncadd.s32 $0xFFFFFE70  }
0xcd: {  	s6 =	simm.s32 $0x40;
	v26 =	vld [tilespmem:s5+$0x14E20]  }
.LBB2_12:
0xce: {  	p1 =	sne.s32 s6, $0x600;
	v27 =	vld [tilespmem:s5+$0x14C90];
	_ =	sdelay $0x1  }
.Ltmp7:
0xcf: {  	(pc) =	sbr.rel @p1 .LBB2_12-.Ltmp7, $3  }
0xd0: {  	_ =	sdelay $0x1  }
0xd1: {  	s7 =	sshra.s32 s6, $0x2;
	v27 =	vadd.s32 v27, v26  }
0xd2: {  	s6 =	sadd.s32 $0x40, s6;
	v26 =	vld [tilespmem:s7+$0x14E20];
	[tilespmem:s5+$0x14C90] =	vst v27;
	s5 =	smov.u32 s7  }
0xd3: {  	v27 =	vld [tilespmem:s5+$0x14C90];
	_ =	sdelay $0x4  }
0xd4: {  	v26 =	vadd.s32 v27, v26  }
0xd5: {  	s3 =	rddreg [dreg:$0x19];
	[tilespmem:s5+$0x14C90] =	vst v26  }
0xd6: {  	[tilespmem:s18], [sflag:$0x2] =	stream.linear.gather [spmem:s3], $0x190, $0x38;
	[tilespmem:$0x1FC10] =	vst v63  }
0xd7: {  	_ =	swait.ge [sflag:s16], $0x190  }
0xd8: {  	[sflag:s16] =	ssyncset.done $0x0  }
0xd9: {  	s5 =	simm.s32 $0x0;
	[sflag:s16] =	ssyncadd.s32 $0xFFFFFE70  }
0xda: {  	s6 =	simm.s32 $0x40;
	v26 =	vld [tilespmem:s5+$0x14E20]  }
.LBB2_14:
0xdb: {  	p1 =	sne.s32 s6, $0x600;
	v27 =	vld [tilespmem:s5+$0x14C90];
	_ =	sdelay $0x1  }
.Ltmp8:
0xdc: {  	(pc) =	sbr.rel @p1 .LBB2_14-.Ltmp8, $3  }
0xdd: {  	_ =	sdelay $0x1  }
0xde: {  	s7 =	sshra.s32 s6, $0x2;
	v27 =	vadd.s32 v27, v26  }
0xdf: {  	s6 =	sadd.s32 $0x40, s6;
	v26 =	vld [tilespmem:s7+$0x14E20];
	[tilespmem:s5+$0x14C90] =	vst v27;
	s5 =	smov.u32 s7  }
0xe0: {  	v27 =	vld [tilespmem:s5+$0x14C90];
	_ =	sdelay $0x4  }
0xe1: {  	v26 =	vadd.s32 v27, v26  }
0xe2: {  	s3 =	rddreg [dreg:$0x1a];
	[tilespmem:s5+$0x14C90] =	vst v26  }
0xe3: {  	[tilespmem:s18], [sflag:$0x2] =	stream.linear.gather [spmem:s3], $0x190, $0x38;
	[tilespmem:$0x1FC10] =	vst v63  }
0xe4: {  	_ =	swait.ge [sflag:s16], $0x190  }
0xe5: {  	[sflag:s16] =	ssyncset.done $0x0  }
0xe6: {  	s5 =	simm.s32 $0x0;
	[sflag:s16] =	ssyncadd.s32 $0xFFFFFE70  }
0xe7: {  	s6 =	simm.s32 $0x40;
	v26 =	vld [tilespmem:s5+$0x14E20]  }
.LBB2_16:
0xe8: {  	p1 =	sne.s32 s6, $0x600;
	v27 =	vld [tilespmem:s5+$0x14C90];
	_ =	sdelay $0x1  }
.Ltmp9:
0xe9: {  	(pc) =	sbr.rel @p1 .LBB2_16-.Ltmp9, $3  }
0xea: {  	_ =	sdelay $0x1  }
0xeb: {  	s7 =	sshra.s32 s6, $0x2;
	v27 =	vadd.s32 v27, v26  }
0xec: {  	s6 =	sadd.s32 $0x40, s6;
	v26 =	vld [tilespmem:s7+$0x14E20];
	[tilespmem:s5+$0x14C90] =	vst v27;
	s5 =	smov.u32 s7  }
0xed: {  	v27 =	vld [tilespmem:s5+$0x14C90];
	_ =	sdelay $0x4  }
0xee: {  	v26 =	vadd.s32 v27, v26  }
0xef: {  	s3 =	rddreg [dreg:$0x1b];
	[tilespmem:s5+$0x14C90] =	vst v26  }
0xf0: {  	[tilespmem:s18], [sflag:$0x2] =	stream.linear.gather [spmem:s3], $0x190, $0x38;
	[tilespmem:$0x1FC10] =	vst v63  }
0xf1: {  	_ =	swait.ge [sflag:s16], $0x190  }
0xf2: {  	[sflag:s16] =	ssyncset.done $0x0  }
0xf3: {  	s5 =	simm.s32 $0x0;
	[sflag:s16] =	ssyncadd.s32 $0xFFFFFE70  }
0xf4: {  	s6 =	simm.s32 $0x40;
	v26 =	vld [tilespmem:s5+$0x14E20]  }
.LBB2_18:
0xf5: {  	p1 =	sne.s32 s6, $0x600;
	v27 =	vld [tilespmem:s5+$0x14C90];
	_ =	sdelay $0x1  }
.Ltmp10:
0xf6: {  	(pc) =	sbr.rel @p1 .LBB2_18-.Ltmp10, $3  }
0xf7: {  	_ =	sdelay $0x1  }
0xf8: {  	s7 =	sshra.s32 s6, $0x2;
	v27 =	vadd.s32 v27, v26  }
0xf9: {  	s6 =	sadd.s32 $0x40, s6;
	v26 =	vld [tilespmem:s7+$0x14E20];
	[tilespmem:s5+$0x14C90] =	vst v27;
	s5 =	smov.u32 s7  }
0xfa: {  	v27 =	vld [tilespmem:s5+$0x14C90];
	_ =	sdelay $0x4  }
0xfb: {  	v26 =	vadd.s32 v27, v26  }
0xfc: {  	s3 =	rddreg [dreg:$0x1c];
	[tilespmem:s5+$0x14C90] =	vst v26  }
0xfd: {  	[tilespmem:s18], [sflag:$0x2] =	stream.linear.gather [spmem:s3], $0x190, $0x38;
	[tilespmem:$0x1FC10] =	vst v63  }
0xfe: {  	_ =	swait.ge [sflag:s16], $0x190  }
0xff: {  	[sflag:s16] =	ssyncset.done $0x0  }
0x100: {  	s5 =	simm.s32 $0x0;
	[sflag:s16] =	ssyncadd.s32 $0xFFFFFE70  }
0x101: {  	s6 =	simm.s32 $0x40;
	v26 =	vld [tilespmem:s5+$0x14E20]  }
.LBB2_20:
0x102: {  	p1 =	sne.s32 s6, $0x600;
	v27 =	vld [tilespmem:s5+$0x14C90];
	_ =	sdelay $0x1  }
.Ltmp11:
0x103: {  	(pc) =	sbr.rel @p1 .LBB2_20-.Ltmp11, $3  }
0x104: {  	_ =	sdelay $0x1  }
0x105: {  	s7 =	sshra.s32 s6, $0x2;
	v27 =	vadd.s32 v27, v26  }
0x106: {  	s6 =	sadd.s32 $0x40, s6;
	v26 =	vld [tilespmem:s7+$0x14E20];
	[tilespmem:s5+$0x14C90] =	vst v27;
	s5 =	smov.u32 s7  }
0x107: {  	v27 =	vld [tilespmem:s5+$0x14C90];
	_ =	sdelay $0x4  }
0x108: {  	v26 =	vadd.s32 v27, v26  }
0x109: {  	s3 =	rddreg [dreg:$0x1d];
	[tilespmem:s5+$0x14C90] =	vst v26  }
0x10a: {  	[tilespmem:s18], [sflag:$0x2] =	stream.linear.gather [spmem:s3], $0x190, $0x38;
	[tilespmem:$0x1FC10] =	vst v63  }
0x10b: {  	_ =	swait.ge [sflag:s16], $0x190  }
0x10c: {  	[sflag:s16] =	ssyncset.done $0x0  }
0x10d: {  	s5 =	simm.s32 $0x0;
	[sflag:s16] =	ssyncadd.s32 $0xFFFFFE70  }
0x10e: {  	s6 =	simm.s32 $0x40;
	v26 =	vld [tilespmem:s5+$0x14E20]  }
.LBB2_22:
0x10f: {  	p1 =	sne.s32 s6, $0x600;
	v27 =	vld [tilespmem:s5+$0x14C90];
	_ =	sdelay $0x1  }
.Ltmp12:
0x110: {  	(pc) =	sbr.rel @p1 .LBB2_22-.Ltmp12, $3  }
0x111: {  	_ =	sdelay $0x1  }
0x112: {  	s7 =	sshra.s32 s6, $0x2;
	v27 =	vadd.s32 v27, v26  }
0x113: {  	s6 =	sadd.s32 $0x40, s6;
	v26 =	vld [tilespmem:s7+$0x14E20];
	[tilespmem:s5+$0x14C90] =	vst v27;
	s5 =	smov.u32 s7  }
0x114: {  	v27 =	vld [tilespmem:s5+$0x14C90];
	_ =	sdelay $0x4  }
0x115: {  	v26 =	vadd.s32 v27, v26  }
0x116: {  	s3 =	rddreg [dreg:$0x1e];
	[tilespmem:s5+$0x14C90] =	vst v26  }
0x117: {  	[tilespmem:s18], [sflag:$0x2] =	stream.linear.gather [spmem:s3], $0x190, $0x38;
	[tilespmem:$0x1FC10] =	vst v63  }
0x118: {  	_ =	swait.ge [sflag:s16], $0x190  }
0x119: {  	[sflag:s16] =	ssyncset.done $0x0  }
0x11a: {  	s5 =	simm.s32 $0x0;
	[sflag:s16] =	ssyncadd.s32 $0xFFFFFE70  }
0x11b: {  	s6 =	simm.s32 $0x40;
	v26 =	vld [tilespmem:s5+$0x14E20]  }
.LBB2_24:
0x11c: {  	p1 =	sne.s32 s6, $0x600;
	v27 =	vld [tilespmem:s5+$0x14C90];
	_ =	sdelay $0x1  }
.Ltmp13:
0x11d: {  	(pc) =	sbr.rel @p1 .LBB2_24-.Ltmp13, $3  }
0x11e: {  	_ =	sdelay $0x1  }
0x11f: {  	s7 =	sshra.s32 s6, $0x2;
	v27 =	vadd.s32 v27, v26  }
0x120: {  	s6 =	sadd.s32 $0x40, s6;
	v26 =	vld [tilespmem:s7+$0x14E20];
	[tilespmem:s5+$0x14C90] =	vst v27;
	s5 =	smov.u32 s7  }
0x121: {  	v27 =	vld [tilespmem:s5+$0x14C90];
	_ =	sdelay $0x4  }
0x122: {  	v26 =	vadd.s32 v27, v26  }
0x123: {  	s3 =	rddreg [dreg:$0x1f];
	[tilespmem:s5+$0x14C90] =	vst v26  }
0x124: {  	[tilespmem:s18], [sflag:$0x2] =	stream.linear.gather [spmem:s3], $0x190, $0x38;
	[tilespmem:$0x1FC10] =	vst v63  }
0x125: {  	_ =	swait.ge [sflag:s16], $0x190  }
0x126: {  	[sflag:s16] =	ssyncset.done $0x0  }
0x127: {  	s5 =	simm.s32 $0x0;
	[sflag:s16] =	ssyncadd.s32 $0xFFFFFE70  }
0x128: {  	s6 =	simm.s32 $0x40;
	v26 =	vld [tilespmem:s5+$0x14E20]  }
.LBB2_26:
0x129: {  	p1 =	sne.s32 s6, $0x600;
	v27 =	vld [tilespmem:s5+$0x14C90];
	_ =	sdelay $0x1  }
.Ltmp14:
0x12a: {  	(pc) =	sbr.rel @p1 .LBB2_26-.Ltmp14, $3  }
0x12b: {  	_ =	sdelay $0x1  }
0x12c: {  	s7 =	sshra.s32 s6, $0x2;
	v27 =	vadd.s32 v27, v26  }
0x12d: {  	s6 =	sadd.s32 $0x40, s6;
	v26 =	vld [tilespmem:s7+$0x14E20];
	[tilespmem:s5+$0x14C90] =	vst v27;
	s5 =	smov.u32 s7  }
0x12e: {  	v27 =	vld [tilespmem:s5+$0x14C90];
	_ =	sdelay $0x3  }
0x12f: {  	s3 =	sld [smem:$0x7FB]  }
0x130: {  	v26 =	vadd.s32 v27, v26  }
0x131: {  	[tilespmem:s5+$0x14C90] =	vst v26  }
0x132: {  	[tilespmem:s18], [sflag:$0x2] =	stream.linear.gather [spmem:s3], $0x190, $0x38;
	[tilespmem:$0x1FC10] =	vst v63  }
0x133: {  	_ =	swait.ge [sflag:s16], $0x190  }
0x134: {  	[sflag:s16] =	ssyncset.done $0x0  }
0x135: {  	s5 =	simm.s32 $0x0;
	[sflag:s16] =	ssyncadd.s32 $0xFFFFFE70  }
0x136: {  	s6 =	simm.s32 $0x40;
	v26 =	vld [tilespmem:s5+$0x14E20]  }
.LBB2_28:
0x137: {  	p1 =	sne.s32 s6, $0x600;
	v27 =	vld [tilespmem:s5+$0x14C90];
	_ =	sdelay $0x1  }
.Ltmp15:
0x138: {  	(pc) =	sbr.rel @p1 .LBB2_28-.Ltmp15, $3  }
0x139: {  	_ =	sdelay $0x1  }
0x13a: {  	s7 =	sshra.s32 s6, $0x2;
	v27 =	vadd.s32 v27, v26  }
0x13b: {  	s6 =	sadd.s32 $0x40, s6;
	v26 =	vld [tilespmem:s7+$0x14E20];
	[tilespmem:s5+$0x14C90] =	vst v27;
	s5 =	smov.u32 s7  }
0x13c: {  	v27 =	vld [tilespmem:s5+$0x14C90];
	_ =	sdelay $0x3  }
0x13d: {  	s3 =	sld [smem:$0x7FC]  }
0x13e: {  	v26 =	vadd.s32 v27, v26  }
0x13f: {  	[tilespmem:s5+$0x14C90] =	vst v26  }
0x140: {  	[tilespmem:s18], [sflag:$0x2] =	stream.linear.gather [spmem:s3], $0x190, $0x38;
	[tilespmem:$0x1FC10] =	vst v63  }
0x141: {  	_ =	swait.ge [sflag:s16], $0x190  }
0x142: {  	[sflag:s16] =	ssyncset.done $0x0  }
0x143: {  	s5 =	simm.s32 $0x0;
	[sflag:s16] =	ssyncadd.s32 $0xFFFFFE70  }
0x144: {  	s6 =	simm.s32 $0x40;
	v26 =	vld [tilespmem:s5+$0x14E20]  }
.LBB2_30:
0x145: {  	p1 =	sne.s32 s6, $0x600;
	v27 =	vld [tilespmem:s5+$0x14C90];
	_ =	sdelay $0x1  }
.Ltmp16:
0x146: {  	(pc) =	sbr.rel @p1 .LBB2_30-.Ltmp16, $3  }
0x147: {  	_ =	sdelay $0x1  }
0x148: {  	s7 =	sshra.s32 s6, $0x2;
	v27 =	vadd.s32 v27, v26  }
0x149: {  	s6 =	sadd.s32 $0x40, s6;
	v26 =	vld [tilespmem:s7+$0x14E20];
	[tilespmem:s5+$0x14C90] =	vst v27;
	s5 =	smov.u32 s7  }
0x14a: {  	v27 =	vld [tilespmem:s5+$0x14C90];
	_ =	sdelay $0x3  }
0x14b: {  	s3 =	sld [smem:$0x7FD]  }
0x14c: {  	v26 =	vadd.s32 v27, v26  }
0x14d: {  	[tilespmem:s5+$0x14C90] =	vst v26  }
0x14e: {  	[tilespmem:s18], [sflag:$0x2] =	stream.linear.gather [spmem:s3], $0x190, $0x38;
	[tilespmem:$0x1FC10] =	vst v63  }
0x14f: {  	_ =	swait.ge [sflag:s16], $0x190  }
0x150: {  	[sflag:s16] =	ssyncset.done $0x0  }
0x151: {  	s5 =	simm.s32 $0x0;
	[sflag:s16] =	ssyncadd.s32 $0xFFFFFE70  }
0x152: {  	s6 =	simm.s32 $0x40;
	v26 =	vld [tilespmem:s5+$0x14E20]  }
.LBB2_32:
0x153: {  	p1 =	sne.s32 s6, $0x600;
	v27 =	vld [tilespmem:s5+$0x14C90];
	_ =	sdelay $0x1  }
.Ltmp17:
0x154: {  	(pc) =	sbr.rel @p1 .LBB2_32-.Ltmp17, $3  }
0x155: {  	_ =	sdelay $0x1  }
0x156: {  	s7 =	sshra.s32 s6, $0x2;
	v27 =	vadd.s32 v27, v26  }
0x157: {  	s6 =	sadd.s32 $0x40, s6;
	v26 =	vld [tilespmem:s7+$0x14E20];
	[tilespmem:s5+$0x14C90] =	vst v27;
	s5 =	smov.u32 s7  }
0x158: {  	v27 =	vld [tilespmem:s5+$0x14C90];
	_ =	sdelay $0x4  }
0x159: {  	v26 =	vadd.s32 v27, v26  }
0x15a: {  	[tilespmem:s5+$0x14C90] =	vst v26  }
0x15b: {  	v26 =	vld [tilespmem:$0x14C90]  }
0x15c: {  	v27 =	vld [tilespmem:$0x14CE0]  }
0x15d: {  	v28 =	vld [tilespmem:$0x14D30]  }
0x15e: {  	v29 =	vld [tilespmem:$0x14D80]  }
0x15f: {  	v30 =	vld [tilespmem:$0x14DD0];
	_ =	sdelay $0x1  }
0x160: {  	v27 =	vadd.s32 v26, v27  }
0x161: {  	v28 =	vadd.s32 v28, v27  }
0x162: {  	v29 =	vadd.s32 v29, v28  }
0x163: {  	v30 =	vadd.s32 v30, v29  }
0x164: {  	v31 =	vadd.s32 $0xFFFFFFFF, v30  }
0x165: {  	v31 =	vshra.s32 v31, $0x1  }
0x166: {  	vm0 =	vle.s32 v26, v31;
	vm1 =	vle.s32 v27, v31  }
0x167: {  	vm11 =	vle.s32 v28, v31;
	v26 =	vsel vm0, $0x1, v0;
	v27 =	vsel vm1, $0x1, v0  }
0x168: {  	vm12 =	vle.s32 v29, v31;
	v26 =	vadd.s32 v27, v26;
	v27 =	vsel vm11, $0x1, v0  }
0x169: {  	vm13 =	vle.s32 v30, v31;
	v26 =	vadd.s32 v27, v26;
	v27 =	vsel vm12, $0x1, v0  }
0x16a: {  	v26 =	vadd.s32 v27, v26;
	v27 =	vsel vm13, $0x1, v0  }
0x16b: {  	v26 =	vadd.s32 v27, v26  }
0x16c: {  	v27 =	vmul.u32 $0x50, v26;
	_ =	sdelay $0x1  }
0x16d: {  	v28 =	vld [tilespmem:$0x14CA0];
	v27 =	vor.u32 v1, v27  }
0x16e: {  	v29 =	vld [tilespmem:$0x14CF0]  }
0x16f: {  	v30 =	vld [tilespmem:$0x14D40]  }
0x170: {  	v31 =	vld [tilespmem:$0x14D90]  }
0x171: {  	[tilespmem:$0x14FB0] =	vst v26;
	v26 =	vld [tilespmem:$0x14DE0]  }
0x172: {  	v27 =	vld.idx.msk [tilespmem:v27+s17+$0x0], $0xffff;
	_ =	sdelay $0x1  }
0x173: {  	v29 =	vadd.s32 v28, v29  }
0x174: {  	v30 =	vadd.s32 v30, v29  }
0x175: {  	v31 =	vadd.s32 v31, v30  }
0x176: {  	v26 =	vadd.s32 v26, v31;
	vm14 =	vgt.s32 v27, $0x1  }
0x177: {  	v32 =	vadd.s32 $0xFFFFFFFF, v26;
	v27 =	vnsel vm14, $0x1, v27  }
0x178: {  	v32 =	vshra.s32 v32, $0x1;
	v27 =	vcvt.s32.f32 v27  }
0x179: {  	vm15 =	vle.s32 v28, v32;
	vm4 =	vle.s32 v29, v32;
	vm5 =	vle.s32 v30, v32  }
0x17a: {  	v28 =	vsel vm15, $0x1, v0;
	(erf) = vrcp.f32 v27;
	v27 =	vsel vm4, $0x1, v0  }
0x17b: {  	vm6 =	vle.s32 v31, v32;
	v27 =	vadd.s32 v27, v28;
	v28 =	vsel vm5, $0x1, v0  }
0x17c: {  	vm7 =	vle.s32 v26, v32;
	v27 =	vadd.s32 v28, v27;
	v28 =	vsel vm6, $0x1, v0  }
0x17d: {  	v26 =	vadd.s32 v28, v27;
	v27 =	vsel vm7, $0x1, v0  }
0x17e: {  	v26 =	vadd.s32 v27, v26  }
0x17f: {  	v27 =	vmul.u32 $0x50, v26;
	_ =	sdelay $0x1  }
0x180: {  	v27 =	vadd.s32 v2, v27  }
0x181: {  	v27 =	vand.u32 $0x7FFFFFF8, v27  }
0x182: {  	v29 =	vld [tilespmem:$0x14D00];
	v27 =	vor.u32 v3, v27  }
0x183: {  	v31 =	vld [tilespmem:$0x14D50]  }
0x184: {  	v28 =	vld [tilespmem:$0x14CB0]  }
0x185: {  	[tilespmem:$0x14FC0] =	vst v26;
	v26 =	vld [tilespmem:$0x14DF0];
	v30 =	vpop (erf)  }
0x186: {  	[tilespmem:$0x15000] =	vst v30;
	v30 =	vld [tilespmem:$0x14DA0]  }
0x187: {  	v27 =	vld.idx.msk [tilespmem:v27+s17+$0x0], $0xffff;
	_ =	sdelay $0x1  }
0x188: {  	v29 =	vadd.s32 v28, v29  }
0x189: {  	v31 =	vadd.s32 v31, v29  }
0x18a: {  	v30 =	vadd.s32 v30, v31  }
0x18b: {  	v26 =	vadd.s32 v26, v30;
	vm8 =	vgt.s32 v27, $0x1  }
0x18c: {  	v61 =	vadd.s32 $0xFFFFFFFF, v26;
	v27 =	vnsel vm8, $0x1, v27  }
0x18d: {  	v32 =	vshra.s32 v61, $0x1;
	v27 =	vcvt.s32.f32 v27  }
0x18e: {  	vm9 =	vle.s32 v28, v32;
	vm10 =	vle.s32 v29, v32;
	vm11 =	vle.s32 v31, v32  }
0x18f: {  	v28 =	vsel vm9, $0x1, v0;
	(erf) = vrcp.f32 v27;
	v27 =	vsel vm10, $0x1, v0  }
0x190: {  	vm12 =	vle.s32 v30, v32;
	v27 =	vadd.s32 v27, v28;
	v28 =	vsel vm11, $0x1, v0  }
0x191: {  	vm13 =	vle.s32 v26, v32;
	v27 =	vadd.s32 v28, v27;
	v28 =	vsel vm12, $0x1, v0  }
0x192: {  	v26 =	vadd.s32 v28, v27;
	v27 =	vsel vm13, $0x1, v0  }
0x193: {  	v26 =	vadd.s32 v27, v26  }
0x194: {  	v27 =	vmul.u32 $0x50, v26;
	_ =	sdelay $0x1  }
0x195: {  	v27 =	vadd.s32 v4, v27  }
0x196: {  	v27 =	vand.u32 $0x7FFFFFF8, v27  }
0x197: {  	v29 =	vld [tilespmem:$0x14D10];
	v27 =	vor.u32 v3, v27  }
0x198: {  	v31 =	vld [tilespmem:$0x14D60]  }
0x199: {  	v28 =	vld [tilespmem:$0x14CC0]  }
0x19a: {  	[tilespmem:$0x14FD0] =	vst v26;
	v26 =	vld [tilespmem:$0x14E00];
	v30 =	vpop (erf)  }
0x19b: {  	[tilespmem:$0x15010] =	vst v30;
	v30 =	vld [tilespmem:$0x14DB0]  }
0x19c: {  	v27 =	vld.idx.msk [tilespmem:v27+s17+$0x0], $0xffff;
	_ =	sdelay $0x1  }
0x19d: {  	v29 =	vadd.s32 v28, v29  }
0x19e: {  	v31 =	vadd.s32 v31, v29  }
0x19f: {  	v30 =	vadd.s32 v30, v31  }
0x1a0: {  	v26 =	vadd.s32 v26, v30;
	vm14 =	vgt.s32 v27, $0x1  }
0x1a1: {  	v62 =	vadd.s32 $0xFFFFFFFF, v26;
	v27 =	vnsel vm14, $0x1, v27  }
0x1a2: {  	v32 =	vshra.s32 v62, $0x1;
	v27 =	vcvt.s32.f32 v27  }
0x1a3: {  	vm15 =	vle.s32 v28, v32;
	vm4 =	vle.s32 v29, v32;
	vm5 =	vle.s32 v31, v32  }
0x1a4: {  	v28 =	vsel vm15, $0x1, v0;
	(erf) = vrcp.f32 v27;
	v27 =	vsel vm4, $0x1, v0  }
0x1a5: {  	vm6 =	vle.s32 v30, v32;
	v27 =	vadd.s32 v27, v28;
	v28 =	vsel vm5, $0x1, v0  }
0x1a6: {  	vm7 =	vle.s32 v26, v32;
	v27 =	vadd.s32 v28, v27;
	v28 =	vsel vm6, $0x1, v0  }
0x1a7: {  	v26 =	vadd.s32 v28, v27;
	v27 =	vsel vm7, $0x1, v0  }
0x1a8: {  	v26 =	vadd.s32 v27, v26  }
0x1a9: {  	v27 =	vmul.u32 $0x50, v26;
	_ =	sdelay $0x1  }
0x1aa: {  	v27 =	vadd.s32 v5, v27  }
0x1ab: {  	v27 =	vand.u32 $0x7FFFFFF8, v27  }
0x1ac: {  	v29 =	vld [tilespmem:$0x14D20];
	v27 =	vor.u32 v3, v27  }
0x1ad: {  	v31 =	vld [tilespmem:$0x14D70]  }
0x1ae: {  	v28 =	vld [tilespmem:$0x14CD0]  }
0x1af: {  	[tilespmem:$0x14FE0] =	vst v26;
	v26 =	vld [tilespmem:$0x14E10];
	v30 =	vpop (erf)  }
0x1b0: {  	[tilespmem:$0x15020] =	vst v30;
	v30 =	vld [tilespmem:$0x14DC0]  }
0x1b1: {  	v27 =	vld.idx.msk [tilespmem:v27+s17+$0x0], $0xffff;
	_ =	sdelay $0x1  }
0x1b2: {  	v29 =	vadd.s32 v28, v29  }
0x1b3: {  	v31 =	vadd.s32 v31, v29  }
0x1b4: {  	v30 =	vadd.s32 v30, v31  }
0x1b5: {  	v26 =	vadd.s32 v26, v30;
	vm8 =	vgt.s32 v27, $0x1  }
0x1b6: {  	v63 =	vadd.s32 $0xFFFFFFFF, v26;
	v27 =	vnsel vm8, $0x1, v27  }
0x1b7: {  	v32 =	vshra.s32 v63, $0x1;
	v27 =	vcvt.s32.f32 v27  }
0x1b8: {  	vm9 =	vle.s32 v28, v32;
	vm10 =	vle.s32 v29, v32;
	vm11 =	vle.s32 v31, v32  }
0x1b9: {  	v28 =	vsel vm9, $0x1, v0;
	(erf) = vrcp.f32 v27;
	v27 =	vsel vm10, $0x1, v0  }
0x1ba: {  	vm12 =	vle.s32 v30, v32;
	v27 =	vadd.s32 v27, v28;
	v28 =	vsel vm11, $0x1, v0  }
0x1bb: {  	vm13 =	vle.s32 v26, v32;
	v27 =	vadd.s32 v28, v27;
	v28 =	vsel vm12, $0x1, v0  }
0x1bc: {  	v26 =	vadd.s32 v28, v27;
	v27 =	vsel vm13, $0x1, v0  }
0x1bd: {  	v26 =	vadd.s32 v27, v26  }
0x1be: {  	v27 =	vmul.u32 $0x50, v26;
	_ =	sdelay $0x1  }
0x1bf: {  	v27 =	vadd.s32 v6, v27  }
0x1c0: {  	v27 =	vand.u32 $0x7FFFFFF8, v27  }
0x1c1: {  	v27 =	vor.u32 v3, v27;
	_ =	sdelay $0x2  }
0x1c2: {  	[tilespmem:$0x14FF0] =	vst v26;
	v28 =	vpop (erf)  }
0x1c3: {  	[tilespmem:$0x15030] =	vst v28  }
0x1c4: {  	v26 =	vld.idx.msk [tilespmem:v27+s17+$0x0], $0xffff;
	_ =	sdelay $0x4  }
0x1c5: {  	vm14 =	vgt.s32 v26, $0x1  }
0x1c6: {  	v26 =	vnsel vm14, $0x1, v26  }
0x1c7: {  	v26 =	vcvt.s32.f32 v26;
	_ =	sdelay $0x1  }
0x1c8: {  	(erf) = vrcp.f32 v26;
	_ =	sdelay $0x8  }
0x1c9: {  	v26 =	vpop (erf)  }
0x1ca: {  	s5 =	simm.s32 $0x0;
	[tilespmem:$0x15040] =	vst v26  }
0x1cb: {  	v26 =	vld [tilespmem:s5+$0x14A10];
	_ =	sdelay $0x6  }
0x1cc: {  	v27 =	vld [tilespmem:s5+$0x14790]  }
0x1cd: {  	v28 =	vld.idx.msk [tilespmem:v26+s19+$0x0], $0xffff  }
0x1ce: {  	s6 =	simm.s32 $0x10;
	v29 =	vld.idx.msk [tilespmem:v26+s21+$0x0], $0xffff  }
0x1cf: {  	v26 =	vld [tilespmem:s6+$0x14A10];
	_ =	sdelay $0x3  }
0x1d0: {  	vm15 =	veq.s32 v27, v28  }
0x1d1: {  	s7 =	simm.s32 $0x80;
	v28 =	vnsel vm15, $0x0, v29;
	v27 =	vsel vm15, $0x1, v0  }
.LBB2_34:
0x1d2: {  	p1 =	sne.s32 s7, $0x9C0;
	[tilespmem:s5+$0x17AD0] =	vst v28;
	s8 =	smov.u32 s7;
	s7 =	sadd.s32 $0x40, s7  }
0x1d3: {  	v28 =	vld [tilespmem:s6+$0x14790];
	[tilespmem:s5+$0x17D50] =	vst v27;
	s5 =	smov.u32 s6  }
0x1d4: {  	v27 =	vld.idx.msk [tilespmem:v26+s19+$0x0], $0xffff  }
0x1d5: {  	s6 =	sshra.s32 s8, $0x2;
	v29 =	vld.idx.msk [tilespmem:v26+s21+$0x0], $0xffff  }
0x1d6: {  	v26 =	vld [tilespmem:s6+$0x14A10]  }
.Ltmp18:
0x1d7: {  	(pc) =	sbr.rel @p1 .LBB2_34-.Ltmp18, $3  }
0x1d8: {  	_ =	sdelay $0x1  }
0x1d9: {  	vm0 =	veq.s32 v28, v27  }
0x1da: {  	v28 =	vnsel vm0, $0x0, v29;
	v27 =	vsel vm0, $0x1, v0  }
0x1db: {  	_ =	sdelay $0x1  }
0x1dc: {  	[tilespmem:s5+$0x17AD0] =	vst v28  }
0x1dd: {  	v28 =	vld [tilespmem:s6+$0x14790];
	[tilespmem:s5+$0x17D50] =	vst v27  }
0x1de: {  	v27 =	vld.idx.msk [tilespmem:v26+s19+$0x0], $0xffff  }
0x1df: {  	v26 =	vld.idx.msk [tilespmem:v26+s21+$0x0], $0xffff;
	_ =	sdelay $0x3  }
0x1e0: {  	vm0 =	veq.s32 v28, v27  }
0x1e1: {  	v26 =	vnsel vm0, $0x0, v26  }
0x1e2: {  	v27 =	vsel vm0, $0x1, v0;
	[tilespmem:s6+$0x17AD0] =	vst v26  }
0x1e3: {  	s3 =	rddreg [dreg:$0xe];
	s13 =	simm.s32 $0x17D50;
	[tilespmem:s6+$0x17D50] =	vst v27  }
0x1e4: {  	[spmem:s3] =	stream.linear.scatter [tilespmem:s13], [sflag:$0x2], $0x280, $0x38;
	[tilespmem:$0x1FC10] =	vst v63  }
0x1e5: {  	_ =	swait.ge [sflag:s16], $0x280  }
0x1e6: {  	s5 =	simm.s32 @!p0 $0x0;
	[sflag:s16] =	ssyncset.done $0x0  }
0x1e7: {  	s6 =	simm.s32 @!p0 $0x17AD0;
	s3 =	rddreg [dreg:$0xf];
	[sflag:s16] =	ssyncadd.s32 $0xFFFFFD80  }
0x1e8: {  	[hbm4b:s3+s5] =	stream.linear.scatter @!p0 [tilespmem:s6], [sflag:$0x2], $0x280, $0x38;
	[tilespmem:$0x1FC10] =	vst v63  }
0x1e9: {  	s5 =	simm.s32 @!p0 $0x2  }
0x1ea: {  	_ =	swait.ge @!p0 [sflag:s5], $0x280  }
0x1eb: {  	[sflag:s5] =	ssyncset.done @!p0 $0x0  }
0x1ec: {  	[sflag:s5] =	ssyncadd.s32 @!p0 $0xFFFFFD80  }
0x1ed: {  	[bflag:$0x0] =	sbarrier.arrive $0xFFFF  }
0x1ee: {  	s14 =	rddreg [dreg:$0x6]  }
0x1ef: {  	[tilespmem:s22], [sflag:$0x2] =	stream.linear.gather [spmem:s14], $0x2800, $0x38;
	[tilespmem:$0x1FC10] =	vst v63  }
0x1f0: {  	_ =	swait.ge [sflag:s16], $0x2800  }
0x1f1: {  	[sflag:s16] =	ssyncset.done $0x0  }
0x1f2: {  	s5 =	simm.s32 $0x0;
	[sflag:s16] =	ssyncadd.s32 $0xFFFFD800  }
0x1f3: {  	[tilespmem:s23], [sflag:$0x2] =	stream.linear.gather [hbm4b:s1+s5], $0x280, $0x38;
	[tilespmem:$0x1FC10] =	vst v63  }
0x1f4: {  	_ =	swait.ge [sflag:s16], $0x280  }
0x1f5: {  	[sflag:s16] =	ssyncset.done $0x0  }
0x1f6: {  	s15 =	simm.s32 $0x152D0;
	[sflag:s16] =	ssyncadd.s32 $0xFFFFFD80  }
0x1f7: {  	[tilespmem:s15], [sflag:$0x2] =	stream.linear.gather [hbm4b:s1+s5], $0x280, $0x38;
	[tilespmem:$0x1FC10] =	vst v63  }
0x1f8: {  	_ =	swait.ge [sflag:s16], $0x280  }
0x1f9: {  	[sflag:s16] =	ssyncset.done $0x0  }
0x1fa: {  	s6 =	simm.s32 $0x15550;
	[sflag:s16] =	ssyncadd.s32 $0xFFFFFD80  }
0x1fb: {  	[tilespmem:s6], [sflag:$0x2] =	stream.linear.gather [hbm4b:s1+s5], $0x280, $0x38;
	[tilespmem:$0x1FC10] =	vst v63  }
0x1fc: {  	_ =	swait.ge [sflag:s16], $0x280  }
0x1fd: {  	[sflag:s16] =	ssyncset.done $0x0  }
0x1fe: {  	s7 =	simm.s32 $0x157D0;
	[sflag:s16] =	ssyncadd.s32 $0xFFFFFD80  }
0x1ff: {  	[tilespmem:s7], [sflag:$0x2] =	stream.linear.gather [hbm4b:s1+s5], $0x280, $0x38;
	[tilespmem:$0x1FC10] =	vst v63  }
0x200: {  	_ =	swait.ge [sflag:s16], $0x280  }
0x201: {  	[sflag:s16] =	ssyncset.done $0x0  }
0x202: {  	s8 =	simm.s32 $0x15A50;
	[sflag:s16] =	ssyncadd.s32 $0xFFFFFD80  }
0x203: {  	[tilespmem:s8], [sflag:$0x2] =	stream.linear.gather [hbm4b:s1+s5], $0x280, $0x38;
	[tilespmem:$0x1FC10] =	vst v63  }
0x204: {  	_ =	swait.ge [sflag:s16], $0x280  }
0x205: {  	[sflag:s16] =	ssyncset.done $0x0  }
0x206: {  	s11 =	simm.s32 $0x15CD0;
	[sflag:s16] =	ssyncadd.s32 $0xFFFFFD80  }
0x207: {  	[tilespmem:s11], [sflag:$0x2] =	stream.linear.gather [hbm4b:s1+s5], $0x280, $0x38;
	[tilespmem:$0x1FC10] =	vst v63  }
0x208: {  	_ =	swait.ge [sflag:s16], $0x280  }
0x209: {  	[sflag:s16] =	ssyncset.done $0x0  }
0x20a: {  	s13 =	simm.s32 $0x15F50;
	[sflag:s16] =	ssyncadd.s32 $0xFFFFFD80  }
0x20b: {  	[tilespmem:s13], [sflag:$0x2] =	stream.linear.gather [hbm4b:s1+s5], $0x280, $0x38;
	[tilespmem:$0x1FC10] =	vst v63  }
0x20c: {  	_ =	swait.ge [sflag:s16], $0x280  }
0x20d: {  	[sflag:s16] =	ssyncset.done $0x0  }
0x20e: {  	s14 =	simm.s32 $0x161D0;
	[sflag:s16] =	ssyncadd.s32 $0xFFFFFD80  }
0x20f: {  	[tilespmem:s14], [sflag:$0x2] =	stream.linear.gather [hbm4b:s1+s5], $0x280, $0x38;
	[tilespmem:$0x1FC10] =	vst v63  }
0x210: {  	_ =	swait.ge [sflag:s16], $0x280  }
0x211: {  	[sflag:s16] =	ssyncset.done $0x0  }
0x212: {  	s15 =	simm.s32 $0x16450;
	[sflag:s16] =	ssyncadd.s32 $0xFFFFFD80  }
0x213: {  	[tilespmem:s15], [sflag:$0x2] =	stream.linear.gather [hbm4b:s1+s5], $0x280, $0x38;
	[tilespmem:$0x1FC10] =	vst v63  }
0x214: {  	_ =	swait.ge [sflag:s16], $0x280  }
0x215: {  	[sflag:s16] =	ssyncset.done $0x0  }
0x216: {  	s6 =	simm.s32 $0x166D0;
	[sflag:s16] =	ssyncadd.s32 $0xFFFFFD80  }
0x217: {  	[tilespmem:s6], [sflag:$0x2] =	stream.linear.gather [hbm4b:s1+s5], $0x280, $0x38;
	[tilespmem:$0x1FC10] =	vst v63  }
0x218: {  	_ =	swait.ge [sflag:s16], $0x280  }
0x219: {  	[sflag:s16] =	ssyncset.done $0x0  }
0x21a: {  	s7 =	simm.s32 $0x16950;
	[sflag:s16] =	ssyncadd.s32 $0xFFFFFD80  }
0x21b: {  	[tilespmem:s7], [sflag:$0x2] =	stream.linear.gather [hbm4b:s1+s5], $0x280, $0x38;
	[tilespmem:$0x1FC10] =	vst v63  }
0x21c: {  	_ =	swait.ge [sflag:s16], $0x280  }
0x21d: {  	[sflag:s16] =	ssyncset.done $0x0  }
0x21e: {  	s8 =	simm.s32 $0x16BD0;
	[sflag:s16] =	ssyncadd.s32 $0xFFFFFD80  }
0x21f: {  	[tilespmem:s8], [sflag:$0x2] =	stream.linear.gather [hbm4b:s1+s5], $0x280, $0x38;
	[tilespmem:$0x1FC10] =	vst v63  }
0x220: {  	_ =	swait.ge [sflag:s16], $0x280  }
0x221: {  	[sflag:s16] =	ssyncset.done $0x0  }
0x222: {  	s11 =	simm.s32 $0x16E50;
	[sflag:s16] =	ssyncadd.s32 $0xFFFFFD80  }
0x223: {  	[tilespmem:s11], [sflag:$0x2] =	stream.linear.gather [hbm4b:s1+s5], $0x280, $0x38;
	[tilespmem:$0x1FC10] =	vst v63  }
0x224: {  	_ =	swait.ge [sflag:s16], $0x280  }
0x225: {  	[sflag:s16] =	ssyncset.done $0x0  }
0x226: {  	s13 =	simm.s32 $0x170D0;
	[sflag:s16] =	ssyncadd.s32 $0xFFFFFD80  }
0x227: {  	[tilespmem:s13], [sflag:$0x2] =	stream.linear.gather [hbm4b:s1+s5], $0x280, $0x38;
	[tilespmem:$0x1FC10] =	vst v63  }
0x228: {  	_ =	swait.ge [sflag:s16], $0x280  }
0x229: {  	[sflag:s16] =	ssyncset.done $0x0  }
0x22a: {  	s14 =	simm.s32 $0x17350;
	[sflag:s16] =	ssyncadd.s32 $0xFFFFFD80  }
0x22b: {  	[tilespmem:s14], [sflag:$0x2] =	stream.linear.gather [hbm4b:s1+s5], $0x280, $0x38;
	[tilespmem:$0x1FC10] =	vst v63  }
0x22c: {  	_ =	swait.ge [sflag:s16], $0x280  }
0x22d: {  	[sflag:s16] =	ssyncset.done $0x0  }
0x22e: {  	s15 =	simm.s32 $0x175D0;
	[sflag:s16] =	ssyncadd.s32 $0xFFFFFD80  }
0x22f: {  	[tilespmem:s15], [sflag:$0x2] =	stream.linear.gather [hbm4b:s1+s5], $0x280, $0x38;
	[tilespmem:$0x1FC10] =	vst v63  }
0x230: {  	_ =	swait.ge [sflag:s16], $0x280  }
0x231: {  	[sflag:s16] =	ssyncset.done $0x0  }
0x232: {  	[sflag:s16] =	ssyncadd.s32 $0xFFFFFD80  }
0x233: {  	[tilespmem:$0x17850] =	vst v1  }
0x234: {  	[tilespmem:$0x17860] =	vst v2  }
0x235: {  	[tilespmem:$0x17870] =	vst v4  }
0x236: {  	[tilespmem:$0x17880] =	vst v5  }
0x237: {  	[tilespmem:$0x17890] =	vst v6  }
0x238: {  	[tilespmem:$0x178A0] =	vst v7  }
0x239: {  	[tilespmem:$0x178B0] =	vst v8  }
0x23a: {  	[tilespmem:$0x178C0] =	vst v9  }
0x23b: {  	[tilespmem:$0x178D0] =	vst v10  }
0x23c: {  	[tilespmem:$0x178E0] =	vst v11  }
0x23d: {  	[tilespmem:$0x178F0] =	vst v12  }
0x23e: {  	[tilespmem:$0x17900] =	vst v13  }
0x23f: {  	[tilespmem:$0x17910] =	vst v14  }
0x240: {  	[tilespmem:$0x17920] =	vst v15  }
0x241: {  	[tilespmem:$0x17930] =	vst v16  }
0x242: {  	[tilespmem:$0x17940] =	vst v17  }
0x243: {  	[tilespmem:$0x17950] =	vst v18  }
0x244: {  	[tilespmem:$0x17960] =	vst v19  }
0x245: {  	[tilespmem:$0x17970] =	vst v20  }
0x246: {  	[tilespmem:$0x17980] =	vst v21  }
0x247: {  	[tilespmem:$0x17990] =	vst v22  }
0x248: {  	[tilespmem:$0x179A0] =	vst v23  }
0x249: {  	v26 =	vor.u32 $0x170, v1;
	[tilespmem:$0x179B0] =	vst v24  }
0x24a: {  	[tilespmem:$0x179C0] =	vst v26;
	v26 =	vor.u32 $0x180, v1  }
0x24b: {  	[tilespmem:$0x179D0] =	vst v26;
	v26 =	vor.u32 $0x190, v1  }
0x24c: {  	[tilespmem:$0x179E0] =	vst v26;
	v26 =	vor.u32 $0x1A0, v1  }
0x24d: {  	[tilespmem:$0x179F0] =	vst v26;
	v26 =	vor.u32 $0x1B0, v1  }
0x24e: {  	[tilespmem:$0x17A00] =	vst v26;
	v26 =	vor.u32 $0x1C0, v1  }
0x24f: {  	[tilespmem:$0x17A10] =	vst v26;
	v26 =	vor.u32 $0x1D0, v1  }
0x250: {  	[tilespmem:$0x17A20] =	vst v26;
	v26 =	vor.u32 $0x1E0, v1  }
0x251: {  	[tilespmem:$0x17A30] =	vst v26;
	v26 =	vor.u32 $0x1F0, v1  }
0x252: {  	[tilespmem:$0x17A40] =	vst v26;
	v26 =	vor.u32 $0x200, v1  }
0x253: {  	[tilespmem:$0x17A50] =	vst v26;
	v26 =	vor.u32 $0x210, v1  }
0x254: {  	[tilespmem:$0x17A60] =	vst v26;
	v26 =	vor.u32 $0x220, v1  }
0x255: {  	[tilespmem:$0x17A70] =	vst v26;
	v26 =	vor.u32 $0x230, v1  }
.Ltmp19:
0x256: {  	[tilespmem:$0x17A80] =	vst v26;
	v26 =	vor.u32 $0x240, v1;
	(pc) =	sbr.rel .LBB2_36-.Ltmp19, $4  }
0x257: {  	[tilespmem:$0x17A90] =	vst v26;
	v26 =	vor.u32 $0x250, v1  }
0x258: {  	[tilespmem:$0x17AA0] =	vst v26;
	v26 =	vor.u32 $0x260, v1  }
0x259: {  	[tilespmem:$0x17AB0] =	vst v26;
	v26 =	vor.u32 $0x270, v1  }
0x25a: {  	[tilespmem:$0x17AC0] =	vst v26  }
.LBB2_45:
0x25b: {  	[sflag:s16] =	ssyncadd.s32 $0xFFFFC000  }
.LBB2_46:
0x25c: {  	s5 =	sadd.s32 $0x1, s5  }
0x25d: {  	p1 =	sne.s32 s5, $0x5  }
.Ltmp20:
0x25e: {  	_ = 	snop;
	(pc) =	sbr.rel @!p1 .LBB2_47-.Ltmp20, $1  }
0x25f: {  	_ =	sdelay $0x3  }
.LBB2_36:
0x260: {  	s7 =	smul.u32 $0x5, s5;
	s8 =	simm.s32 $0x0;
	s6 =	simm.s32 $0x0  }
.LBB2_37:
0x261: {  	s11 =	simm.s32 $0x0  }
0x262: {  	s13 =	smul.u32 $0xCD, s11  }
0x263: {  	s14 =	sadd.s32 s7, s6;
	s15 =	smulhi.u32 $0xCCCCCCCD, s11  }
0x264: {  	s14 =	smul.u32 $0x190, s14;
	s13 =	sshrl.u32 s13, $0xA  }
0x265: {  	s15 =	sshrl.u32 s15, $0x2;
	s13 =	sand.u32 $0x3F, s13  }
0x266: {  	s14 =	sadd.s32 s20, s14;
	s15 =	smul.u32 $0x50, s15;
	v26 =	vmov s13  }
0x267: {  	s3 =	sshrl.u32 s14, $0x3;
	v26 =	vmul.u32 $0x50, v26  }
0x268: {  	s14 =	sadd.s32 s9, s3;
	s15 =	ssub.s32 $0x0, s15  }
0x269: {  	[tilespmem:s24], [sflag:$0x2] =	stream.linear.gather [hbm4b:s14+s11], $0x190, $0x38;
	v26 =	vadd.s32 s15, v26;
	[tilespmem:$0x1FC10] =	vst v63  }
0x26a: {  	_ =	swait.ge [sflag:s16], $0x190;
	v26 =	vbroadcast v26, $0x0  }
0x26b: {  	[sflag:s16] =	ssyncset.done $0x0  }
0x26c: {  	s13 =	sadd.s32 s10, s3;
	[sflag:s16] =	ssyncadd.s32 $0xFFFFFE70;
	v26 =	vadd.s32 v1, v26  }
0x26d: {  	[tilespmem:s25], [sflag:$0x2] =	stream.linear.gather [hbm4b:s13+s11], $0x190, $0x38;
	[tilespmem:$0x1FC10] =	vst v63  }
0x26e: {  	_ =	swait.ge [sflag:s16], $0x190  }
0x26f: {  	[sflag:s16] =	ssyncset.done $0x0  }
0x270: {  	[sflag:s16] =	ssyncadd.s32 $0xFFFFFE70  }
0x271: {  	v28 =	vld.idx.msk [tilespmem:v26+s25+$0x0], $0xffff;
	_ =	sdelay $0x4  }
0x272: {  	s14 =	simm.s32 $0x1  }
0x273: {  	s15 =	smul.u32 $0xCD, s14  }
0x274: {  	s11 =	smulhi.u32 $0xCCCCCCCD, s14  }
0x275: {  	s13 =	sshrl.u32 s15, $0xA;
	v27 =	vld.idx.msk [tilespmem:v28+s22+$0x0], $0xffff  }
0x276: {  	s13 =	sand.u32 $0x3F, s13;
	s11 =	sshrl.u32 s11, $0x2  }
0x277: {  	v29 =	vmov s13;
	s11 =	smul.u32 $0x50, s11  }
0x278: {  	v29 =	vmul.u32 $0x50, v29  }
0x279: {  	s11 =	ssub.s32 $0x10, s11  }
0x27a: {  	vm0 =	veq.s32 v27, $0x1;
	v27 =	vadd.s32 s11, v29  }
0x27b: {  	v26 =	vld.idx.msk [tilespmem:v26+s24+$0x0], $0xffff;
	v27 =	vbroadcast v27, $0x0  }
0x27c: {  	v29 =	vsel vm0, $0x1, v0  }
0x27d: {  	(xrf0) =	vadd.scan.msk.s32 $0xffff, v29;
	v27 =	vadd.s32 v1, v27;
	_ =	sdelay $0x2  }
0x27e: {  	[tilespmem:s8+$0x1AAF0] =	vst.msk vm0, v26  }
0x27f: {  	[tilespmem:s8+$0x1B340] =	vst.msk vm0, v28  }
0x280: {  	v26 =	vld.idx.msk [tilespmem:v27+s25+$0x0], $0xffff  }
0x281: {  	v28, _, _ =	vpop (xrf0)  }
0x282: {  	(v2sf) =	vpush v28, $0xF;
	_ =	sdelay $0x2  }
0x283: {  	s13 =	simm.s32 $0x2  }
0x284: {  	s14 =	simm.s32 $0x3;
	s15 =	smul.u32 $0xCD, s13;
	s11 =	simm.s32 $0x10  }
.LBB2_38:
0x285: {  	p1 =	sne.s32 s14, $0x18;
	s3 =	smulhi.u32 $0xCCCCCCCD, s13;
	s13 =	smov.u32 s14  }
0x286: {  	s15 =	sshrl.u32 s15, $0xA;
	v28 =	vld.idx.msk [tilespmem:v26+s22+$0x0], $0xffff  }
0x287: {  	s3 =	sshrl.u32 s3, $0x2;
	s15 =	sand.u32 $0x3F, s15  }
0x288: {  	s3 =	smul.u32 $0x50, s3;
	v29 =	vmov s15  }
0x289: {  	s11 =	sadd.s32 $0x10, s11;
	v29 =	vmul.u32 $0x50, v29  }
0x28a: {  	s3 =	ssub.s32 s11, s3  }
0x28b: {  	v29 =	vadd.s32 s3, v29;
	v30 =	vld.idx.msk [tilespmem:v27+s24+$0x0], $0xffff  }
0x28c: {  	vm0 =	veq.s32 v28, $0x1;
	v27 =	vbroadcast v29, $0x0  }
0x28d: {  	v28 =	vsel vm0, $0x1, v0  }
0x28e: {  	v27 =	vadd.s32 v1, v27;
	(xrf0) =	vadd.scan.msk.s32 $0xffff, v28  }
0x28f: {  	s3 =	spop (v2sf)  }
0x290: {  	s8 =	sadd.s32 s8, s3  }
0x291: {  	[tilespmem:s8+$0x1AAF0] =	vst.msk vm0, v30  }
0x292: {  	[tilespmem:s8+$0x1B340] =	vst.msk vm0, v26  }
0x293: {  	v26 =	vld.idx.msk [tilespmem:v27+s25+$0x0], $0xffff  }
0x294: {  	v28, _, _ =	vpop (xrf0)  }
.Ltmp21:
0x295: {  	(v2sf) =	vpush v28, $0xF;
	(pc) =	sbr.rel @p1 .LBB2_38-.Ltmp21, $2  }
0x296: {  	_ =	sdelay $0x2  }
0x297: {  	s14 =	sadd.s32 $0x1, s14;
	s15 =	smul.u32 $0xCD, s13  }
0x298: {  	s3 =	smulhi.u32 $0xCCCCCCCD, s13  }
0x299: {  	s15 =	sshrl.u32 s15, $0xA  }
0x29a: {  	s3 =	sshrl.u32 s3, $0x2;
	s13 =	sand.u32 $0x3F, s15  }
0x29b: {  	s3 =	smul.u32 $0x50, s3;
	v28 =	vmov s13  }
0x29c: {  	s11 =	sadd.s32 $0x10, s11;
	v28 =	vmul.u32 $0x50, v28  }
0x29d: {  	s3 =	ssub.s32 s11, s3  }
0x29e: {  	v29 =	vld.idx.msk [tilespmem:v26+s22+$0x0], $0xffff;
	v28 =	vadd.s32 s3, v28  }
0x29f: {  	v27 =	vld.idx.msk [tilespmem:v27+s24+$0x0], $0xffff;
	v28 =	vbroadcast v28, $0x0;
	_ =	sdelay $0x1  }
0x2a0: {  	v28 =	vadd.s32 v1, v28  }
0x2a1: {  	s13 =	spop (v2sf)  }
0x2a2: {  	vm0 =	veq.s32 v29, $0x1;
	s3 =	sadd.s32 s8, s13  }
0x2a3: {  	[tilespmem:s3+$0x1AAF0] =	vst.msk vm0, v27  }
0x2a4: {  	[tilespmem:s3+$0x1B340] =	vst.msk vm0, v26  }
0x2a5: {  	v26 =	vld.idx.msk [tilespmem:v28+s25+$0x0], $0xffff;
	_ =	sdelay $0x7  }
0x2a6: {  	v27 =	vld.idx.msk [tilespmem:v26+s22+$0x0], $0xffff;
	_ =	sdelay $0x3  }
0x2a7: {  	v29 =	vsel vm0, $0x1, v0  }
0x2a8: {  	(xrf0) =	vadd.scan.msk.s32 $0xffff, v29;
	vm15 =	veq.s32 v27, $0x1  }
0x2a9: {  	v27 =	vsel vm15, $0x1, v0  }
0x2aa: {  	(xrf0) =	vadd.scan.msk.s32 $0xffff, v27;
	_ =	sdelay $0x3  }
0x2ab: {  	v27, _, _ =	vpop (xrf0)  }
0x2ac: {  	(v2sf) =	vpush v27, $0xF  }
0x2ad: {  	v27, _, _ =	vpop (xrf0)  }
0x2ae: {  	(v2sf) =	vpush v27, $0xF;
	_ =	sdelay $0x9  }
0x2af: {  	s6 =	sadd.s32 $0x1, s6;
	v27 =	vld.idx.msk [tilespmem:v28+s24+$0x0], $0xffff  }
0x2b0: {  	p1 =	sne.s32 s6, $0x5  }
.Ltmp22:
0x2b1: {  	_ = 	snop;
	(pc) =	sbr.rel @p1 .LBB2_37-.Ltmp22, $4  }
0x2b2: {  	s14 =	spop (v2sf)  }
0x2b3: {  	s3 =	sadd.s32 s3, s14  }
0x2b4: {  	[tilespmem:s3+$0x1AAF0] =	vst.msk vm15, v27;
	s15 =	spop (v2sf)  }
0x2b5: {  	[tilespmem:s3+$0x1B340] =	vst.msk vm15, v26;
	s8 =	sadd.s32 s3, s15  }
0x2b6: {  	[tilespmem:s8+$0x1AAF0] =	vst v0  }
0x2b7: {  	[tilespmem:s8+$0x1B340] =	vst v25  }
0x2b8: {  	[tilespmem:s8+$0x1AB00] =	vst v0  }
0x2b9: {  	[tilespmem:s8+$0x1B350] =	vst v25  }
0x2ba: {  	[tilespmem:s8+$0x1AB10] =	vst v0  }
0x2bb: {  	[tilespmem:s8+$0x1B360] =	vst v25  }
0x2bc: {  	[tilespmem:s8+$0x1AB20] =	vst v0  }
0x2bd: {  	[tilespmem:s8+$0x1B370] =	vst v25  }
0x2be: {  	[tilespmem:s8+$0x1AB30] =	vst v0;
	s3 =	sadd.s32 $0x7F, s8  }
0x2bf: {  	[tilespmem:s8+$0x1B380] =	vst v25;
	s11 =	sshrl.u32 s3, $0x7  }
0x2c0: {  	[tilespmem:s8+$0x1AB40] =	vst v0;
	p1 =	seq.s32 s11, $0x0  }
.Ltmp23:
0x2c1: {  	[tilespmem:s8+$0x1B390] =	vst v25;
	(pc) =	sbr.rel @p1 .LBB2_46-.Ltmp23, $4  }
0x2c2: {  	[tilespmem:s8+$0x1AB50] =	vst v0  }
0x2c3: {  	[tilespmem:s8+$0x1B3A0] =	vst v25  }
0x2c4: {  	[tilespmem:s8+$0x1AB60] =	vst v0  }
0x2c5: {  	[tilespmem:s8+$0x1B3B0] =	vst v25  }
0x2c6: {  	s6 =	sshll.u32 s11, $0x3;
	s7 =	simm.s32 $0x1B340  }
.LBB2_42:
0x2c7: {  	v26 =	vld [tilespmem:s7+$0x0];
	_ =	sdelay $0x4  }
0x2c8: {  	(xrf1) =	vunique.msk.u32 $0xffff, v26;
	_ =	sdelay $0xd  }
0x2c9: {  	vm1 =	vlt.s32 v26, $0x2800;
	_, v27, vm0 =	vpop (xrf1)  }
0x2ca: {  	vm0 =	vmand vm1, vm0  }
0x2cb: {  	p1 =	sne.s32 s6, $0x1  }
.Ltmp24:
0x2cc: {  	_ = 	snop;
	(pc) =	sbr.rel @p1 .LBB2_42-.Ltmp24, $2  }
0x2cd: {  	_ =	sdelay $0x2  }
0x2ce: {  	s7 =	sadd.s32 $0x10, s7;
	s6 =	sadd.s32 $0xFFFFFFFF, s6;
	[tilespmem:v26+s23+$0x0] =	vst.idx.add.s32.msk vm0, v27  }
0x2cf: {  	s6 =	simm.s32 $0x1B380  }
0x2d0: {  	v26 =	vld [tilespmem:s6+$0xFFFFFFC0];
	_ =	sdelay $0x4  }
0x2d1: {  	[tilespmem:$0x1BB90] =	vst v26  }
0x2d2: {  	v26 =	vld [tilespmem:s6+$0xFFFFFFD0];
	_ =	sdelay $0x4  }
0x2d3: {  	[tilespmem:$0x1BBA0] =	vst v26  }
0x2d4: {  	v26 =	vld [tilespmem:s6+$0xFFFFFFE0];
	_ =	sdelay $0x4  }
0x2d5: {  	[tilespmem:$0x1BBB0] =	vst v26  }
0x2d6: {  	v26 =	vld [tilespmem:s6+$0xFFFFFFF0];
	_ =	sdelay $0x4  }
0x2d7: {  	[tilespmem:$0x1BBC0] =	vst v26  }
0x2d8: {  	v26 =	vld [tilespmem:s6+$0x0];
	_ =	sdelay $0x4  }
0x2d9: {  	[tilespmem:$0x1BBD0] =	vst v26  }
0x2da: {  	v26 =	vld [tilespmem:s6+$0x10];
	_ =	sdelay $0x4  }
0x2db: {  	[tilespmem:$0x1BBE0] =	vst v26  }
0x2dc: {  	v26 =	vld [tilespmem:s6+$0x20];
	_ =	sdelay $0x4  }
0x2dd: {  	[tilespmem:$0x1BBF0] =	vst v26  }
0x2de: {  	v26 =	vld [tilespmem:s6+$0x30];
	_ =	sdelay $0x4  }
0x2df: {  	s7 =	simm.s32 $0x1AAF0;
	[tilespmem:$0x1BC00] =	vst v26  }
0x2e0: {  	[tilespmem:s28], [sflag:$0x1] =	stream.indirect.gather [hbm4b:s0+s26], $0x80, s7, s26, $0xb8;
	[tilespmem:$0x1FC10] =	vst v63  }
0x2e1: {  	p1 =	sne.s32 s11, $0x1;
	_ =	swait.ge [sflag:s29], $0x4000  }
.Ltmp25:
0x2e2: {  	[sflag:s29] =	ssyncset.done $0x0;
	(pc) =	sbr.rel @!p1 .LBB2_45-.Ltmp25, $4  }
0x2e3: {  	[sflag:s29] =	ssyncadd.s32 $0xFFFFC000  }
0x2e4: {  	[spmem:s2] =	stream.indirect.scatter.add.f32 [tilespmem:s28], [sflag:$0x2], $0x80, s30, s26, $0xb8;
	[tilespmem:$0x1FC10] =	vst v63  }
0x2e5: {  	_ =	swait.ge [sflag:s16], $0x4000  }
0x2e6: {  	s8 =	sadd.s32 $0xFFFFFFFF, s11;
	[sflag:s16] =	ssyncset.done $0x0  }
.LBB2_44:
0x2e7: {  	[sflag:s16] =	ssyncadd.s32 $0xFFFFC000;
	s7 =	sadd.s32 $0x80, s7;
	s6 =	sadd.s32 $0x80, s6  }
0x2e8: {  	p1 =	sne.s32 s8, $0x1;
	s8 =	sadd.s32 $0xFFFFFFFF, s8;
	v26 =	vld [tilespmem:s6+$0xFFFFFFC0];
	_ =	sdelay $0x4  }
0x2e9: {  	[tilespmem:$0x1BB90] =	vst v26  }
0x2ea: {  	v26 =	vld [tilespmem:s6+$0xFFFFFFD0];
	_ =	sdelay $0x4  }
0x2eb: {  	[tilespmem:$0x1BBA0] =	vst v26  }
0x2ec: {  	v26 =	vld [tilespmem:s6+$0xFFFFFFE0];
	_ =	sdelay $0x4  }
0x2ed: {  	[tilespmem:$0x1BBB0] =	vst v26  }
0x2ee: {  	v26 =	vld [tilespmem:s6+$0xFFFFFFF0];
	_ =	sdelay $0x4  }
0x2ef: {  	[tilespmem:$0x1BBC0] =	vst v26  }
0x2f0: {  	v26 =	vld [tilespmem:s6+$0x0];
	_ =	sdelay $0x4  }
0x2f1: {  	[tilespmem:$0x1BBD0] =	vst v26  }
0x2f2: {  	v26 =	vld [tilespmem:s6+$0x10];
	_ =	sdelay $0x4  }
0x2f3: {  	[tilespmem:$0x1BBE0] =	vst v26  }
0x2f4: {  	v26 =	vld [tilespmem:s6+$0x20];
	_ =	sdelay $0x4  }
0x2f5: {  	[tilespmem:$0x1BBF0] =	vst v26  }
0x2f6: {  	v26 =	vld [tilespmem:s6+$0x30];
	_ =	sdelay $0x4  }
0x2f7: {  	[tilespmem:$0x1BC00] =	vst v26  }
0x2f8: {  	[tilespmem:s28], [sflag:$0x1] =	stream.indirect.gather [hbm4b:s0+s26], $0x80, s7, s26, $0xb8;
	[tilespmem:$0x1FC10] =	vst v63  }
0x2f9: {  	_ =	swait.ge [sflag:s29], $0x4000  }
.Ltmp26:
0x2fa: {  	[sflag:s29] =	ssyncset.done $0x0;
	(pc) =	sbr.rel @p1 .LBB2_44-.Ltmp26, $4  }
0x2fb: {  	[sflag:s29] =	ssyncadd.s32 $0xFFFFC000  }
0x2fc: {  	[spmem:s2] =	stream.indirect.scatter.add.f32 [tilespmem:s28], [sflag:$0x2], $0x80, s30, s26, $0xb8;
	[tilespmem:$0x1FC10] =	vst v63  }
0x2fd: {  	_ =	swait.ge [sflag:s16], $0x4000  }
0x2fe: {  	[sflag:s16] =	ssyncset.done $0x0  }
.Ltmp27:
0x2ff: {  	_ = 	snop;
	(pc) =	sbr.rel .LBB2_45-.Ltmp27, $1  }
0x300: {  	_ =	sdelay $0x3  }
.LBB2_48:
0x301: {  	_ =	sfence.sel $0x180000  }
0x302: {  	[bflag:$0x0] =	sbarrier.arrive $0xFFFF  }
0x303: {  	_ =	strace $0x90000047  }
0x304: {  	s0 =	stileid.u32;
	[bflag:$0x2] =	sbarrier.arrive $0xFFFF  }
0x305: {  	p0 =	sne.s32 s0, $0x0;
	s0 =	rddreg [dreg:$0x7]  }
0x306: {  	s0 =	sadd.s32 @!p0 $0x100000, s0  }
0x307: {  	[sflag:s0] =	ssyncadd.tile.s32 @!p0 $0x1;
	_ =	shalt  }
.Lfunc_end2:
_tile_overlayer_lowered:
.L_overlay_start_2:
0x308: {  	(tag) =	ssettag $0x2  }
0x309: {  	s0 =	rddreg [dreg:$0x0];
	s2 =	stileid.u32  }
0x30a: {  	s1 =	rddreg [dreg:$0x1];
	p0 =	sne.s32 s2, $0x0  }
0x30b: {  	s3 =	rddreg [dreg:$0x2];
	[bflag:$0x3] =	sbarrier.arrive $0xFFFF;
	s2 =	simm.s32 @!p0 $0x1C02  }
0x30c: {  	[timem:s3], [sflag:s2] =	dma.local @!p0 [hbm:s0], s1  }
0x30d: {  	s0 =	simm.s32 @!p0 $0x2  }
0x30e: {  	_ =	swait.ge @!p0 [sflag:s0], s1  }
0x30f: {  	s1 =	ssub.s32 @!p0 $0x0, s1;
	[sflag:s0] =	ssyncset.done @!p0 $0x0  }
0x310: {  	[sflag:s0] =	ssyncadd.s32 @!p0 s1  }
0x311: {  	[bflag:$0x3] =	sbarrier.arrive $0xFFFF  }
0x312: {  	_ =	shalt  }

</sc_bundles>
